<compile_context>
chip_gen: v7x
topology: tpu7x:2x2x1
jax: 0.10.2.dev20260603
libtpu: 0.0.44.dev20260713+nightly
codegen_flags: <defaults>
</compile_context>

<pallas_src>
import jax
import jax.numpy as jnp
from jax import lax
from jax.experimental import pallas as pl
from jax.experimental.pallas import tpu as pltpu
from jax.experimental.pallas import tpu_sc as plsc

_B = 4096
_S = 200
_K = 4
_NC = 2
_NS = 16
_NW = _NC * _NS
_ROWS_W = _B // _NW
_HALVES = 2
_ROWS_H = _ROWS_W // _HALVES
_ELEMS_H = _ROWS_H * _S
_PAIRS_H = _ROWS_H // 2
_CHUNKS = (2 * _S) // 16
_L = 16
_IGNORED = -1


def _build_body(idx_hbm, xe_hbm, i0_hbm, i1_hbm, i2_hbm, i3_hbm,
                x_v, xe_v, tab_v, i0_v, i1_v, i2_v, i3_v, sem):
  wid = lax.axis_index("s") * _NC + lax.axis_index("c")

  pltpu.sync_copy(xe_hbm.at[pl.ds(wid * (_ROWS_W * 3), _ROWS_W * 3)], xe_v)

  iota = lax.iota(jnp.int32, _L)

  def tab_step(r, carry):
    words = (r * _L + iota) * 3 + 2
    strat = plsc.load_gather(xe_v, [words])
    tab_v[pl.ds(r * _L, _L)] = jnp.minimum(strat, _K - 1)
    return carry

  lax.fori_loop(0, _ROWS_W // _L, tab_step, 0)

  cols = [c * _L for c in range(_S // _L)] + [_S - _L]

  for h in range(_HALVES):
    row0 = wid * _ROWS_W + h * _ROWS_H
    pltpu.sync_copy(idx_hbm.at[pl.ds(row0, _ROWS_H), :], x_v)

    def row_step(r, carry, h=h):
      tb = plsc.load_gather(tab_v, [jnp.full((_L,), h * _ROWS_H, jnp.int32)
                                    + r])
      m0, m1, m2, m3 = tb == 0, tb == 1, tb == 2, tb == 3
      for col in cols:
        xi = x_v[r, pl.ds(col, _L)]
        sl = pl.ds(r * _S + col, _L)
        i0_v[sl] = jnp.where(m0, xi, _IGNORED)
        i1_v[sl] = jnp.where(m1, xi, _IGNORED)
        i2_v[sl] = jnp.where(m2, xi, _IGNORED)
        i3_v[sl] = jnp.where(m3, xi, _IGNORED)
      return carry

    lax.fori_loop(0, _ROWS_H, row_step, 0)

    dst = pl.ds(wid * (_ROWS_W * _S) + h * _ELEMS_H, _ELEMS_H)
    cps = [
        pltpu.async_copy(iv, ih.at[dst], sem)
        for iv, ih in ((i0_v, i0_hbm), (i1_v, i1_hbm),
                       (i2_v, i2_hbm), (i3_v, i3_hbm))
    ]
    for cp in cps:
      cp.wait()


def _gather_first_body(i_hbm, w_hbm, out_hbm, idx0_v, out0_v, idx1_v,
                       out1_v, sem0, sem1):
  wid = lax.axis_index("s") * _NC + lax.axis_index("c")
  srcs = [pl.ds(wid * (_ROWS_W * _S) + h * _ELEMS_H, _ELEMS_H)
          for h in range(_HALVES)]
  bufs = [(idx0_v, out0_v), (idx1_v, out1_v)]
  sems = [sem0, sem1]
  loads = [pltpu.async_copy(i_hbm.at[srcs[h]], bufs[h][0], sems[h])
           for h in range(_HALVES)]
  gathers = []
  for h in range(_HALVES):
    loads[h].wait()
    gathers.append(pltpu.async_copy(
        w_hbm.at[plsc.Indices(bufs[h][0], ignored_value=_IGNORED)],
        bufs[h][1], sems[h]))
  for h in range(_HALVES):
    gathers[h].wait()
    pltpu.sync_copy(bufs[h][1], out_hbm.at[srcs[h]])


def _gather_next_body(prev_hbm, i_hbm, w_hbm, out_hbm, idx0_v, out0_v,
                      idx1_v, out1_v, sem0, sem1):
  wid = lax.axis_index("s") * _NC + lax.axis_index("c")
  srcs = [pl.ds(wid * (_ROWS_W * _S) + h * _ELEMS_H, _ELEMS_H)
          for h in range(_HALVES)]
  bufs = [(idx0_v, out0_v), (idx1_v, out1_v)]
  sems = [sem0, sem1]
  loads = []
  for h in range(_HALVES):
    loads.append((
        pltpu.async_copy(prev_hbm.at[srcs[h]], bufs[h][1], sems[h]),
        pltpu.async_copy(i_hbm.at[srcs[h]], bufs[h][0], sems[h])))
  gathers = []
  for h in range(_HALVES):
    loads[h][0].wait()
    loads[h][1].wait()
    gathers.append(pltpu.async_copy(
        w_hbm.at[plsc.Indices(bufs[h][0], ignored_value=_IGNORED)],
        bufs[h][1], sems[h]))
  for h in range(_HALVES):
    gathers[h].wait()
    pltpu.sync_copy(bufs[h][1], out_hbm.at[srcs[h]])


@jax.jit
def _stratified_gather(idx_flat, xe_flat, w0, w1, w2, w3):
  mesh = plsc.VectorSubcoreMesh(
      core_axis_name="c", subcore_axis_name="s", num_cores=_NC,
      num_subcores=_NS)
  cp = pltpu.CompilerParams(needs_layout_passes=False)
  ibuf = jax.ShapeDtypeStruct((_B * _S,), jnp.int32)
  obuf = jax.ShapeDtypeStruct((_B * _S,), jnp.float32)
  build = pl.kernel(
      _build_body,
      out_type=(ibuf, ibuf, ibuf, ibuf),
      mesh=mesh,
      compiler_params=cp,
      scratch_types=[
          pltpu.VMEM((_ROWS_H, _S), jnp.int32),
          pltpu.VMEM((_ROWS_W * 3,), jnp.int32),
          pltpu.VMEM((_ROWS_W,), jnp.int32),
          pltpu.VMEM((_ELEMS_H,), jnp.int32),
          pltpu.VMEM((_ELEMS_H,), jnp.int32),
          pltpu.VMEM((_ELEMS_H,), jnp.int32),
          pltpu.VMEM((_ELEMS_H,), jnp.int32),
          pltpu.SemaphoreType.DMA,
      ],
  )
  i0, i1, i2, i3 = build(idx_flat, xe_flat)
  gscratch = [
      pltpu.VMEM((_ELEMS_H,), jnp.int32),
      pltpu.VMEM((_ELEMS_H,), jnp.float32),
      pltpu.VMEM((_ELEMS_H,), jnp.int32),
      pltpu.VMEM((_ELEMS_H,), jnp.float32),
      pltpu.SemaphoreType.DMA,
      pltpu.SemaphoreType.DMA,
  ]
  gfirst = pl.kernel(_gather_first_body, out_type=obuf, mesh=mesh,
                     compiler_params=cp, scratch_types=gscratch)
  gnext = pl.kernel(_gather_next_body, out_type=obuf, mesh=mesh,
                    compiler_params=cp, scratch_types=gscratch)
  out = gfirst(i0, w0)
  out = gnext(out, i1, w1)
  out = gnext(out, i2, w2)
  out = gnext(out, i3, w3)
  return out


def kernel(x, x_extra, W0, W1, W2, W3):
  idx = x[:, :, 0]
  out = _stratified_gather(
      idx, x_extra.reshape(-1), W0.reshape(-1), W1.reshape(-1),
      W2.reshape(-1), W3.reshape(-1))
  return out.reshape(_B, _S, 1)

# --- scband reference (transcript-rebuilt; emitter-appended) ---
"""Pipeline reference for scband-stratified-linear-2929167696670 (READ-ONLY COPY).

The authoritative reference and input builder live on the scoring server;
editing this copy changes nothing except your own understanding.
"""

import jax, jax.numpy as jnp
import numpy as np

NUM_ITEMS = 1000000
K = 4
B = 4096
S = 200

def setup_inputs(seed: int = 0):
    key = jax.random.key(seed)
    ks = jax.random.split(key, 2 + K)
    x = jax.random.randint(ks[0], (B, S, 2), 0, NUM_ITEMS)
    x_extra = jax.random.randint(ks[1], (B, 3), 0, K)
    inp = {'x': x, 'x_extra': x_extra}
    for i in range(K):
        W = jax.random.normal(ks[2 + i], (NUM_ITEMS + 1, 1), dtype=jnp.float32) / np.sqrt(NUM_ITEMS + 1)
        W = W.at[NUM_ITEMS].set(0.0)  # padding_idx row zeroed
        inp['W%d' % i] = W
    return inp

def reference(x, x_extra, W0, W1, W2, W3):
    # StratifiedLinear.forward with fixed_effects=True, linear_terms=False, context=False.
    # utilities[rows, :, :] = logits_table_i[x[rows, :, 0]] for stratum i; last table
    # handles strata >= K-1. Boolean row-assignment translated to masked select.
    tables = [W0, W1, W2, W3]
    idx = x[:, :, 0]
    strata = x_extra[:, 2]
    out = jnp.zeros((x.shape[0], x.shape[1], 1), dtype=jnp.float32)
    for i in range(K - 1):
        li = jnp.take(tables[i], idx, axis=0)
        out = jnp.where((strata == i)[:, None, None], li, out)
    li = jnp.take(tables[K - 1], idx, axis=0)
    out = jnp.where((strata >= K - 1)[:, None, None], li, out)
    return out

if __name__ == "__main__":
    import jax
    _d = setup_inputs()
    print(jax.jit(kernel)(*tuple(_d.values())))

</pallas_src>

<mosaic_0001>
#map = affine_map<(d0, d1) -> (0)>
module attributes {stable_mosaic.version = 14 : i64} {
  func.func @_gather_next_body(%arg0: i32, %arg1: i32, %arg2: memref<819200xf32, #tpu.memory_space<hbm>>, %arg3: memref<819200xi32, #tpu.memory_space<hbm>>, %arg4: memref<1000001xf32, #tpu.memory_space<hbm>>, %arg5: memref<819200xf32, #tpu.memory_space<hbm>>, %arg6: memref<12800xi32, #tpu.memory_space<vmem>>, %arg7: memref<12800xf32, #tpu.memory_space<vmem>>, %arg8: memref<12800xi32, #tpu.memory_space<vmem>>, %arg9: memref<12800xf32, #tpu.memory_space<vmem>>, %arg10: memref<!tpu.dma_semaphore, #tpu.memory_space<semaphore_mem>>, %arg11: memref<!tpu.dma_semaphore, #tpu.memory_space<semaphore_mem>>) attributes {dimension_semantics = [#tpu.dimension_semantics<core_parallel>, #tpu.dimension_semantics<subcore_parallel>], iteration_bounds = array<i64: 2, 16>, scalar_prefetch = 0 : i64, scratch_operands = 6 : i64, tpu.core_type = #tpu.core_type<sc_vector_subcore>, window_params = [{transform_indices = #map}, {transform_indices = #map}, {transform_indices = #map}, {transform_indices = #map}]} {
    %mul3A = arith.constant 2 : i32
    %mul3A_0 = arith.muli %arg1, %mul3A : i32
    %add3A = arith.addi %mul3A_0, %arg0 : i32
    %mul3A_1 = arith.constant 25600 : i32
    %mul3A_2 = arith.muli %add3A, %mul3A_1 : i32
    %add3A_3 = arith.constant 0 : i32
    %add3A_4 = arith.addi %mul3A_2, %add3A_3 : i32
    %mul3A_5 = arith.constant 25600 : i32
    %mul3A_6 = arith.muli %add3A, %mul3A_5 : i32
    %add3A_7 = arith.constant 12800 : i32
    %add3A_8 = arith.addi %mul3A_6, %add3A_7 : i32
    %dma_start3A = tpu.memref_slice %arg2[%add3A_4] : memref<819200xf32, #tpu.memory_space<hbm>> -> memref<12800xf32, #tpu.memory_space<hbm>>
    %dma_start3A_9 = tpu.memref_slice %arg2[%add3A_4] : memref<819200xf32, #tpu.memory_space<hbm>> -> memref<12800xf32, #tpu.memory_space<hbm>>
    tpu.enqueue_dma source(%dma_start3A_9 : memref<12800xf32, #tpu.memory_space<hbm>>) target(%arg7 : memref<12800xf32, #tpu.memory_space<vmem>>) target_semaphore(%arg10 : memref<!tpu.dma_semaphore, #tpu.memory_space<semaphore_mem>>)
    %dma_start3A_10 = tpu.memref_slice %arg3[%add3A_4] : memref<819200xi32, #tpu.memory_space<hbm>> -> memref<12800xi32, #tpu.memory_space<hbm>>
    %dma_start3A_11 = tpu.memref_slice %arg3[%add3A_4] : memref<819200xi32, #tpu.memory_space<hbm>> -> memref<12800xi32, #tpu.memory_space<hbm>>
    tpu.enqueue_dma source(%dma_start3A_11 : memref<12800xi32, #tpu.memory_space<hbm>>) target(%arg6 : memref<12800xi32, #tpu.memory_space<vmem>>) target_semaphore(%arg10 : memref<!tpu.dma_semaphore, #tpu.memory_space<semaphore_mem>>)
    %dma_start3A_12 = tpu.memref_slice %arg2[%add3A_8] : memref<819200xf32, #tpu.memory_space<hbm>> -> memref<12800xf32, #tpu.memory_space<hbm>>
    %dma_start3A_13 = tpu.memref_slice %arg2[%add3A_8] : memref<819200xf32, #tpu.memory_space<hbm>> -> memref<12800xf32, #tpu.memory_space<hbm>>
    tpu.enqueue_dma source(%dma_start3A_13 : memref<12800xf32, #tpu.memory_space<hbm>>) target(%arg9 : memref<12800xf32, #tpu.memory_space<vmem>>) target_semaphore(%arg11 : memref<!tpu.dma_semaphore, #tpu.memory_space<semaphore_mem>>)
    %dma_start3A_14 = tpu.memref_slice %arg3[%add3A_8] : memref<819200xi32, #tpu.memory_space<hbm>> -> memref<12800xi32, #tpu.memory_space<hbm>>
    %dma_start3A_15 = tpu.memref_slice %arg3[%add3A_8] : memref<819200xi32, #tpu.memory_space<hbm>> -> memref<12800xi32, #tpu.memory_space<hbm>>
    tpu.enqueue_dma source(%dma_start3A_15 : memref<12800xi32, #tpu.memory_space<hbm>>) target(%arg8 : memref<12800xi32, #tpu.memory_space<vmem>>) target_semaphore(%arg11 : memref<!tpu.dma_semaphore, #tpu.memory_space<semaphore_mem>>)
    %dma_wait3A = tpu.memref_slice %arg2[%add3A_4] : memref<819200xf32, #tpu.memory_space<hbm>> -> memref<12800xf32, #tpu.memory_space<hbm>>
    %dma_wait3A_16 = tpu.memref_slice %arg2[%add3A_4] : memref<819200xf32, #tpu.memory_space<hbm>> -> memref<12800xf32, #tpu.memory_space<hbm>>
    tpu.wait_dma2 semaphore(%arg10 : memref<!tpu.dma_semaphore, #tpu.memory_space<semaphore_mem>>) src(%dma_wait3A_16 : memref<12800xf32, #tpu.memory_space<hbm>>) dst(%arg7 : memref<12800xf32, #tpu.memory_space<vmem>>)
    %dma_wait3A_17 = tpu.memref_slice %arg3[%add3A_4] : memref<819200xi32, #tpu.memory_space<hbm>> -> memref<12800xi32, #tpu.memory_space<hbm>>
    %dma_wait3A_18 = tpu.memref_slice %arg3[%add3A_4] : memref<819200xi32, #tpu.memory_space<hbm>> -> memref<12800xi32, #tpu.memory_space<hbm>>
    tpu.wait_dma2 semaphore(%arg10 : memref<!tpu.dma_semaphore, #tpu.memory_space<semaphore_mem>>) src(%dma_wait3A_18 : memref<12800xi32, #tpu.memory_space<hbm>>) dst(%arg6 : memref<12800xi32, #tpu.memory_space<vmem>>)
    %dma_start3A_19 = arith.constant 0 : i32
    %dma_start3A_20 = tpu.memref_slice %arg4[%dma_start3A_19] : memref<1000001xf32, #tpu.memory_space<hbm>> -> memref<1000001xf32, #tpu.memory_space<hbm>>
    %dma_start3A_21 = arith.constant -1 : i32
    tpu.enqueue_indirect_dma source(%dma_start3A_20 : memref<1000001xf32, #tpu.memory_space<hbm>>) target(%arg7 : memref<12800xf32, #tpu.memory_space<vmem>>) offsets(%arg6 : memref<12800xi32, #tpu.memory_space<vmem>>) offset_filter(%dma_start3A_21) semaphore(%arg10 : memref<!tpu.dma_semaphore, #tpu.memory_space<semaphore_mem>>)
    %dma_wait3A_22 = tpu.memref_slice %arg2[%add3A_8] : memref<819200xf32, #tpu.memory_space<hbm>> -> memref<12800xf32, #tpu.memory_space<hbm>>
    %dma_wait3A_23 = tpu.memref_slice %arg2[%add3A_8] : memref<819200xf32, #tpu.memory_space<hbm>> -> memref<12800xf32, #tpu.memory_space<hbm>>
    tpu.wait_dma2 semaphore(%arg11 : memref<!tpu.dma_semaphore, #tpu.memory_space<semaphore_mem>>) src(%dma_wait3A_23 : memref<12800xf32, #tpu.memory_space<hbm>>) dst(%arg9 : memref<12800xf32, #tpu.memory_space<vmem>>)
    %dma_wait3A_24 = tpu.memref_slice %arg3[%add3A_8] : memref<819200xi32, #tpu.memory_space<hbm>> -> memref<12800xi32, #tpu.memory_space<hbm>>
    %dma_wait3A_25 = tpu.memref_slice %arg3[%add3A_8] : memref<819200xi32, #tpu.memory_space<hbm>> -> memref<12800xi32, #tpu.memory_space<hbm>>
    tpu.wait_dma2 semaphore(%arg11 : memref<!tpu.dma_semaphore, #tpu.memory_space<semaphore_mem>>) src(%dma_wait3A_25 : memref<12800xi32, #tpu.memory_space<hbm>>) dst(%arg8 : memref<12800xi32, #tpu.memory_space<vmem>>)
    %dma_start3A_26 = arith.constant 0 : i32
    %dma_start3A_27 = tpu.memref_slice %arg4[%dma_start3A_26] : memref<1000001xf32, #tpu.memory_space<hbm>> -> memref<1000001xf32, #tpu.memory_space<hbm>>
    %dma_start3A_28 = arith.constant -1 : i32
    tpu.enqueue_indirect_dma source(%dma_start3A_27 : memref<1000001xf32, #tpu.memory_space<hbm>>) target(%arg9 : memref<12800xf32, #tpu.memory_space<vmem>>) offsets(%arg8 : memref<12800xi32, #tpu.memory_space<vmem>>) offset_filter(%dma_start3A_28) semaphore(%arg11 : memref<!tpu.dma_semaphore, #tpu.memory_space<semaphore_mem>>)
    %dma_wait3A_29 = arith.constant 0 : i32
    %dma_wait3A_30 = tpu.memref_slice %arg4[%dma_wait3A_29] : memref<1000001xf32, #tpu.memory_space<hbm>> -> memref<1000001xf32, #tpu.memory_space<hbm>>
    tpu.wait_indirect_dma semaphore(%arg10 : memref<!tpu.dma_semaphore, #tpu.memory_space<semaphore_mem>>) src(%dma_wait3A_30 : memref<1000001xf32, #tpu.memory_space<hbm>>) dst(%arg7 : memref<12800xf32, #tpu.memory_space<vmem>>)
    "tpu.region"() ({
      %run_scoped3A = tpu.sem_alloc : memref<!tpu.dma_semaphore, #tpu.memory_space<semaphore_mem>>
      %dma_start3A_33 = tpu.memref_slice %arg5[%add3A_4] : memref<819200xf32, #tpu.memory_space<hbm>> -> memref<12800xf32, #tpu.memory_space<hbm>>
      %dma_start3A_34 = tpu.memref_slice %arg5[%add3A_4] : memref<819200xf32, #tpu.memory_space<hbm>> -> memref<12800xf32, #tpu.memory_space<hbm>>
      tpu.enqueue_dma source(%arg7 : memref<12800xf32, #tpu.memory_space<vmem>>) target(%dma_start3A_34 : memref<12800xf32, #tpu.memory_space<hbm>>) target_semaphore(%run_scoped3A : memref<!tpu.dma_semaphore, #tpu.memory_space<semaphore_mem>>)
      %dma_wait3A_35 = tpu.memref_slice %arg5[%add3A_4] : memref<819200xf32, #tpu.memory_space<hbm>> -> memref<12800xf32, #tpu.memory_space<hbm>>
      %dma_wait3A_36 = tpu.memref_slice %arg5[%add3A_4] : memref<819200xf32, #tpu.memory_space<hbm>> -> memref<12800xf32, #tpu.memory_space<hbm>>
      tpu.wait_dma2 semaphore(%run_scoped3A : memref<!tpu.dma_semaphore, #tpu.memory_space<semaphore_mem>>) src(%arg7 : memref<12800xf32, #tpu.memory_space<vmem>>) dst(%dma_wait3A_36 : memref<12800xf32, #tpu.memory_space<hbm>>)
      tpu.yield
    }) : () -> ()
    %dma_wait3A_31 = arith.constant 0 : i32
    %dma_wait3A_32 = tpu.memref_slice %arg4[%dma_wait3A_31] : memref<1000001xf32, #tpu.memory_space<hbm>> -> memref<1000001xf32, #tpu.memory_space<hbm>>
    tpu.wait_indirect_dma semaphore(%arg11 : memref<!tpu.dma_semaphore, #tpu.memory_space<semaphore_mem>>) src(%dma_wait3A_32 : memref<1000001xf32, #tpu.memory_space<hbm>>) dst(%arg9 : memref<12800xf32, #tpu.memory_space<vmem>>)
    "tpu.region"() ({
      %run_scoped3A = tpu.sem_alloc : memref<!tpu.dma_semaphore, #tpu.memory_space<semaphore_mem>>
      %dma_start3A_33 = tpu.memref_slice %arg5[%add3A_8] : memref<819200xf32, #tpu.memory_space<hbm>> -> memref<12800xf32, #tpu.memory_space<hbm>>
      %dma_start3A_34 = tpu.memref_slice %arg5[%add3A_8] : memref<819200xf32, #tpu.memory_space<hbm>> -> memref<12800xf32, #tpu.memory_space<hbm>>
      tpu.enqueue_dma source(%arg9 : memref<12800xf32, #tpu.memory_space<vmem>>) target(%dma_start3A_34 : memref<12800xf32, #tpu.memory_space<hbm>>) target_semaphore(%run_scoped3A : memref<!tpu.dma_semaphore, #tpu.memory_space<semaphore_mem>>)
      %dma_wait3A_35 = tpu.memref_slice %arg5[%add3A_8] : memref<819200xf32, #tpu.memory_space<hbm>> -> memref<12800xf32, #tpu.memory_space<hbm>>
      %dma_wait3A_36 = tpu.memref_slice %arg5[%add3A_8] : memref<819200xf32, #tpu.memory_space<hbm>> -> memref<12800xf32, #tpu.memory_space<hbm>>
      tpu.wait_dma2 semaphore(%run_scoped3A : memref<!tpu.dma_semaphore, #tpu.memory_space<semaphore_mem>>) src(%arg9 : memref<12800xf32, #tpu.memory_space<vmem>>) dst(%dma_wait3A_36 : memref<12800xf32, #tpu.memory_space<hbm>>)
      tpu.yield
    }) : () -> ()
    return
  }
}

#map = affine_map<(d0, d1) -> (0, 0)>
#map1 = affine_map<(d0, d1) -> (0)>
module attributes {stable_mosaic.version = 14 : i64} {
  func.func @_build_body(%arg0: i32, %arg1: i32, %arg2: memref<4096x200xi32, #tpu.memory_space<hbm>>, %arg3: memref<12288xi32, #tpu.memory_space<hbm>>, %arg4: memref<819200xi32, #tpu.memory_space<hbm>>, %arg5: memref<819200xi32, #tpu.memory_space<hbm>>, %arg6: memref<819200xi32, #tpu.memory_space<hbm>>, %arg7: memref<819200xi32, #tpu.memory_space<hbm>>, %arg8: memref<64x200xi32, #tpu.memory_space<vmem>>, %arg9: memref<384xi32, #tpu.memory_space<vmem>>, %arg10: memref<128xi32, #tpu.memory_space<vmem>>, %arg11: memref<12800xi32, #tpu.memory_space<vmem>>, %arg12: memref<12800xi32, #tpu.memory_space<vmem>>, %arg13: memref<12800xi32, #tpu.memory_space<vmem>>, %arg14: memref<12800xi32, #tpu.memory_space<vmem>>, %arg15: memref<!tpu.dma_semaphore, #tpu.memory_space<semaphore_mem>>) attributes {dimension_semantics = [#tpu.dimension_semantics<core_parallel>, #tpu.dimension_semantics<subcore_parallel>], iteration_bounds = array<i64: 2, 16>, scalar_prefetch = 0 : i64, scratch_operands = 8 : i64, tpu.core_type = #tpu.core_type<sc_vector_subcore>, window_params = [{transform_indices = #map}, {transform_indices = #map1}, {transform_indices = #map1}, {transform_indices = #map1}, {transform_indices = #map1}, {transform_indices = #map1}]} {
    %mul3A = arith.constant 2 : i32
    %mul3A_0 = arith.muli %arg1, %mul3A : i32
    %add3A = arith.addi %mul3A_0, %arg0 : i32
    %mul3A_1 = arith.constant 384 : i32
    %mul3A_2 = arith.muli %add3A, %mul3A_1 : i32
    "tpu.region"() ({
      %run_scoped3A = tpu.sem_alloc : memref<!tpu.dma_semaphore, #tpu.memory_space<semaphore_mem>>
      %dma_start3A_66 = tpu.memref_slice %arg3[%mul3A_2] : memref<12288xi32, #tpu.memory_space<hbm>> -> memref<384xi32, #tpu.memory_space<hbm>>
      %dma_start3A_67 = tpu.memref_slice %arg3[%mul3A_2] : memref<12288xi32, #tpu.memory_space<hbm>> -> memref<384xi32, #tpu.memory_space<hbm>>
      tpu.enqueue_dma source(%dma_start3A_67 : memref<384xi32, #tpu.memory_space<hbm>>) target(%arg9 : memref<384xi32, #tpu.memory_space<vmem>>) target_semaphore(%run_scoped3A : memref<!tpu.dma_semaphore, #tpu.memory_space<semaphore_mem>>)
      %dma_wait3A_68 = tpu.memref_slice %arg3[%mul3A_2] : memref<12288xi32, #tpu.memory_space<hbm>> -> memref<384xi32, #tpu.memory_space<hbm>>
      %dma_wait3A_69 = tpu.memref_slice %arg3[%mul3A_2] : memref<12288xi32, #tpu.memory_space<hbm>> -> memref<384xi32, #tpu.memory_space<hbm>>
      tpu.wait_dma2 semaphore(%run_scoped3A : memref<!tpu.dma_semaphore, #tpu.memory_space<semaphore_mem>>) src(%dma_wait3A_69 : memref<384xi32, #tpu.memory_space<hbm>>) dst(%arg9 : memref<384xi32, #tpu.memory_space<vmem>>)
      tpu.yield
    }) : () -> ()
    %iota3A = tpu.iota {dimensions = array<i32: 0>} : vector<16xi32>
    %scan3A = arith.constant 0 : i32
    %scan3A_3 = arith.constant 0 : i32
    %scan3A_4 = arith.constant 8 : i32
    %scan3A_5 = arith.addi %scan3A_3, %scan3A_4 : i32
    %scan3A_6 = arith.constant 1 : i32
    scf.for %scan3A_66 = %scan3A_3 to %scan3A_5 step %scan3A_6  : i32 {
      %mul3A_67 = arith.constant 16 : i32
      %mul3A_68 = arith.muli %scan3A_66, %mul3A_67 : i32
      %add3A_69 = vector.broadcast %mul3A_68 : i32 to vector<16xi32>
      %add3A_70 = arith.addi %add3A_69, %iota3A : vector<16xi32>
      %mul3A_71 = arith.constant 3 : i32
      %mul3A_72 = vector.broadcast %mul3A_71 : i32 to vector<16xi32>
      %mul3A_73 = arith.muli %add3A_70, %mul3A_72 : vector<16xi32>
      %add3A_74 = arith.constant 2 : i32
      %add3A_75 = vector.broadcast %add3A_74 : i32 to vector<16xi32>
      %add3A_76 = arith.addi %mul3A_73, %add3A_75 : vector<16xi32>
      %gather3A = tpu.vector_load_idx %arg9[%add3A_76] : memref<384xi32, #tpu.memory_space<vmem>>[vector<16xi32>], vector<16xi32>,
      %min3A = arith.constant 3 : i32
      %min3A_77 = vector.broadcast %min3A : i32 to vector<16xi32>
      %min3A_78 = arith.minsi %gather3A, %min3A_77 : vector<16xi32>
      %mul3A_79 = arith.constant 16 : i32
      %mul3A_80 = arith.muli %scan3A_66, %mul3A_79 : i32
      %swap3A = arith.index_cast %mul3A_80 : i32 to index
      %swap3A_81 = tpu.vector_load %arg10[%swap3A] {strides = array<i32>} : memref<128xi32, #tpu.memory_space<vmem>>, vector<16xi32>,
      tpu.vector_store %arg10[%swap3A], %min3A_78 {strides = array<i32>} : memref<128xi32, #tpu.memory_space<vmem>>, vector<16xi32>,
    }
    %scan3A_7 = arith.constant 8 : i32
    %mul3A_8 = arith.constant 128 : i32
    %mul3A_9 = arith.muli %add3A, %mul3A_8 : i32
    %add3A_10 = arith.constant 0 : i32
    %add3A_11 = arith.addi %mul3A_9, %add3A_10 : i32
    "tpu.region"() ({
      %run_scoped3A = tpu.sem_alloc : memref<!tpu.dma_semaphore, #tpu.memory_space<semaphore_mem>>
      %dma_start3A_66 = arith.constant 0 : i32
      %dma_start3A_67 = tpu.memref_slice %arg2[%add3A_11, %dma_start3A_66] : memref<4096x200xi32, #tpu.memory_space<hbm>> -> memref<64x200xi32, #tpu.memory_space<hbm>>
      %dma_start3A_68 = arith.constant 0 : i32
      %dma_start3A_69 = tpu.memref_slice %arg2[%add3A_11, %dma_start3A_68] : memref<4096x200xi32, #tpu.memory_space<hbm>> -> memref<64x200xi32, #tpu.memory_space<hbm>>
      tpu.enqueue_dma source(%dma_start3A_69 : memref<64x200xi32, #tpu.memory_space<hbm>>) target(%arg8 : memref<64x200xi32, #tpu.memory_space<vmem>>) target_semaphore(%run_scoped3A : memref<!tpu.dma_semaphore, #tpu.memory_space<semaphore_mem>>)
      %dma_wait3A_70 = arith.constant 0 : i32
      %dma_wait3A_71 = tpu.memref_slice %arg2[%add3A_11, %dma_wait3A_70] : memref<4096x200xi32, #tpu.memory_space<hbm>> -> memref<64x200xi32, #tpu.memory_space<hbm>>
      %dma_wait3A_72 = arith.constant 0 : i32
      %dma_wait3A_73 = tpu.memref_slice %arg2[%add3A_11, %dma_wait3A_72] : memref<4096x200xi32, #tpu.memory_space<hbm>> -> memref<64x200xi32, #tpu.memory_space<hbm>>
      tpu.wait_dma2 semaphore(%run_scoped3A : memref<!tpu.dma_semaphore, #tpu.memory_space<semaphore_mem>>) src(%dma_wait3A_73 : memref<64x200xi32, #tpu.memory_space<hbm>>) dst(%arg8 : memref<64x200xi32, #tpu.memory_space<vmem>>)
      tpu.yield
    }) : () -> ()
    %scan3A_12 = arith.constant 0 : i32
    %scan3A_13 = arith.constant 0 : i32
    %scan3A_14 = arith.constant 64 : i32
    %scan3A_15 = arith.addi %scan3A_13, %scan3A_14 : i32
    %scan3A_16 = arith.constant 1 : i32
    scf.for %scan3A_66 = %scan3A_13 to %scan3A_15 step %scan3A_16  : i32 {
      %broadcast_in_dim3A = arith.constant 0 : i32
      %broadcast_in_dim3A_67 = vector.broadcast %broadcast_in_dim3A : i32 to vector<16xi32>
      %add3A_68 = vector.broadcast %scan3A_66 : i32 to vector<16xi32>
      %add3A_69 = arith.addi %broadcast_in_dim3A_67, %add3A_68 : vector<16xi32>
      %gather3A = tpu.vector_load_idx %arg10[%add3A_69] : memref<128xi32, #tpu.memory_space<vmem>>[vector<16xi32>], vector<16xi32>,
      %eq3A = arith.constant 0 : i32
      %eq3A_70 = vector.broadcast %eq3A : i32 to vector<16xi32>
      %eq3A_71 = arith.cmpi eq, %gather3A, %eq3A_70 : vector<16xi32>
      %eq3A_72 = arith.constant 1 : i32
      %eq3A_73 = vector.broadcast %eq3A_72 : i32 to vector<16xi32>
      %eq3A_74 = arith.cmpi eq, %gather3A, %eq3A_73 : vector<16xi32>
      %eq3A_75 = arith.constant 2 : i32
      %eq3A_76 = vector.broadcast %eq3A_75 : i32 to vector<16xi32>
      %eq3A_77 = arith.cmpi eq, %gather3A, %eq3A_76 : vector<16xi32>
      %eq3A_78 = arith.constant 3 : i32
      %eq3A_79 = vector.broadcast %eq3A_78 : i32 to vector<16xi32>
      %eq3A_80 = arith.cmpi eq, %gather3A, %eq3A_79 : vector<16xi32>
      %get3A = arith.index_cast %scan3A_66 : i32 to index
      %get3A_81 = arith.constant 0 : index
      %get3A_82 = tpu.vector_load %arg8[%get3A, %get3A_81] {strides = array<i32>} : memref<64x200xi32, #tpu.memory_space<vmem>>, vector<16xi32>,
      %mul3A_83 = arith.constant 200 : i32
      %mul3A_84 = arith.muli %scan3A_66, %mul3A_83 : i32
      %add3A_85 = arith.constant 0 : i32
      %add3A_86 = arith.addi %mul3A_84, %add3A_85 : i32
      %jit3A = arith.constant -1 : i32
      %broadcast_in_dim3A_87 = vector.broadcast %jit3A : i32 to vector<16xi32>
      %select_n3A = arith.select %eq3A_71, %get3A_82, %broadcast_in_dim3A_87 : vector<16xi1>, vector<16xi32>
      %swap3A = arith.index_cast %add3A_86 : i32 to index
      %swap3A_88 = tpu.vector_load %arg11[%swap3A] {strides = array<i32>} : memref<12800xi32, #tpu.memory_space<vmem>>, vector<16xi32>,
      tpu.vector_store %arg11[%swap3A], %select_n3A {strides = array<i32>} : memref<12800xi32, #tpu.memory_space<vmem>>, vector<16xi32>,
      %jit3A_89 = arith.constant -1 : i32
      %broadcast_in_dim3A_90 = vector.broadcast %jit3A_89 : i32 to vector<16xi32>
      %select_n3A_91 = arith.select %eq3A_74, %get3A_82, %broadcast_in_dim3A_90 : vector<16xi1>, vector<16xi32>
      %swap3A_92 = arith.index_cast %add3A_86 : i32 to index
      %swap3A_93 = tpu.vector_load %arg12[%swap3A_92] {strides = array<i32>} : memref<12800xi32, #tpu.memory_space<vmem>>, vector<16xi32>,
      tpu.vector_store %arg12[%swap3A_92], %select_n3A_91 {strides = array<i32>} : memref<12800xi32, #tpu.memory_space<vmem>>, vector<16xi32>,
      %jit3A_94 = arith.constant -1 : i32
      %broadcast_in_dim3A_95 = vector.broadcast %jit3A_94 : i32 to vector<16xi32>
      %select_n3A_96 = arith.select %eq3A_77, %get3A_82, %broadcast_in_dim3A_95 : vector<16xi1>, vector<16xi32>
      %swap3A_97 = arith.index_cast %add3A_86 : i32 to index
      %swap3A_98 = tpu.vector_load %arg13[%swap3A_97] {strides = array<i32>} : memref<12800xi32, #tpu.memory_space<vmem>>, vector<16xi32>,
      tpu.vector_store %arg13[%swap3A_97], %select_n3A_96 {strides = array<i32>} : memref<12800xi32, #tpu.memory_space<vmem>>, vector<16xi32>,
      %jit3A_99 = arith.constant -1 : i32
      %broadcast_in_dim3A_100 = vector.broadcast %jit3A_99 : i32 to vector<16xi32>
      %select_n3A_101 = arith.select %eq3A_80, %get3A_82, %broadcast_in_dim3A_100 : vector<16xi1>, vector<16xi32>
      %swap3A_102 = arith.index_cast %add3A_86 : i32 to index
      %swap3A_103 = tpu.vector_load %arg14[%swap3A_102] {strides = array<i32>} : memref<12800xi32, #tpu.memory_space<vmem>>, vector<16xi32>,
      tpu.vector_store %arg14[%swap3A_102], %select_n3A_101 {strides = array<i32>} : memref<12800xi32, #tpu.memory_space<vmem>>, vector<16xi32>,
      %get3A_104 = arith.index_cast %scan3A_66 : i32 to index
      %get3A_105 = arith.constant 16 : index
      %get3A_106 = tpu.vector_load %arg8[%get3A_104, %get3A_105] {strides = array<i32>} : memref<64x200xi32, #tpu.memory_space<vmem>>, vector<16xi32>,
      %mul3A_107 = arith.constant 200 : i32
      %mul3A_108 = arith.muli %scan3A_66, %mul3A_107 : i32
      %add3A_109 = arith.constant 16 : i32
      %add3A_110 = arith.addi %mul3A_108, %add3A_109 : i32
      %jit3A_111 = arith.constant -1 : i32
      %broadcast_in_dim3A_112 = vector.broadcast %jit3A_111 : i32 to vector<16xi32>
      %select_n3A_113 = arith.select %eq3A_71, %get3A_106, %broadcast_in_dim3A_112 : vector<16xi1>, vector<16xi32>
      %swap3A_114 = arith.index_cast %add3A_110 : i32 to index
      %swap3A_115 = tpu.vector_load %arg11[%swap3A_114] {strides = array<i32>} : memref<12800xi32, #tpu.memory_space<vmem>>, vector<16xi32>,
      tpu.vector_store %arg11[%swap3A_114], %select_n3A_113 {strides = array<i32>} : memref<12800xi32, #tpu.memory_space<vmem>>, vector<16xi32>,
      %jit3A_116 = arith.constant -1 : i32
      %broadcast_in_dim3A_117 = vector.broadcast %jit3A_116 : i32 to vector<16xi32>
      %select_n3A_118 = arith.select %eq3A_74, %get3A_106, %broadcast_in_dim3A_117 : vector<16xi1>, vector<16xi32>
      %swap3A_119 = arith.index_cast %add3A_110 : i32 to index
      %swap3A_120 = tpu.vector_load %arg12[%swap3A_119] {strides = array<i32>} : memref<12800xi32, #tpu.memory_space<vmem>>, vector<16xi32>,
      tpu.vector_store %arg12[%swap3A_119], %select_n3A_118 {strides = array<i32>} : memref<12800xi32, #tpu.memory_space<vmem>>, vector<16xi32>,
      %jit3A_121 = arith.constant -1 : i32
      %broadcast_in_dim3A_122 = vector.broadcast %jit3A_121 : i32 to vector<16xi32>
      %select_n3A_123 = arith.select %eq3A_77, %get3A_106, %broadcast_in_dim3A_122 : vector<16xi1>, vector<16xi32>
      %swap3A_124 = arith.index_cast %add3A_110 : i32 to index
      %swap3A_125 = tpu.vector_load %arg13[%swap3A_124] {strides = array<i32>} : memref<12800xi32, #tpu.memory_space<vmem>>, vector<16xi32>,
      tpu.vector_store %arg13[%swap3A_124], %select_n3A_123 {strides = array<i32>} : memref<12800xi32, #tpu.memory_space<vmem>>, vector<16xi32>,
      %jit3A_126 = arith.constant -1 : i32
      %broadcast_in_dim3A_127 = vector.broadcast %jit3A_126 : i32 to vector<16xi32>
      %select_n3A_128 = arith.select %eq3A_80, %get3A_106, %broadcast_in_dim3A_127 : vector<16xi1>, vector<16xi32>
      %swap3A_129 = arith.index_cast %add3A_110 : i32 to index
      %swap3A_130 = tpu.vector_load %arg14[%swap3A_129] {strides = array<i32>} : memref<12800xi32, #tpu.memory_space<vmem>>, vector<16xi32>,
      tpu.vector_store %arg14[%swap3A_129], %select_n3A_128 {strides = array<i32>} : memref<12800xi32, #tpu.memory_space<vmem>>, vector<16xi32>,
      %get3A_131 = arith.index_cast %scan3A_66 : i32 to index
      %get3A_132 = arith.constant 32 : index
      %get3A_133 = tpu.vector_load %arg8[%get3A_131, %get3A_132] {strides = array<i32>} : memref<64x200xi32, #tpu.memory_space<vmem>>, vector<16xi32>,
      %mul3A_134 = arith.constant 200 : i32
      %mul3A_135 = arith.muli %scan3A_66, %mul3A_134 : i32
      %add3A_136 = arith.constant 32 : i32
      %add3A_137 = arith.addi %mul3A_135, %add3A_136 : i32
      %jit3A_138 = arith.constant -1 : i32
      %broadcast_in_dim3A_139 = vector.broadcast %jit3A_138 : i32 to vector<16xi32>
      %select_n3A_140 = arith.select %eq3A_71, %get3A_133, %broadcast_in_dim3A_139 : vector<16xi1>, vector<16xi32>
      %swap3A_141 = arith.index_cast %add3A_137 : i32 to index
      %swap3A_142 = tpu.vector_load %arg11[%swap3A_141] {strides = array<i32>} : memref<12800xi32, #tpu.memory_space<vmem>>, vector<16xi32>,
      tpu.vector_store %arg11[%swap3A_141], %select_n3A_140 {strides = array<i32>} : memref<12800xi32, #tpu.memory_space<vmem>>, vector<16xi32>,
      %jit3A_143 = arith.constant -1 : i32
      %broadcast_in_dim3A_144 = vector.broadcast %jit3A_143 : i32 to vector<16xi32>
      %select_n3A_145 = arith.select %eq3A_74, %get3A_133, %broadcast_in_dim3A_144 : vector<16xi1>, vector<16xi32>
      %swap3A_146 = arith.index_cast %add3A_137 : i32 to index
      %swap3A_147 = tpu.vector_load %arg12[%swap3A_146] {strides = array<i32>} : memref<12800xi32, #tpu.memory_space<vmem>>, vector<16xi32>,
      tpu.vector_store %arg12[%swap3A_146], %select_n3A_145 {strides = array<i32>} : memref<12800xi32, #tpu.memory_space<vmem>>, vector<16xi32>,
      %jit3A_148 = arith.constant -1 : i32
      %broadcast_in_dim3A_149 = vector.broadcast %jit3A_148 : i32 to vector<16xi32>
      %select_n3A_150 = arith.select %eq3A_77, %get3A_133, %broadcast_in_dim3A_149 : vector<16xi1>, vector<16xi32>
      %swap3A_151 = arith.index_cast %add3A_137 : i32 to index
      %swap3A_152 = tpu.vector_load %arg13[%swap3A_151] {strides = array<i32>} : memref<12800xi32, #tpu.memory_space<vmem>>, vector<16xi32>,
      tpu.vector_store %arg13[%swap3A_151], %select_n3A_150 {strides = array<i32>} : memref<12800xi32, #tpu.memory_space<vmem>>, vector<16xi32>,
      %jit3A_153 = arith.constant -1 : i32
      %broadcast_in_dim3A_154 = vector.broadcast %jit3A_153 : i32 to vector<16xi32>
      %select_n3A_155 = arith.select %eq3A_80, %get3A_133, %broadcast_in_dim3A_154 : vector<16xi1>, vector<16xi32>
      %swap3A_156 = arith.index_cast %add3A_137 : i32 to index
      %swap3A_157 = tpu.vector_load %arg14[%swap3A_156] {strides = array<i32>} : memref<12800xi32, #tpu.memory_space<vmem>>, vector<16xi32>,
      tpu.vector_store %arg14[%swap3A_156], %select_n3A_155 {strides = array<i32>} : memref<12800xi32, #tpu.memory_space<vmem>>, vector<16xi32>,
      %get3A_158 = arith.index_cast %scan3A_66 : i32 to index
      %get3A_159 = arith.constant 48 : index
      %get3A_160 = tpu.vector_load %arg8[%get3A_158, %get3A_159] {strides = array<i32>} : memref<64x200xi32, #tpu.memory_space<vmem>>, vector<16xi32>,
      %mul3A_161 = arith.constant 200 : i32
      %mul3A_162 = arith.muli %scan3A_66, %mul3A_161 : i32
      %add3A_163 = arith.constant 48 : i32
      %add3A_164 = arith.addi %mul3A_162, %add3A_163 : i32
      %jit3A_165 = arith.constant -1 : i32
      %broadcast_in_dim3A_166 = vector.broadcast %jit3A_165 : i32 to vector<16xi32>
      %select_n3A_167 = arith.select %eq3A_71, %get3A_160, %broadcast_in_dim3A_166 : vector<16xi1>, vector<16xi32>
      %swap3A_168 = arith.index_cast %add3A_164 : i32 to index
      %swap3A_169 = tpu.vector_load %arg11[%swap3A_168] {strides = array<i32>} : memref<12800xi32, #tpu.memory_space<vmem>>, vector<16xi32>,
      tpu.vector_store %arg11[%swap3A_168], %select_n3A_167 {strides = array<i32>} : memref<12800xi32, #tpu.memory_space<vmem>>, vector<16xi32>,
      %jit3A_170 = arith.constant -1 : i32
      %broadcast_in_dim3A_171 = vector.broadcast %jit3A_170 : i32 to vector<16xi32>
      %select_n3A_172 = arith.select %eq3A_74, %get3A_160, %broadcast_in_dim3A_171 : vector<16xi1>, vector<16xi32>
      %swap3A_173 = arith.index_cast %add3A_164 : i32 to index
      %swap3A_174 = tpu.vector_load %arg12[%swap3A_173] {strides = array<i32>} : memref<12800xi32, #tpu.memory_space<vmem>>, vector<16xi32>,
      tpu.vector_store %arg12[%swap3A_173], %select_n3A_172 {strides = array<i32>} : memref<12800xi32, #tpu.memory_space<vmem>>, vector<16xi32>,
      %jit3A_175 = arith.constant -1 : i32
      %broadcast_in_dim3A_176 = vector.broadcast %jit3A_175 : i32 to vector<16xi32>
      %select_n3A_177 = arith.select %eq3A_77, %get3A_160, %broadcast_in_dim3A_176 : vector<16xi1>, vector<16xi32>
      %swap3A_178 = arith.index_cast %add3A_164 : i32 to index
      %swap3A_179 = tpu.vector_load %arg13[%swap3A_178] {strides = array<i32>} : memref<12800xi32, #tpu.memory_space<vmem>>, vector<16xi32>,
      tpu.vector_store %arg13[%swap3A_178], %select_n3A_177 {strides = array<i32>} : memref<12800xi32, #tpu.memory_space<vmem>>, vector<16xi32>,
      %jit3A_180 = arith.constant -1 : i32
      %broadcast_in_dim3A_181 = vector.broadcast %jit3A_180 : i32 to vector<16xi32>
      %select_n3A_182 = arith.select %eq3A_80, %get3A_160, %broadcast_in_dim3A_181 : vector<16xi1>, vector<16xi32>
      %swap3A_183 = arith.index_cast %add3A_164 : i32 to index
      %swap3A_184 = tpu.vector_load %arg14[%swap3A_183] {strides = array<i32>} : memref<12800xi32, #tpu.memory_space<vmem>>, vector<16xi32>,
      tpu.vector_store %arg14[%swap3A_183], %select_n3A_182 {strides = array<i32>} : memref<12800xi32, #tpu.memory_space<vmem>>, vector<16xi32>,
      %get3A_185 = arith.index_cast %scan3A_66 : i32 to index
      %get3A_186 = arith.constant 64 : index
      %get3A_187 = tpu.vector_load %arg8[%get3A_185, %get3A_186] {strides = array<i32>} : memref<64x200xi32, #tpu.memory_space<vmem>>, vector<16xi32>,
      %mul3A_188 = arith.constant 200 : i32
      %mul3A_189 = arith.muli %scan3A_66, %mul3A_188 : i32
      %add3A_190 = arith.constant 64 : i32
      %add3A_191 = arith.addi %mul3A_189, %add3A_190 : i32
      %jit3A_192 = arith.constant -1 : i32
      %broadcast_in_dim3A_193 = vector.broadcast %jit3A_192 : i32 to vector<16xi32>
      %select_n3A_194 = arith.select %eq3A_71, %get3A_187, %broadcast_in_dim3A_193 : vector<16xi1>, vector<16xi32>
      %swap3A_195 = arith.index_cast %add3A_191 : i32 to index
      %swap3A_196 = tpu.vector_load %arg11[%swap3A_195] {strides = array<i32>} : memref<12800xi32, #tpu.memory_space<vmem>>, vector<16xi32>,
      tpu.vector_store %arg11[%swap3A_195], %select_n3A_194 {strides = array<i32>} : memref<12800xi32, #tpu.memory_space<vmem>>, vector<16xi32>,
      %jit3A_197 = arith.constant -1 : i32
      %broadcast_in_dim3A_198 = vector.broadcast %jit3A_197 : i32 to vector<16xi32>
      %select_n3A_199 = arith.select %eq3A_74, %get3A_187, %broadcast_in_dim3A_198 : vector<16xi1>, vector<16xi32>
      %swap3A_200 = arith.index_cast %add3A_191 : i32 to index
      %swap3A_201 = tpu.vector_load %arg12[%swap3A_200] {strides = array<i32>} : memref<12800xi32, #tpu.memory_space<vmem>>, vector<16xi32>,
      tpu.vector_store %arg12[%swap3A_200], %select_n3A_199 {strides = array<i32>} : memref<12800xi32, #tpu.memory_space<vmem>>, vector<16xi32>,
      %jit3A_202 = arith.constant -1 : i32
      %broadcast_in_dim3A_203 = vector.broadcast %jit3A_202 : i32 to vector<16xi32>
      %select_n3A_204 = arith.select %eq3A_77, %get3A_187, %broadcast_in_dim3A_203 : vector<16xi1>, vector<16xi32>
      %swap3A_205 = arith.index_cast %add3A_191 : i32 to index
      %swap3A_206 = tpu.vector_load %arg13[%swap3A_205] {strides = array<i32>} : memref<12800xi32, #tpu.memory_space<vmem>>, vector<16xi32>,
      tpu.vector_store %arg13[%swap3A_205], %select_n3A_204 {strides = array<i32>} : memref<12800xi32, #tpu.memory_space<vmem>>, vector<16xi32>,
      %jit3A_207 = arith.constant -1 : i32
      %broadcast_in_dim3A_208 = vector.broadcast %jit3A_207 : i32 to vector<16xi32>
      %select_n3A_209 = arith.select %eq3A_80, %get3A_187, %broadcast_in_dim3A_208 : vector<16xi1>, vector<16xi32>
      %swap3A_210 = arith.index_cast %add3A_191 : i32 to index
      %swap3A_211 = tpu.vector_load %arg14[%swap3A_210] {strides = array<i32>} : memref<12800xi32, #tpu.memory_space<vmem>>, vector<16xi32>,
      tpu.vector_store %arg14[%swap3A_210], %select_n3A_209 {strides = array<i32>} : memref<12800xi32, #tpu.memory_space<vmem>>, vector<16xi32>,
      %get3A_212 = arith.index_cast %scan3A_66 : i32 to index
      %get3A_213 = arith.constant 80 : index
      %get3A_214 = tpu.vector_load %arg8[%get3A_212, %get3A_213] {strides = array<i32>} : memref<64x200xi32, #tpu.memory_space<vmem>>, vector<16xi32>,
      %mul3A_215 = arith.constant 200 : i32
      %mul3A_216 = arith.muli %scan3A_66, %mul3A_215 : i32
      %add3A_217 = arith.constant 80 : i32
      %add3A_218 = arith.addi %mul3A_216, %add3A_217 : i32
      %jit3A_219 = arith.constant -1 : i32
      %broadcast_in_dim3A_220 = vector.broadcast %jit3A_219 : i32 to vector<16xi32>
      %select_n3A_221 = arith.select %eq3A_71, %get3A_214, %broadcast_in_dim3A_220 : vector<16xi1>, vector<16xi32>
      %swap3A_222 = arith.index_cast %add3A_218 : i32 to index
      %swap3A_223 = tpu.vector_load %arg11[%swap3A_222] {strides = array<i32>} : memref<12800xi32, #tpu.memory_space<vmem>>, vector<16xi32>,
      tpu.vector_store %arg11[%swap3A_222], %select_n3A_221 {strides = array<i32>} : memref<12800xi32, #tpu.memory_space<vmem>>, vector<16xi32>,
      %jit3A_224 = arith.constant -1 : i32
      %broadcast_in_dim3A_225 = vector.broadcast %jit3A_224 : i32 to vector<16xi32>
      %select_n3A_226 = arith.select %eq3A_74, %get3A_214, %broadcast_in_dim3A_225 : vector<16xi1>, vector<16xi32>
      %swap3A_227 = arith.index_cast %add3A_218 : i32 to index
      %swap3A_228 = tpu.vector_load %arg12[%swap3A_227] {strides = array<i32>} : memref<12800xi32, #tpu.memory_space<vmem>>, vector<16xi32>,
      tpu.vector_store %arg12[%swap3A_227], %select_n3A_226 {strides = array<i32>} : memref<12800xi32, #tpu.memory_space<vmem>>, vector<16xi32>,
      %jit3A_229 = arith.constant -1 : i32
      %broadcast_in_dim3A_230 = vector.broadcast %jit3A_229 : i32 to vector<16xi32>
      %select_n3A_231 = arith.select %eq3A_77, %get3A_214, %broadcast_in_dim3A_230 : vector<16xi1>, vector<16xi32>
      %swap3A_232 = arith.index_cast %add3A_218 : i32 to index
      %swap3A_233 = tpu.vector_load %arg13[%swap3A_232] {strides = array<i32>} : memref<12800xi32, #tpu.memory_space<vmem>>, vector<16xi32>,
      tpu.vector_store %arg13[%swap3A_232], %select_n3A_231 {strides = array<i32>} : memref<12800xi32, #tpu.memory_space<vmem>>, vector<16xi32>,
      %jit3A_234 = arith.constant -1 : i32
      %broadcast_in_dim3A_235 = vector.broadcast %jit3A_234 : i32 to vector<16xi32>
      %select_n3A_236 = arith.select %eq3A_80, %get3A_214, %broadcast_in_dim3A_235 : vector<16xi1>, vector<16xi32>
      %swap3A_237 = arith.index_cast %add3A_218 : i32 to index
      %swap3A_238 = tpu.vector_load %arg14[%swap3A_237] {strides = array<i32>} : memref<12800xi32, #tpu.memory_space<vmem>>, vector<16xi32>,
      tpu.vector_store %arg14[%swap3A_237], %select_n3A_236 {strides = array<i32>} : memref<12800xi32, #tpu.memory_space<vmem>>, vector<16xi32>,
      %get3A_239 = arith.index_cast %scan3A_66 : i32 to index
      %get3A_240 = arith.constant 96 : index
      %get3A_241 = tpu.vector_load %arg8[%get3A_239, %get3A_240] {strides = array<i32>} : memref<64x200xi32, #tpu.memory_space<vmem>>, vector<16xi32>,
      %mul3A_242 = arith.constant 200 : i32
      %mul3A_243 = arith.muli %scan3A_66, %mul3A_242 : i32
      %add3A_244 = arith.constant 96 : i32
      %add3A_245 = arith.addi %mul3A_243, %add3A_244 : i32
      %jit3A_246 = arith.constant -1 : i32
      %broadcast_in_dim3A_247 = vector.broadcast %jit3A_246 : i32 to vector<16xi32>
      %select_n3A_248 = arith.select %eq3A_71, %get3A_241, %broadcast_in_dim3A_247 : vector<16xi1>, vector<16xi32>
      %swap3A_249 = arith.index_cast %add3A_245 : i32 to index
      %swap3A_250 = tpu.vector_load %arg11[%swap3A_249] {strides = array<i32>} : memref<12800xi32, #tpu.memory_space<vmem>>, vector<16xi32>,
      tpu.vector_store %arg11[%swap3A_249], %select_n3A_248 {strides = array<i32>} : memref<12800xi32, #tpu.memory_space<vmem>>, vector<16xi32>,
      %jit3A_251 = arith.constant -1 : i32
      %broadcast_in_dim3A_252 = vector.broadcast %jit3A_251 : i32 to vector<16xi32>
      %select_n3A_253 = arith.select %eq3A_74, %get3A_241, %broadcast_in_dim3A_252 : vector<16xi1>, vector<16xi32>
      %swap3A_254 = arith.index_cast %add3A_245 : i32 to index
      %swap3A_255 = tpu.vector_load %arg12[%swap3A_254] {strides = array<i32>} : memref<12800xi32, #tpu.memory_space<vmem>>, vector<16xi32>,
      tpu.vector_store %arg12[%swap3A_254], %select_n3A_253 {strides = array<i32>} : memref<12800xi32, #tpu.memory_space<vmem>>, vector<16xi32>,
      %jit3A_256 = arith.constant -1 : i32
      %broadcast_in_dim3A_257 = vector.broadcast %jit3A_256 : i32 to vector<16xi32>
      %select_n3A_258 = arith.select %eq3A_77, %get3A_241, %broadcast_in_dim3A_257 : vector<16xi1>, vector<16xi32>
      %swap3A_259 = arith.index_cast %add3A_245 : i32 to index
      %swap3A_260 = tpu.vector_load %arg13[%swap3A_259] {strides = array<i32>} : memref<12800xi32, #tpu.memory_space<vmem>>, vector<16xi32>,
      tpu.vector_store %arg13[%swap3A_259], %select_n3A_258 {strides = array<i32>} : memref<12800xi32, #tpu.memory_space<vmem>>, vector<16xi32>,
      %jit3A_261 = arith.constant -1 : i32
      %broadcast_in_dim3A_262 = vector.broadcast %jit3A_261 : i32 to vector<16xi32>
      %select_n3A_263 = arith.select %eq3A_80, %get3A_241, %broadcast_in_dim3A_262 : vector<16xi1>, vector<16xi32>
      %swap3A_264 = arith.index_cast %add3A_245 : i32 to index
      %swap3A_265 = tpu.vector_load %arg14[%swap3A_264] {strides = array<i32>} : memref<12800xi32, #tpu.memory_space<vmem>>, vector<16xi32>,
      tpu.vector_store %arg14[%swap3A_264], %select_n3A_263 {strides = array<i32>} : memref<12800xi32, #tpu.memory_space<vmem>>, vector<16xi32>,
      %get3A_266 = arith.index_cast %scan3A_66 : i32 to index
      %get3A_267 = arith.constant 112 : index
      %get3A_268 = tpu.vector_load %arg8[%get3A_266, %get3A_267] {strides = array<i32>} : memref<64x200xi32, #tpu.memory_space<vmem>>, vector<16xi32>,
      %mul3A_269 = arith.constant 200 : i32
      %mul3A_270 = arith.muli %scan3A_66, %mul3A_269 : i32
      %add3A_271 = arith.constant 112 : i32
      %add3A_272 = arith.addi %mul3A_270, %add3A_271 : i32
      %jit3A_273 = arith.constant -1 : i32
      %broadcast_in_dim3A_274 = vector.broadcast %jit3A_273 : i32 to vector<16xi32>
      %select_n3A_275 = arith.select %eq3A_71, %get3A_268, %broadcast_in_dim3A_274 : vector<16xi1>, vector<16xi32>
      %swap3A_276 = arith.index_cast %add3A_272 : i32 to index
      %swap3A_277 = tpu.vector_load %arg11[%swap3A_276] {strides = array<i32>} : memref<12800xi32, #tpu.memory_space<vmem>>, vector<16xi32>,
      tpu.vector_store %arg11[%swap3A_276], %select_n3A_275 {strides = array<i32>} : memref<12800xi32, #tpu.memory_space<vmem>>, vector<16xi32>,
      %jit3A_278 = arith.constant -1 : i32
      %broadcast_in_dim3A_279 = vector.broadcast %jit3A_278 : i32 to vector<16xi32>
      %select_n3A_280 = arith.select %eq3A_74, %get3A_268, %broadcast_in_dim3A_279 : vector<16xi1>, vector<16xi32>
      %swap3A_281 = arith.index_cast %add3A_272 : i32 to index
      %swap3A_282 = tpu.vector_load %arg12[%swap3A_281] {strides = array<i32>} : memref<12800xi32, #tpu.memory_space<vmem>>, vector<16xi32>,
      tpu.vector_store %arg12[%swap3A_281], %select_n3A_280 {strides = array<i32>} : memref<12800xi32, #tpu.memory_space<vmem>>, vector<16xi32>,
      %jit3A_283 = arith.constant -1 : i32
      %broadcast_in_dim3A_284 = vector.broadcast %jit3A_283 : i32 to vector<16xi32>
      %select_n3A_285 = arith.select %eq3A_77, %get3A_268, %broadcast_in_dim3A_284 : vector<16xi1>, vector<16xi32>
      %swap3A_286 = arith.index_cast %add3A_272 : i32 to index
      %swap3A_287 = tpu.vector_load %arg13[%swap3A_286] {strides = array<i32>} : memref<12800xi32, #tpu.memory_space<vmem>>, vector<16xi32>,
      tpu.vector_store %arg13[%swap3A_286], %select_n3A_285 {strides = array<i32>} : memref<12800xi32, #tpu.memory_space<vmem>>, vector<16xi32>,
      %jit3A_288 = arith.constant -1 : i32
      %broadcast_in_dim3A_289 = vector.broadcast %jit3A_288 : i32 to vector<16xi32>
      %select_n3A_290 = arith.select %eq3A_80, %get3A_268, %broadcast_in_dim3A_289 : vector<16xi1>, vector<16xi32>
      %swap3A_291 = arith.index_cast %add3A_272 : i32 to index
      %swap3A_292 = tpu.vector_load %arg14[%swap3A_291] {strides = array<i32>} : memref<12800xi32, #tpu.memory_space<vmem>>, vector<16xi32>,
      tpu.vector_store %arg14[%swap3A_291], %select_n3A_290 {strides = array<i32>} : memref<12800xi32, #tpu.memory_space<vmem>>, vector<16xi32>,
      %get3A_293 = arith.index_cast %scan3A_66 : i32 to index
      %get3A_294 = arith.constant 128 : index
      %get3A_295 = tpu.vector_load %arg8[%get3A_293, %get3A_294] {strides = array<i32>} : memref<64x200xi32, #tpu.memory_space<vmem>>, vector<16xi32>,
      %mul3A_296 = arith.constant 200 : i32
      %mul3A_297 = arith.muli %scan3A_66, %mul3A_296 : i32
      %add3A_298 = arith.constant 128 : i32
      %add3A_299 = arith.addi %mul3A_297, %add3A_298 : i32
      %jit3A_300 = arith.constant -1 : i32
      %broadcast_in_dim3A_301 = vector.broadcast %jit3A_300 : i32 to vector<16xi32>
      %select_n3A_302 = arith.select %eq3A_71, %get3A_295, %broadcast_in_dim3A_301 : vector<16xi1>, vector<16xi32>
      %swap3A_303 = arith.index_cast %add3A_299 : i32 to index
      %swap3A_304 = tpu.vector_load %arg11[%swap3A_303] {strides = array<i32>} : memref<12800xi32, #tpu.memory_space<vmem>>, vector<16xi32>,
      tpu.vector_store %arg11[%swap3A_303], %select_n3A_302 {strides = array<i32>} : memref<12800xi32, #tpu.memory_space<vmem>>, vector<16xi32>,
      %jit3A_305 = arith.constant -1 : i32
      %broadcast_in_dim3A_306 = vector.broadcast %jit3A_305 : i32 to vector<16xi32>
      %select_n3A_307 = arith.select %eq3A_74, %get3A_295, %broadcast_in_dim3A_306 : vector<16xi1>, vector<16xi32>
      %swap3A_308 = arith.index_cast %add3A_299 : i32 to index
      %swap3A_309 = tpu.vector_load %arg12[%swap3A_308] {strides = array<i32>} : memref<12800xi32, #tpu.memory_space<vmem>>, vector<16xi32>,
      tpu.vector_store %arg12[%swap3A_308], %select_n3A_307 {strides = array<i32>} : memref<12800xi32, #tpu.memory_space<vmem>>, vector<16xi32>,
      %jit3A_310 = arith.constant -1 : i32
      %broadcast_in_dim3A_311 = vector.broadcast %jit3A_310 : i32 to vector<16xi32>
      %select_n3A_312 = arith.select %eq3A_77, %get3A_295, %broadcast_in_dim3A_311 : vector<16xi1>, vector<16xi32>
      %swap3A_313 = arith.index_cast %add3A_299 : i32 to index
      %swap3A_314 = tpu.vector_load %arg13[%swap3A_313] {strides = array<i32>} : memref<12800xi32, #tpu.memory_space<vmem>>, vector<16xi32>,
      tpu.vector_store %arg13[%swap3A_313], %select_n3A_312 {strides = array<i32>} : memref<12800xi32, #tpu.memory_space<vmem>>, vector<16xi32>,
      %jit3A_315 = arith.constant -1 : i32
      %broadcast_in_dim3A_316 = vector.broadcast %jit3A_315 : i32 to vector<16xi32>
      %select_n3A_317 = arith.select %eq3A_80, %get3A_295, %broadcast_in_dim3A_316 : vector<16xi1>, vector<16xi32>
      %swap3A_318 = arith.index_cast %add3A_299 : i32 to index
      %swap3A_319 = tpu.vector_load %arg14[%swap3A_318] {strides = array<i32>} : memref<12800xi32, #tpu.memory_space<vmem>>, vector<16xi32>,
      tpu.vector_store %arg14[%swap3A_318], %select_n3A_317 {strides = array<i32>} : memref<12800xi32, #tpu.memory_space<vmem>>, vector<16xi32>,
      %get3A_320 = arith.index_cast %scan3A_66 : i32 to index
      %get3A_321 = arith.constant 144 : index
      %get3A_322 = tpu.vector_load %arg8[%get3A_320, %get3A_321] {strides = array<i32>} : memref<64x200xi32, #tpu.memory_space<vmem>>, vector<16xi32>,
      %mul3A_323 = arith.constant 200 : i32
      %mul3A_324 = arith.muli %scan3A_66, %mul3A_323 : i32
      %add3A_325 = arith.constant 144 : i32
      %add3A_326 = arith.addi %mul3A_324, %add3A_325 : i32
      %jit3A_327 = arith.constant -1 : i32
      %broadcast_in_dim3A_328 = vector.broadcast %jit3A_327 : i32 to vector<16xi32>
      %select_n3A_329 = arith.select %eq3A_71, %get3A_322, %broadcast_in_dim3A_328 : vector<16xi1>, vector<16xi32>
      %swap3A_330 = arith.index_cast %add3A_326 : i32 to index
      %swap3A_331 = tpu.vector_load %arg11[%swap3A_330] {strides = array<i32>} : memref<12800xi32, #tpu.memory_space<vmem>>, vector<16xi32>,
      tpu.vector_store %arg11[%swap3A_330], %select_n3A_329 {strides = array<i32>} : memref<12800xi32, #tpu.memory_space<vmem>>, vector<16xi32>,
      %jit3A_332 = arith.constant -1 : i32
      %broadcast_in_dim3A_333 = vector.broadcast %jit3A_332 : i32 to vector<16xi32>
      %select_n3A_334 = arith.select %eq3A_74, %get3A_322, %broadcast_in_dim3A_333 : vector<16xi1>, vector<16xi32>
      %swap3A_335 = arith.index_cast %add3A_326 : i32 to index
      %swap3A_336 = tpu.vector_load %arg12[%swap3A_335] {strides = array<i32>} : memref<12800xi32, #tpu.memory_space<vmem>>, vector<16xi32>,
      tpu.vector_store %arg12[%swap3A_335], %select_n3A_334 {strides = array<i32>} : memref<12800xi32, #tpu.memory_space<vmem>>, vector<16xi32>,
      %jit3A_337 = arith.constant -1 : i32
      %broadcast_in_dim3A_338 = vector.broadcast %jit3A_337 : i32 to vector<16xi32>
      %select_n3A_339 = arith.select %eq3A_77, %get3A_322, %broadcast_in_dim3A_338 : vector<16xi1>, vector<16xi32>
      %swap3A_340 = arith.index_cast %add3A_326 : i32 to index
      %swap3A_341 = tpu.vector_load %arg13[%swap3A_340] {strides = array<i32>} : memref<12800xi32, #tpu.memory_space<vmem>>, vector<16xi32>,
      tpu.vector_store %arg13[%swap3A_340], %select_n3A_339 {strides = array<i32>} : memref<12800xi32, #tpu.memory_space<vmem>>, vector<16xi32>,
      %jit3A_342 = arith.constant -1 : i32
      %broadcast_in_dim3A_343 = vector.broadcast %jit3A_342 : i32 to vector<16xi32>
      %select_n3A_344 = arith.select %eq3A_80, %get3A_322, %broadcast_in_dim3A_343 : vector<16xi1>, vector<16xi32>
      %swap3A_345 = arith.index_cast %add3A_326 : i32 to index
      %swap3A_346 = tpu.vector_load %arg14[%swap3A_345] {strides = array<i32>} : memref<12800xi32, #tpu.memory_space<vmem>>, vector<16xi32>,
      tpu.vector_store %arg14[%swap3A_345], %select_n3A_344 {strides = array<i32>} : memref<12800xi32, #tpu.memory_space<vmem>>, vector<16xi32>,
      %get3A_347 = arith.index_cast %scan3A_66 : i32 to index
      %get3A_348 = arith.constant 160 : index
      %get3A_349 = tpu.vector_load %arg8[%get3A_347, %get3A_348] {strides = array<i32>} : memref<64x200xi32, #tpu.memory_space<vmem>>, vector<16xi32>,
      %mul3A_350 = arith.constant 200 : i32
      %mul3A_351 = arith.muli %scan3A_66, %mul3A_350 : i32
      %add3A_352 = arith.constant 160 : i32
      %add3A_353 = arith.addi %mul3A_351, %add3A_352 : i32
      %jit3A_354 = arith.constant -1 : i32
      %broadcast_in_dim3A_355 = vector.broadcast %jit3A_354 : i32 to vector<16xi32>
      %select_n3A_356 = arith.select %eq3A_71, %get3A_349, %broadcast_in_dim3A_355 : vector<16xi1>, vector<16xi32>
      %swap3A_357 = arith.index_cast %add3A_353 : i32 to index
      %swap3A_358 = tpu.vector_load %arg11[%swap3A_357] {strides = array<i32>} : memref<12800xi32, #tpu.memory_space<vmem>>, vector<16xi32>,
      tpu.vector_store %arg11[%swap3A_357], %select_n3A_356 {strides = array<i32>} : memref<12800xi32, #tpu.memory_space<vmem>>, vector<16xi32>,
      %jit3A_359 = arith.constant -1 : i32
      %broadcast_in_dim3A_360 = vector.broadcast %jit3A_359 : i32 to vector<16xi32>
      %select_n3A_361 = arith.select %eq3A_74, %get3A_349, %broadcast_in_dim3A_360 : vector<16xi1>, vector<16xi32>
      %swap3A_362 = arith.index_cast %add3A_353 : i32 to index
      %swap3A_363 = tpu.vector_load %arg12[%swap3A_362] {strides = array<i32>} : memref<12800xi32, #tpu.memory_space<vmem>>, vector<16xi32>,
      tpu.vector_store %arg12[%swap3A_362], %select_n3A_361 {strides = array<i32>} : memref<12800xi32, #tpu.memory_space<vmem>>, vector<16xi32>,
      %jit3A_364 = arith.constant -1 : i32
      %broadcast_in_dim3A_365 = vector.broadcast %jit3A_364 : i32 to vector<16xi32>
      %select_n3A_366 = arith.select %eq3A_77, %get3A_349, %broadcast_in_dim3A_365 : vector<16xi1>, vector<16xi32>
      %swap3A_367 = arith.index_cast %add3A_353 : i32 to index
      %swap3A_368 = tpu.vector_load %arg13[%swap3A_367] {strides = array<i32>} : memref<12800xi32, #tpu.memory_space<vmem>>, vector<16xi32>,
      tpu.vector_store %arg13[%swap3A_367], %select_n3A_366 {strides = array<i32>} : memref<12800xi32, #tpu.memory_space<vmem>>, vector<16xi32>,
      %jit3A_369 = arith.constant -1 : i32
      %broadcast_in_dim3A_370 = vector.broadcast %jit3A_369 : i32 to vector<16xi32>
      %select_n3A_371 = arith.select %eq3A_80, %get3A_349, %broadcast_in_dim3A_370 : vector<16xi1>, vector<16xi32>
      %swap3A_372 = arith.index_cast %add3A_353 : i32 to index
      %swap3A_373 = tpu.vector_load %arg14[%swap3A_372] {strides = array<i32>} : memref<12800xi32, #tpu.memory_space<vmem>>, vector<16xi32>,
      tpu.vector_store %arg14[%swap3A_372], %select_n3A_371 {strides = array<i32>} : memref<12800xi32, #tpu.memory_space<vmem>>, vector<16xi32>,
      %get3A_374 = arith.index_cast %scan3A_66 : i32 to index
      %get3A_375 = arith.constant 176 : index
      %get3A_376 = tpu.vector_load %arg8[%get3A_374, %get3A_375] {strides = array<i32>} : memref<64x200xi32, #tpu.memory_space<vmem>>, vector<16xi32>,
      %mul3A_377 = arith.constant 200 : i32
      %mul3A_378 = arith.muli %scan3A_66, %mul3A_377 : i32
      %add3A_379 = arith.constant 176 : i32
      %add3A_380 = arith.addi %mul3A_378, %add3A_379 : i32
      %jit3A_381 = arith.constant -1 : i32
      %broadcast_in_dim3A_382 = vector.broadcast %jit3A_381 : i32 to vector<16xi32>
      %select_n3A_383 = arith.select %eq3A_71, %get3A_376, %broadcast_in_dim3A_382 : vector<16xi1>, vector<16xi32>
      %swap3A_384 = arith.index_cast %add3A_380 : i32 to index
      %swap3A_385 = tpu.vector_load %arg11[%swap3A_384] {strides = array<i32>} : memref<12800xi32, #tpu.memory_space<vmem>>, vector<16xi32>,
      tpu.vector_store %arg11[%swap3A_384], %select_n3A_383 {strides = array<i32>} : memref<12800xi32, #tpu.memory_space<vmem>>, vector<16xi32>,
      %jit3A_386 = arith.constant -1 : i32
      %broadcast_in_dim3A_387 = vector.broadcast %jit3A_386 : i32 to vector<16xi32>
      %select_n3A_388 = arith.select %eq3A_74, %get3A_376, %broadcast_in_dim3A_387 : vector<16xi1>, vector<16xi32>
      %swap3A_389 = arith.index_cast %add3A_380 : i32 to index
      %swap3A_390 = tpu.vector_load %arg12[%swap3A_389] {strides = array<i32>} : memref<12800xi32, #tpu.memory_space<vmem>>, vector<16xi32>,
      tpu.vector_store %arg12[%swap3A_389], %select_n3A_388 {strides = array<i32>} : memref<12800xi32, #tpu.memory_space<vmem>>, vector<16xi32>,
      %jit3A_391 = arith.constant -1 : i32
      %broadcast_in_dim3A_392 = vector.broadcast %jit3A_391 : i32 to vector<16xi32>
      %select_n3A_393 = arith.select %eq3A_77, %get3A_376, %broadcast_in_dim3A_392 : vector<16xi1>, vector<16xi32>
      %swap3A_394 = arith.index_cast %add3A_380 : i32 to index
      %swap3A_395 = tpu.vector_load %arg13[%swap3A_394] {strides = array<i32>} : memref<12800xi32, #tpu.memory_space<vmem>>, vector<16xi32>,
      tpu.vector_store %arg13[%swap3A_394], %select_n3A_393 {strides = array<i32>} : memref<12800xi32, #tpu.memory_space<vmem>>, vector<16xi32>,
      %jit3A_396 = arith.constant -1 : i32
      %broadcast_in_dim3A_397 = vector.broadcast %jit3A_396 : i32 to vector<16xi32>
      %select_n3A_398 = arith.select %eq3A_80, %get3A_376, %broadcast_in_dim3A_397 : vector<16xi1>, vector<16xi32>
      %swap3A_399 = arith.index_cast %add3A_380 : i32 to index
      %swap3A_400 = tpu.vector_load %arg14[%swap3A_399] {strides = array<i32>} : memref<12800xi32, #tpu.memory_space<vmem>>, vector<16xi32>,
      tpu.vector_store %arg14[%swap3A_399], %select_n3A_398 {strides = array<i32>} : memref<12800xi32, #tpu.memory_space<vmem>>, vector<16xi32>,
      %get3A_401 = arith.index_cast %scan3A_66 : i32 to index
      %get3A_402 = arith.constant 184 : index
      %get3A_403 = tpu.vector_load %arg8[%get3A_401, %get3A_402] {strides = array<i32>} : memref<64x200xi32, #tpu.memory_space<vmem>>, vector<16xi32>,
      %mul3A_404 = arith.constant 200 : i32
      %mul3A_405 = arith.muli %scan3A_66, %mul3A_404 : i32
      %add3A_406 = arith.constant 184 : i32
      %add3A_407 = arith.addi %mul3A_405, %add3A_406 : i32
      %jit3A_408 = arith.constant -1 : i32
      %broadcast_in_dim3A_409 = vector.broadcast %jit3A_408 : i32 to vector<16xi32>
      %select_n3A_410 = arith.select %eq3A_71, %get3A_403, %broadcast_in_dim3A_409 : vector<16xi1>, vector<16xi32>
      %swap3A_411 = arith.index_cast %add3A_407 : i32 to index
      %swap3A_412 = tpu.vector_load %arg11[%swap3A_411] {strides = array<i32>} : memref<12800xi32, #tpu.memory_space<vmem>>, vector<16xi32>,
      tpu.vector_store %arg11[%swap3A_411], %select_n3A_410 {strides = array<i32>} : memref<12800xi32, #tpu.memory_space<vmem>>, vector<16xi32>,
      %jit3A_413 = arith.constant -1 : i32
      %broadcast_in_dim3A_414 = vector.broadcast %jit3A_413 : i32 to vector<16xi32>
      %select_n3A_415 = arith.select %eq3A_74, %get3A_403, %broadcast_in_dim3A_414 : vector<16xi1>, vector<16xi32>
      %swap3A_416 = arith.index_cast %add3A_407 : i32 to index
      %swap3A_417 = tpu.vector_load %arg12[%swap3A_416] {strides = array<i32>} : memref<12800xi32, #tpu.memory_space<vmem>>, vector<16xi32>,
      tpu.vector_store %arg12[%swap3A_416], %select_n3A_415 {strides = array<i32>} : memref<12800xi32, #tpu.memory_space<vmem>>, vector<16xi32>,
      %jit3A_418 = arith.constant -1 : i32
      %broadcast_in_dim3A_419 = vector.broadcast %jit3A_418 : i32 to vector<16xi32>
      %select_n3A_420 = arith.select %eq3A_77, %get3A_403, %broadcast_in_dim3A_419 : vector<16xi1>, vector<16xi32>
      %swap3A_421 = arith.index_cast %add3A_407 : i32 to index
      %swap3A_422 = tpu.vector_load %arg13[%swap3A_421] {strides = array<i32>} : memref<12800xi32, #tpu.memory_space<vmem>>, vector<16xi32>,
      tpu.vector_store %arg13[%swap3A_421], %select_n3A_420 {strides = array<i32>} : memref<12800xi32, #tpu.memory_space<vmem>>, vector<16xi32>,
      %jit3A_423 = arith.constant -1 : i32
      %broadcast_in_dim3A_424 = vector.broadcast %jit3A_423 : i32 to vector<16xi32>
      %select_n3A_425 = arith.select %eq3A_80, %get3A_403, %broadcast_in_dim3A_424 : vector<16xi1>, vector<16xi32>
      %swap3A_426 = arith.index_cast %add3A_407 : i32 to index
      %swap3A_427 = tpu.vector_load %arg14[%swap3A_426] {strides = array<i32>} : memref<12800xi32, #tpu.memory_space<vmem>>, vector<16xi32>,
      tpu.vector_store %arg14[%swap3A_426], %select_n3A_425 {strides = array<i32>} : memref<12800xi32, #tpu.memory_space<vmem>>, vector<16xi32>,
    }
    %scan3A_17 = arith.constant 64 : i32
    %mul3A_18 = arith.constant 25600 : i32
    %mul3A_19 = arith.muli %add3A, %mul3A_18 : i32
    %add3A_20 = arith.constant 0 : i32
    %add3A_21 = arith.addi %mul3A_19, %add3A_20 : i32
    %dma_start3A = tpu.memref_slice %arg4[%add3A_21] : memref<819200xi32, #tpu.memory_space<hbm>> -> memref<12800xi32, #tpu.memory_space<hbm>>
    %dma_start3A_22 = tpu.memref_slice %arg4[%add3A_21] : memref<819200xi32, #tpu.memory_space<hbm>> -> memref<12800xi32, #tpu.memory_space<hbm>>
    tpu.enqueue_dma source(%arg11 : memref<12800xi32, #tpu.memory_space<vmem>>) target(%dma_start3A_22 : memref<12800xi32, #tpu.memory_space<hbm>>) target_semaphore(%arg15 : memref<!tpu.dma_semaphore, #tpu.memory_space<semaphore_mem>>)
    %dma_start3A_23 = tpu.memref_slice %arg5[%add3A_21] : memref<819200xi32, #tpu.memory_space<hbm>> -> memref<12800xi32, #tpu.memory_space<hbm>>
    %dma_start3A_24 = tpu.memref_slice %arg5[%add3A_21] : memref<819200xi32, #tpu.memory_space<hbm>> -> memref<12800xi32, #tpu.memory_space<hbm>>
    tpu.enqueue_dma source(%arg12 : memref<12800xi32, #tpu.memory_space<vmem>>) target(%dma_start3A_24 : memref<12800xi32, #tpu.memory_space<hbm>>) target_semaphore(%arg15 : memref<!tpu.dma_semaphore, #tpu.memory_space<semaphore_mem>>)
    %dma_start3A_25 = tpu.memref_slice %arg6[%add3A_21] : memref<819200xi32, #tpu.memory_space<hbm>> -> memref<12800xi32, #tpu.memory_space<hbm>>
    %dma_start3A_26 = tpu.memref_slice %arg6[%add3A_21] : memref<819200xi32, #tpu.memory_space<hbm>> -> memref<12800xi32, #tpu.memory_space<hbm>>
    tpu.enqueue_dma source(%arg13 : memref<12800xi32, #tpu.memory_space<vmem>>) target(%dma_start3A_26 : memref<12800xi32, #tpu.memory_space<hbm>>) target_semaphore(%arg15 : memref<!tpu.dma_semaphore, #tpu.memory_space<semaphore_mem>>)
    %dma_start3A_27 = tpu.memref_slice %arg7[%add3A_21] : memref<819200xi32, #tpu.memory_space<hbm>> -> memref<12800xi32, #tpu.memory_space<hbm>>
    %dma_start3A_28 = tpu.memref_slice %arg7[%add3A_21] : memref<819200xi32, #tpu.memory_space<hbm>> -> memref<12800xi32, #tpu.memory_space<hbm>>
    tpu.enqueue_dma source(%arg14 : memref<12800xi32, #tpu.memory_space<vmem>>) target(%dma_start3A_28 : memref<12800xi32, #tpu.memory_space<hbm>>) target_semaphore(%arg15 : memref<!tpu.dma_semaphore, #tpu.memory_space<semaphore_mem>>)
    %dma_wait3A = tpu.memref_slice %arg4[%add3A_21] : memref<819200xi32, #tpu.memory_space<hbm>> -> memref<12800xi32, #tpu.memory_space<hbm>>
    %dma_wait3A_29 = tpu.memref_slice %arg4[%add3A_21] : memref<819200xi32, #tpu.memory_space<hbm>> -> memref<12800xi32, #tpu.memory_space<hbm>>
    tpu.wait_dma2 semaphore(%arg15 : memref<!tpu.dma_semaphore, #tpu.memory_space<semaphore_mem>>) src(%arg11 : memref<12800xi32, #tpu.memory_space<vmem>>) dst(%dma_wait3A_29 : memref<12800xi32, #tpu.memory_space<hbm>>)
    %dma_wait3A_30 = tpu.memref_slice %arg5[%add3A_21] : memref<819200xi32, #tpu.memory_space<hbm>> -> memref<12800xi32, #tpu.memory_space<hbm>>
    %dma_wait3A_31 = tpu.memref_slice %arg5[%add3A_21] : memref<819200xi32, #tpu.memory_space<hbm>> -> memref<12800xi32, #tpu.memory_space<hbm>>
    tpu.wait_dma2 semaphore(%arg15 : memref<!tpu.dma_semaphore, #tpu.memory_space<semaphore_mem>>) src(%arg12 : memref<12800xi32, #tpu.memory_space<vmem>>) dst(%dma_wait3A_31 : memref<12800xi32, #tpu.memory_space<hbm>>)
    %dma_wait3A_32 = tpu.memref_slice %arg6[%add3A_21] : memref<819200xi32, #tpu.memory_space<hbm>> -> memref<12800xi32, #tpu.memory_space<hbm>>
    %dma_wait3A_33 = tpu.memref_slice %arg6[%add3A_21] : memref<819200xi32, #tpu.memory_space<hbm>> -> memref<12800xi32, #tpu.memory_space<hbm>>
    tpu.wait_dma2 semaphore(%arg15 : memref<!tpu.dma_semaphore, #tpu.memory_space<semaphore_mem>>) src(%arg13 : memref<12800xi32, #tpu.memory_space<vmem>>) dst(%dma_wait3A_33 : memref<12800xi32, #tpu.memory_space<hbm>>)
    %dma_wait3A_34 = tpu.memref_slice %arg7[%add3A_21] : memref<819200xi32, #tpu.memory_space<hbm>> -> memref<12800xi32, #tpu.memory_space<hbm>>
    %dma_wait3A_35 = tpu.memref_slice %arg7[%add3A_21] : memref<819200xi32, #tpu.memory_space<hbm>> -> memref<12800xi32, #tpu.memory_space<hbm>>
    tpu.wait_dma2 semaphore(%arg15 : memref<!tpu.dma_semaphore, #tpu.memory_space<semaphore_mem>>) src(%arg14 : memref<12800xi32, #tpu.memory_space<vmem>>) dst(%dma_wait3A_35 : memref<12800xi32, #tpu.memory_space<hbm>>)
    %mul3A_36 = arith.constant 128 : i32
    %mul3A_37 = arith.muli %add3A, %mul3A_36 : i32
    %add3A_38 = arith.constant 64 : i32
    %add3A_39 = arith.addi %mul3A_37, %add3A_38 : i32
    "tpu.region"() ({
      %run_scoped3A = tpu.sem_alloc : memref<!tpu.dma_semaphore, #tpu.memory_space<semaphore_mem>>
      %dma_start3A_66 = arith.constant 0 : i32
      %dma_start3A_67 = tpu.memref_slice %arg2[%add3A_39, %dma_start3A_66] : memref<4096x200xi32, #tpu.memory_space<hbm>> -> memref<64x200xi32, #tpu.memory_space<hbm>>
      %dma_start3A_68 = arith.constant 0 : i32
      %dma_start3A_69 = tpu.memref_slice %arg2[%add3A_39, %dma_start3A_68] : memref<4096x200xi32, #tpu.memory_space<hbm>> -> memref<64x200xi32, #tpu.memory_space<hbm>>
      tpu.enqueue_dma source(%dma_start3A_69 : memref<64x200xi32, #tpu.memory_space<hbm>>) target(%arg8 : memref<64x200xi32, #tpu.memory_space<vmem>>) target_semaphore(%run_scoped3A : memref<!tpu.dma_semaphore, #tpu.memory_space<semaphore_mem>>)
      %dma_wait3A_70 = arith.constant 0 : i32
      %dma_wait3A_71 = tpu.memref_slice %arg2[%add3A_39, %dma_wait3A_70] : memref<4096x200xi32, #tpu.memory_space<hbm>> -> memref<64x200xi32, #tpu.memory_space<hbm>>
      %dma_wait3A_72 = arith.constant 0 : i32
      %dma_wait3A_73 = tpu.memref_slice %arg2[%add3A_39, %dma_wait3A_72] : memref<4096x200xi32, #tpu.memory_space<hbm>> -> memref<64x200xi32, #tpu.memory_space<hbm>>
      tpu.wait_dma2 semaphore(%run_scoped3A : memref<!tpu.dma_semaphore, #tpu.memory_space<semaphore_mem>>) src(%dma_wait3A_73 : memref<64x200xi32, #tpu.memory_space<hbm>>) dst(%arg8 : memref<64x200xi32, #tpu.memory_space<vmem>>)
      tpu.yield
    }) : () -> ()
    %scan3A_40 = arith.constant 0 : i32
    %scan3A_41 = arith.constant 0 : i32
    %scan3A_42 = arith.constant 64 : i32
    %scan3A_43 = arith.addi %scan3A_41, %scan3A_42 : i32
    %scan3A_44 = arith.constant 1 : i32
    scf.for %scan3A_66 = %scan3A_41 to %scan3A_43 step %scan3A_44  : i32 {
      %broadcast_in_dim3A = arith.constant 64 : i32
      %broadcast_in_dim3A_67 = vector.broadcast %broadcast_in_dim3A : i32 to vector<16xi32>
      %add3A_68 = vector.broadcast %scan3A_66 : i32 to vector<16xi32>
      %add3A_69 = arith.addi %broadcast_in_dim3A_67, %add3A_68 : vector<16xi32>
      %gather3A = tpu.vector_load_idx %arg10[%add3A_69] : memref<128xi32, #tpu.memory_space<vmem>>[vector<16xi32>], vector<16xi32>,
      %eq3A = arith.constant 0 : i32
      %eq3A_70 = vector.broadcast %eq3A : i32 to vector<16xi32>
      %eq3A_71 = arith.cmpi eq, %gather3A, %eq3A_70 : vector<16xi32>
      %eq3A_72 = arith.constant 1 : i32
      %eq3A_73 = vector.broadcast %eq3A_72 : i32 to vector<16xi32>
      %eq3A_74 = arith.cmpi eq, %gather3A, %eq3A_73 : vector<16xi32>
      %eq3A_75 = arith.constant 2 : i32
      %eq3A_76 = vector.broadcast %eq3A_75 : i32 to vector<16xi32>
      %eq3A_77 = arith.cmpi eq, %gather3A, %eq3A_76 : vector<16xi32>
      %eq3A_78 = arith.constant 3 : i32
      %eq3A_79 = vector.broadcast %eq3A_78 : i32 to vector<16xi32>
      %eq3A_80 = arith.cmpi eq, %gather3A, %eq3A_79 : vector<16xi32>
      %get3A = arith.index_cast %scan3A_66 : i32 to index
      %get3A_81 = arith.constant 0 : index
      %get3A_82 = tpu.vector_load %arg8[%get3A, %get3A_81] {strides = array<i32>} : memref<64x200xi32, #tpu.memory_space<vmem>>, vector<16xi32>,
      %mul3A_83 = arith.constant 200 : i32
      %mul3A_84 = arith.muli %scan3A_66, %mul3A_83 : i32
      %add3A_85 = arith.constant 0 : i32
      %add3A_86 = arith.addi %mul3A_84, %add3A_85 : i32
      %jit3A = arith.constant -1 : i32
      %broadcast_in_dim3A_87 = vector.broadcast %jit3A : i32 to vector<16xi32>
      %select_n3A = arith.select %eq3A_71, %get3A_82, %broadcast_in_dim3A_87 : vector<16xi1>, vector<16xi32>
      %swap3A = arith.index_cast %add3A_86 : i32 to index
      %swap3A_88 = tpu.vector_load %arg11[%swap3A] {strides = array<i32>} : memref<12800xi32, #tpu.memory_space<vmem>>, vector<16xi32>,
      tpu.vector_store %arg11[%swap3A], %select_n3A {strides = array<i32>} : memref<12800xi32, #tpu.memory_space<vmem>>, vector<16xi32>,
      %jit3A_89 = arith.constant -1 : i32
      %broadcast_in_dim3A_90 = vector.broadcast %jit3A_89 : i32 to vector<16xi32>
      %select_n3A_91 = arith.select %eq3A_74, %get3A_82, %broadcast_in_dim3A_90 : vector<16xi1>, vector<16xi32>
      %swap3A_92 = arith.index_cast %add3A_86 : i32 to index
      %swap3A_93 = tpu.vector_load %arg12[%swap3A_92] {strides = array<i32>} : memref<12800xi32, #tpu.memory_space<vmem>>, vector<16xi32>,
      tpu.vector_store %arg12[%swap3A_92], %select_n3A_91 {strides = array<i32>} : memref<12800xi32, #tpu.memory_space<vmem>>, vector<16xi32>,
      %jit3A_94 = arith.constant -1 : i32
      %broadcast_in_dim3A_95 = vector.broadcast %jit3A_94 : i32 to vector<16xi32>
      %select_n3A_96 = arith.select %eq3A_77, %get3A_82, %broadcast_in_dim3A_95 : vector<16xi1>, vector<16xi32>
      %swap3A_97 = arith.index_cast %add3A_86 : i32 to index
      %swap3A_98 = tpu.vector_load %arg13[%swap3A_97] {strides = array<i32>} : memref<12800xi32, #tpu.memory_space<vmem>>, vector<16xi32>,
      tpu.vector_store %arg13[%swap3A_97], %select_n3A_96 {strides = array<i32>} : memref<12800xi32, #tpu.memory_space<vmem>>, vector<16xi32>,
      %jit3A_99 = arith.constant -1 : i32
      %broadcast_in_dim3A_100 = vector.broadcast %jit3A_99 : i32 to vector<16xi32>
      %select_n3A_101 = arith.select %eq3A_80, %get3A_82, %broadcast_in_dim3A_100 : vector<16xi1>, vector<16xi32>
      %swap3A_102 = arith.index_cast %add3A_86 : i32 to index
      %swap3A_103 = tpu.vector_load %arg14[%swap3A_102] {strides = array<i32>} : memref<12800xi32, #tpu.memory_space<vmem>>, vector<16xi32>,
      tpu.vector_store %arg14[%swap3A_102], %select_n3A_101 {strides = array<i32>} : memref<12800xi32, #tpu.memory_space<vmem>>, vector<16xi32>,
      %get3A_104 = arith.index_cast %scan3A_66 : i32 to index
      %get3A_105 = arith.constant 16 : index
      %get3A_106 = tpu.vector_load %arg8[%get3A_104, %get3A_105] {strides = array<i32>} : memref<64x200xi32, #tpu.memory_space<vmem>>, vector<16xi32>,
      %mul3A_107 = arith.constant 200 : i32
      %mul3A_108 = arith.muli %scan3A_66, %mul3A_107 : i32
      %add3A_109 = arith.constant 16 : i32
      %add3A_110 = arith.addi %mul3A_108, %add3A_109 : i32
      %jit3A_111 = arith.constant -1 : i32
      %broadcast_in_dim3A_112 = vector.broadcast %jit3A_111 : i32 to vector<16xi32>
      %select_n3A_113 = arith.select %eq3A_71, %get3A_106, %broadcast_in_dim3A_112 : vector<16xi1>, vector<16xi32>
      %swap3A_114 = arith.index_cast %add3A_110 : i32 to index
      %swap3A_115 = tpu.vector_load %arg11[%swap3A_114] {strides = array<i32>} : memref<12800xi32, #tpu.memory_space<vmem>>, vector<16xi32>,
      tpu.vector_store %arg11[%swap3A_114], %select_n3A_113 {strides = array<i32>} : memref<12800xi32, #tpu.memory_space<vmem>>, vector<16xi32>,
      %jit3A_116 = arith.constant -1 : i32
      %broadcast_in_dim3A_117 = vector.broadcast %jit3A_116 : i32 to vector<16xi32>
      %select_n3A_118 = arith.select %eq3A_74, %get3A_106, %broadcast_in_dim3A_117 : vector<16xi1>, vector<16xi32>
      %swap3A_119 = arith.index_cast %add3A_110 : i32 to index
      %swap3A_120 = tpu.vector_load %arg12[%swap3A_119] {strides = array<i32>} : memref<12800xi32, #tpu.memory_space<vmem>>, vector<16xi32>,
      tpu.vector_store %arg12[%swap3A_119], %select_n3A_118 {strides = array<i32>} : memref<12800xi32, #tpu.memory_space<vmem>>, vector<16xi32>,
      %jit3A_121 = arith.constant -1 : i32
      %broadcast_in_dim3A_122 = vector.broadcast %jit3A_121 : i32 to vector<16xi32>
      %select_n3A_123 = arith.select %eq3A_77, %get3A_106, %broadcast_in_dim3A_122 : vector<16xi1>, vector<16xi32>
      %swap3A_124 = arith.index_cast %add3A_110 : i32 to index
      %swap3A_125 = tpu.vector_load %arg13[%swap3A_124] {strides = array<i32>} : memref<12800xi32, #tpu.memory_space<vmem>>, vector<16xi32>,
      tpu.vector_store %arg13[%swap3A_124], %select_n3A_123 {strides = array<i32>} : memref<12800xi32, #tpu.memory_space<vmem>>, vector<16xi32>,
      %jit3A_126 = arith.constant -1 : i32
      %broadcast_in_dim3A_127 = vector.broadcast %jit3A_126 : i32 to vector<16xi32>
      %select_n3A_128 = arith.select %eq3A_80, %get3A_106, %broadcast_in_dim3A_127 : vector<16xi1>, vector<16xi32>
      %swap3A_129 = arith.index_cast %add3A_110 : i32 to index
      %swap3A_130 = tpu.vector_load %arg14[%swap3A_129] {strides = array<i32>} : memref<12800xi32, #tpu.memory_space<vmem>>, vector<16xi32>,
      tpu.vector_store %arg14[%swap3A_129], %select_n3A_128 {strides = array<i32>} : memref<12800xi32, #tpu.memory_space<vmem>>, vector<16xi32>,
      %get3A_131 = arith.index_cast %scan3A_66 : i32 to index
      %get3A_132 = arith.constant 32 : index
      %get3A_133 = tpu.vector_load %arg8[%get3A_131, %get3A_132] {strides = array<i32>} : memref<64x200xi32, #tpu.memory_space<vmem>>, vector<16xi32>,
      %mul3A_134 = arith.constant 200 : i32
      %mul3A_135 = arith.muli %scan3A_66, %mul3A_134 : i32
      %add3A_136 = arith.constant 32 : i32
      %add3A_137 = arith.addi %mul3A_135, %add3A_136 : i32
      %jit3A_138 = arith.constant -1 : i32
      %broadcast_in_dim3A_139 = vector.broadcast %jit3A_138 : i32 to vector<16xi32>
      %select_n3A_140 = arith.select %eq3A_71, %get3A_133, %broadcast_in_dim3A_139 : vector<16xi1>, vector<16xi32>
      %swap3A_141 = arith.index_cast %add3A_137 : i32 to index
      %swap3A_142 = tpu.vector_load %arg11[%swap3A_141] {strides = array<i32>} : memref<12800xi32, #tpu.memory_space<vmem>>, vector<16xi32>,
      tpu.vector_store %arg11[%swap3A_141], %select_n3A_140 {strides = array<i32>} : memref<12800xi32, #tpu.memory_space<vmem>>, vector<16xi32>,
      %jit3A_143 = arith.constant -1 : i32
      %broadcast_in_dim3A_144 = vector.broadcast %jit3A_143 : i32 to vector<16xi32>
      %select_n3A_145 = arith.select %eq3A_74, %get3A_133, %broadcast_in_dim3A_144 : vector<16xi1>, vector<16xi32>
      %swap3A_146 = arith.index_cast %add3A_137 : i32 to index
      %swap3A_147 = tpu.vector_load %arg12[%swap3A_146] {strides = array<i32>} : memref<12800xi32, #tpu.memory_space<vmem>>, vector<16xi32>,
      tpu.vector_store %arg12[%swap3A_146], %select_n3A_145 {strides = array<i32>} : memref<12800xi32, #tpu.memory_space<vmem>>, vector<16xi32>,
      %jit3A_148 = arith.constant -1 : i32
      %broadcast_in_dim3A_149 = vector.broadcast %jit3A_148 : i32 to vector<16xi32>
      %select_n3A_150 = arith.select %eq3A_77, %get3A_133, %broadcast_in_dim3A_149 : vector<16xi1>, vector<16xi32>
      %swap3A_151 = arith.index_cast %add3A_137 : i32 to index
      %swap3A_152 = tpu.vector_load %arg13[%swap3A_151] {strides = array<i32>} : memref<12800xi32, #tpu.memory_space<vmem>>, vector<16xi32>,
      tpu.vector_store %arg13[%swap3A_151], %select_n3A_150 {strides = array<i32>} : memref<12800xi32, #tpu.memory_space<vmem>>, vector<16xi32>,
      %jit3A_153 = arith.constant -1 : i32
      %broadcast_in_dim3A_154 = vector.broadcast %jit3A_153 : i32 to vector<16xi32>
      %select_n3A_155 = arith.select %eq3A_80, %get3A_133, %broadcast_in_dim3A_154 : vector<16xi1>, vector<16xi32>
      %swap3A_156 = arith.index_cast %add3A_137 : i32 to index
      %swap3A_157 = tpu.vector_load %arg14[%swap3A_156] {strides = array<i32>} : memref<12800xi32, #tpu.memory_space<vmem>>, vector<16xi32>,
      tpu.vector_store %arg14[%swap3A_156], %select_n3A_155 {strides = array<i32>} : memref<12800xi32, #tpu.memory_space<vmem>>, vector<16xi32>,
      %get3A_158 = arith.index_cast %scan3A_66 : i32 to index
      %get3A_159 = arith.constant 48 : index
      %get3A_160 = tpu.vector_load %arg8[%get3A_158, %get3A_159] {strides = array<i32>} : memref<64x200xi32, #tpu.memory_space<vmem>>, vector<16xi32>,
      %mul3A_161 = arith.constant 200 : i32
      %mul3A_162 = arith.muli %scan3A_66, %mul3A_161 : i32
      %add3A_163 = arith.constant 48 : i32
      %add3A_164 = arith.addi %mul3A_162, %add3A_163 : i32
      %jit3A_165 = arith.constant -1 : i32
      %broadcast_in_dim3A_166 = vector.broadcast %jit3A_165 : i32 to vector<16xi32>
      %select_n3A_167 = arith.select %eq3A_71, %get3A_160, %broadcast_in_dim3A_166 : vector<16xi1>, vector<16xi32>
      %swap3A_168 = arith.index_cast %add3A_164 : i32 to index
      %swap3A_169 = tpu.vector_load %arg11[%swap3A_168] {strides = array<i32>} : memref<12800xi32, #tpu.memory_space<vmem>>, vector<16xi32>,
      tpu.vector_store %arg11[%swap3A_168], %select_n3A_167 {strides = array<i32>} : memref<12800xi32, #tpu.memory_space<vmem>>, vector<16xi32>,
      %jit3A_170 = arith.constant -1 : i32
      %broadcast_in_dim3A_171 = vector.broadcast %jit3A_170 : i32 to vector<16xi32>
      %select_n3A_172 = arith.select %eq3A_74, %get3A_160, %broadcast_in_dim3A_171 : vector<16xi1>, vector<16xi32>
      %swap3A_173 = arith.index_cast %add3A_164 : i32 to index
      %swap3A_174 = tpu.vector_load %arg12[%swap3A_173] {strides = array<i32>} : memref<12800xi32, #tpu.memory_space<vmem>>, vector<16xi32>,
      tpu.vector_store %arg12[%swap3A_173], %select_n3A_172 {strides = array<i32>} : memref<12800xi32, #tpu.memory_space<vmem>>, vector<16xi32>,
      %jit3A_175 = arith.constant -1 : i32
      %broadcast_in_dim3A_176 = vector.broadcast %jit3A_175 : i32 to vector<16xi32>
      %select_n3A_177 = arith.select %eq3A_77, %get3A_160, %broadcast_in_dim3A_176 : vector<16xi1>, vector<16xi32>
      %swap3A_178 = arith.index_cast %add3A_164 : i32 to index
      %swap3A_179 = tpu.vector_load %arg13[%swap3A_178] {strides = array<i32>} : memref<12800xi32, #tpu.memory_space<vmem>>, vector<16xi32>,
      tpu.vector_store %arg13[%swap3A_178], %select_n3A_177 {strides = array<i32>} : memref<12800xi32, #tpu.memory_space<vmem>>, vector<16xi32>,
      %jit3A_180 = arith.constant -1 : i32
      %broadcast_in_dim3A_181 = vector.broadcast %jit3A_180 : i32 to vector<16xi32>
      %select_n3A_182 = arith.select %eq3A_80, %get3A_160, %broadcast_in_dim3A_181 : vector<16xi1>, vector<16xi32>
      %swap3A_183 = arith.index_cast %add3A_164 : i32 to index
      %swap3A_184 = tpu.vector_load %arg14[%swap3A_183] {strides = array<i32>} : memref<12800xi32, #tpu.memory_space<vmem>>, vector<16xi32>,
      tpu.vector_store %arg14[%swap3A_183], %select_n3A_182 {strides = array<i32>} : memref<12800xi32, #tpu.memory_space<vmem>>, vector<16xi32>,
      %get3A_185 = arith.index_cast %scan3A_66 : i32 to index
      %get3A_186 = arith.constant 64 : index
      %get3A_187 = tpu.vector_load %arg8[%get3A_185, %get3A_186] {strides = array<i32>} : memref<64x200xi32, #tpu.memory_space<vmem>>, vector<16xi32>,
      %mul3A_188 = arith.constant 200 : i32
      %mul3A_189 = arith.muli %scan3A_66, %mul3A_188 : i32
      %add3A_190 = arith.constant 64 : i32
      %add3A_191 = arith.addi %mul3A_189, %add3A_190 : i32
      %jit3A_192 = arith.constant -1 : i32
      %broadcast_in_dim3A_193 = vector.broadcast %jit3A_192 : i32 to vector<16xi32>
      %select_n3A_194 = arith.select %eq3A_71, %get3A_187, %broadcast_in_dim3A_193 : vector<16xi1>, vector<16xi32>
      %swap3A_195 = arith.index_cast %add3A_191 : i32 to index
      %swap3A_196 = tpu.vector_load %arg11[%swap3A_195] {strides = array<i32>} : memref<12800xi32, #tpu.memory_space<vmem>>, vector<16xi32>,
      tpu.vector_store %arg11[%swap3A_195], %select_n3A_194 {strides = array<i32>} : memref<12800xi32, #tpu.memory_space<vmem>>, vector<16xi32>,
      %jit3A_197 = arith.constant -1 : i32
      %broadcast_in_dim3A_198 = vector.broadcast %jit3A_197 : i32 to vector<16xi32>
      %select_n3A_199 = arith.select %eq3A_74, %get3A_187, %broadcast_in_dim3A_198 : vector<16xi1>, vector<16xi32>
      %swap3A_200 = arith.index_cast %add3A_191 : i32 to index
      %swap3A_201 = tpu.vector_load %arg12[%swap3A_200] {strides = array<i32>} : memref<12800xi32, #tpu.memory_space<vmem>>, vector<16xi32>,
      tpu.vector_store %arg12[%swap3A_200], %select_n3A_199 {strides = array<i32>} : memref<12800xi32, #tpu.memory_space<vmem>>, vector<16xi32>,
      %jit3A_202 = arith.constant -1 : i32
      %broadcast_in_dim3A_203 = vector.broadcast %jit3A_202 : i32 to vector<16xi32>
      %select_n3A_204 = arith.select %eq3A_77, %get3A_187, %broadcast_in_dim3A_203 : vector<16xi1>, vector<16xi32>
      %swap3A_205 = arith.index_cast %add3A_191 : i32 to index
      %swap3A_206 = tpu.vector_load %arg13[%swap3A_205] {strides = array<i32>} : memref<12800xi32, #tpu.memory_space<vmem>>, vector<16xi32>,
      tpu.vector_store %arg13[%swap3A_205], %select_n3A_204 {strides = array<i32>} : memref<12800xi32, #tpu.memory_space<vmem>>, vector<16xi32>,
      %jit3A_207 = arith.constant -1 : i32
      %broadcast_in_dim3A_208 = vector.broadcast %jit3A_207 : i32 to vector<16xi32>
      %select_n3A_209 = arith.select %eq3A_80, %get3A_187, %broadcast_in_dim3A_208 : vector<16xi1>, vector<16xi32>
      %swap3A_210 = arith.index_cast %add3A_191 : i32 to index
      %swap3A_211 = tpu.vector_load %arg14[%swap3A_210] {strides = array<i32>} : memref<12800xi32, #tpu.memory_space<vmem>>, vector<16xi32>,
      tpu.vector_store %arg14[%swap3A_210], %select_n3A_209 {strides = array<i32>} : memref<12800xi32, #tpu.memory_space<vmem>>, vector<16xi32>,
      %get3A_212 = arith.index_cast %scan3A_66 : i32 to index
      %get3A_213 = arith.constant 80 : index
      %get3A_214 = tpu.vector_load %arg8[%get3A_212, %get3A_213] {strides = array<i32>} : memref<64x200xi32, #tpu.memory_space<vmem>>, vector<16xi32>,
      %mul3A_215 = arith.constant 200 : i32
      %mul3A_216 = arith.muli %scan3A_66, %mul3A_215 : i32
      %add3A_217 = arith.constant 80 : i32
      %add3A_218 = arith.addi %mul3A_216, %add3A_217 : i32
      %jit3A_219 = arith.constant -1 : i32
      %broadcast_in_dim3A_220 = vector.broadcast %jit3A_219 : i32 to vector<16xi32>
      %select_n3A_221 = arith.select %eq3A_71, %get3A_214, %broadcast_in_dim3A_220 : vector<16xi1>, vector<16xi32>
      %swap3A_222 = arith.index_cast %add3A_218 : i32 to index
      %swap3A_223 = tpu.vector_load %arg11[%swap3A_222] {strides = array<i32>} : memref<12800xi32, #tpu.memory_space<vmem>>, vector<16xi32>,
      tpu.vector_store %arg11[%swap3A_222], %select_n3A_221 {strides = array<i32>} : memref<12800xi32, #tpu.memory_space<vmem>>, vector<16xi32>,
      %jit3A_224 = arith.constant -1 : i32
      %broadcast_in_dim3A_225 = vector.broadcast %jit3A_224 : i32 to vector<16xi32>
      %select_n3A_226 = arith.select %eq3A_74, %get3A_214, %broadcast_in_dim3A_225 : vector<16xi1>, vector<16xi32>
      %swap3A_227 = arith.index_cast %add3A_218 : i32 to index
      %swap3A_228 = tpu.vector_load %arg12[%swap3A_227] {strides = array<i32>} : memref<12800xi32, #tpu.memory_space<vmem>>, vector<16xi32>,
      tpu.vector_store %arg12[%swap3A_227], %select_n3A_226 {strides = array<i32>} : memref<12800xi32, #tpu.memory_space<vmem>>, vector<16xi32>,
      %jit3A_229 = arith.constant -1 : i32
      %broadcast_in_dim3A_230 = vector.broadcast %jit3A_229 : i32 to vector<16xi32>
      %select_n3A_231 = arith.select %eq3A_77, %get3A_214, %broadcast_in_dim3A_230 : vector<16xi1>, vector<16xi32>
      %swap3A_232 = arith.index_cast %add3A_218 : i32 to index
      %swap3A_233 = tpu.vector_load %arg13[%swap3A_232] {strides = array<i32>} : memref<12800xi32, #tpu.memory_space<vmem>>, vector<16xi32>,
      tpu.vector_store %arg13[%swap3A_232], %select_n3A_231 {strides = array<i32>} : memref<12800xi32, #tpu.memory_space<vmem>>, vector<16xi32>,
      %jit3A_234 = arith.constant -1 : i32
      %broadcast_in_dim3A_235 = vector.broadcast %jit3A_234 : i32 to vector<16xi32>
      %select_n3A_236 = arith.select %eq3A_80, %get3A_214, %broadcast_in_dim3A_235 : vector<16xi1>, vector<16xi32>
      %swap3A_237 = arith.index_cast %add3A_218 : i32 to index
      %swap3A_238 = tpu.vector_load %arg14[%swap3A_237] {strides = array<i32>} : memref<12800xi32, #tpu.memory_space<vmem>>, vector<16xi32>,
      tpu.vector_store %arg14[%swap3A_237], %select_n3A_236 {strides = array<i32>} : memref<12800xi32, #tpu.memory_space<vmem>>, vector<16xi32>,
      %get3A_239 = arith.index_cast %scan3A_66 : i32 to index
      %get3A_240 = arith.constant 96 : index
      %get3A_241 = tpu.vector_load %arg8[%get3A_239, %get3A_240] {strides = array<i32>} : memref<64x200xi32, #tpu.memory_space<vmem>>, vector<16xi32>,
      %mul3A_242 = arith.constant 200 : i32
      %mul3A_243 = arith.muli %scan3A_66, %mul3A_242 : i32
      %add3A_244 = arith.constant 96 : i32
      %add3A_245 = arith.addi %mul3A_243, %add3A_244 : i32
      %jit3A_246 = arith.constant -1 : i32
      %broadcast_in_dim3A_247 = vector.broadcast %jit3A_246 : i32 to vector<16xi32>
      %select_n3A_248 = arith.select %eq3A_71, %get3A_241, %broadcast_in_dim3A_247 : vector<16xi1>, vector<16xi32>
      %swap3A_249 = arith.index_cast %add3A_245 : i32 to index
      %swap3A_250 = tpu.vector_load %arg11[%swap3A_249] {strides = array<i32>} : memref<12800xi32, #tpu.memory_space<vmem>>, vector<16xi32>,
      tpu.vector_store %arg11[%swap3A_249], %select_n3A_248 {strides = array<i32>} : memref<12800xi32, #tpu.memory_space<vmem>>, vector<16xi32>,
      %jit3A_251 = arith.constant -1 : i32
      %broadcast_in_dim3A_252 = vector.broadcast %jit3A_251 : i32 to vector<16xi32>
      %select_n3A_253 = arith.select %eq3A_74, %get3A_241, %broadcast_in_dim3A_252 : vector<16xi1>, vector<16xi32>
      %swap3A_254 = arith.index_cast %add3A_245 : i32 to index
      %swap3A_255 = tpu.vector_load %arg12[%swap3A_254] {strides = array<i32>} : memref<12800xi32, #tpu.memory_space<vmem>>, vector<16xi32>,
      tpu.vector_store %arg12[%swap3A_254], %select_n3A_253 {strides = array<i32>} : memref<12800xi32, #tpu.memory_space<vmem>>, vector<16xi32>,
      %jit3A_256 = arith.constant -1 : i32
      %broadcast_in_dim3A_257 = vector.broadcast %jit3A_256 : i32 to vector<16xi32>
      %select_n3A_258 = arith.select %eq3A_77, %get3A_241, %broadcast_in_dim3A_257 : vector<16xi1>, vector<16xi32>
      %swap3A_259 = arith.index_cast %add3A_245 : i32 to index
      %swap3A_260 = tpu.vector_load %arg13[%swap3A_259] {strides = array<i32>} : memref<12800xi32, #tpu.memory_space<vmem>>, vector<16xi32>,
      tpu.vector_store %arg13[%swap3A_259], %select_n3A_258 {strides = array<i32>} : memref<12800xi32, #tpu.memory_space<vmem>>, vector<16xi32>,
      %jit3A_261 = arith.constant -1 : i32
      %broadcast_in_dim3A_262 = vector.broadcast %jit3A_261 : i32 to vector<16xi32>
      %select_n3A_263 = arith.select %eq3A_80, %get3A_241, %broadcast_in_dim3A_262 : vector<16xi1>, vector<16xi32>
      %swap3A_264 = arith.index_cast %add3A_245 : i32 to index
      %swap3A_265 = tpu.vector_load %arg14[%swap3A_264] {strides = array<i32>} : memref<12800xi32, #tpu.memory_space<vmem>>, vector<16xi32>,
      tpu.vector_store %arg14[%swap3A_264], %select_n3A_263 {strides = array<i32>} : memref<12800xi32, #tpu.memory_space<vmem>>, vector<16xi32>,
      %get3A_266 = arith.index_cast %scan3A_66 : i32 to index
      %get3A_267 = arith.constant 112 : index
      %get3A_268 = tpu.vector_load %arg8[%get3A_266, %get3A_267] {strides = array<i32>} : memref<64x200xi32, #tpu.memory_space<vmem>>, vector<16xi32>,
      %mul3A_269 = arith.constant 200 : i32
      %mul3A_270 = arith.muli %scan3A_66, %mul3A_269 : i32
      %add3A_271 = arith.constant 112 : i32
      %add3A_272 = arith.addi %mul3A_270, %add3A_271 : i32
      %jit3A_273 = arith.constant -1 : i32
      %broadcast_in_dim3A_274 = vector.broadcast %jit3A_273 : i32 to vector<16xi32>
      %select_n3A_275 = arith.select %eq3A_71, %get3A_268, %broadcast_in_dim3A_274 : vector<16xi1>, vector<16xi32>
      %swap3A_276 = arith.index_cast %add3A_272 : i32 to index
      %swap3A_277 = tpu.vector_load %arg11[%swap3A_276] {strides = array<i32>} : memref<12800xi32, #tpu.memory_space<vmem>>, vector<16xi32>,
      tpu.vector_store %arg11[%swap3A_276], %select_n3A_275 {strides = array<i32>} : memref<12800xi32, #tpu.memory_space<vmem>>, vector<16xi32>,
      %jit3A_278 = arith.constant -1 : i32
      %broadcast_in_dim3A_279 = vector.broadcast %jit3A_278 : i32 to vector<16xi32>
      %select_n3A_280 = arith.select %eq3A_74, %get3A_268, %broadcast_in_dim3A_279 : vector<16xi1>, vector<16xi32>
      %swap3A_281 = arith.index_cast %add3A_272 : i32 to index
      %swap3A_282 = tpu.vector_load %arg12[%swap3A_281] {strides = array<i32>} : memref<12800xi32, #tpu.memory_space<vmem>>, vector<16xi32>,
      tpu.vector_store %arg12[%swap3A_281], %select_n3A_280 {strides = array<i32>} : memref<12800xi32, #tpu.memory_space<vmem>>, vector<16xi32>,
      %jit3A_283 = arith.constant -1 : i32
      %broadcast_in_dim3A_284 = vector.broadcast %jit3A_283 : i32 to vector<16xi32>
      %select_n3A_285 = arith.select %eq3A_77, %get3A_268, %broadcast_in_dim3A_284 : vector<16xi1>, vector<16xi32>
      %swap3A_286 = arith.index_cast %add3A_272 : i32 to index
      %swap3A_287 = tpu.vector_load %arg13[%swap3A_286] {strides = array<i32>} : memref<12800xi32, #tpu.memory_space<vmem>>, vector<16xi32>,
      tpu.vector_store %arg13[%swap3A_286], %select_n3A_285 {strides = array<i32>} : memref<12800xi32, #tpu.memory_space<vmem>>, vector<16xi32>,
      %jit3A_288 = arith.constant -1 : i32
      %broadcast_in_dim3A_289 = vector.broadcast %jit3A_288 : i32 to vector<16xi32>
      %select_n3A_290 = arith.select %eq3A_80, %get3A_268, %broadcast_in_dim3A_289 : vector<16xi1>, vector<16xi32>
      %swap3A_291 = arith.index_cast %add3A_272 : i32 to index
      %swap3A_292 = tpu.vector_load %arg14[%swap3A_291] {strides = array<i32>} : memref<12800xi32, #tpu.memory_space<vmem>>, vector<16xi32>,
      tpu.vector_store %arg14[%swap3A_291], %select_n3A_290 {strides = array<i32>} : memref<12800xi32, #tpu.memory_space<vmem>>, vector<16xi32>,
      %get3A_293 = arith.index_cast %scan3A_66 : i32 to index
      %get3A_294 = arith.constant 128 : index
      %get3A_295 = tpu.vector_load %arg8[%get3A_293, %get3A_294] {strides = array<i32>} : memref<64x200xi32, #tpu.memory_space<vmem>>, vector<16xi32>,
      %mul3A_296 = arith.constant 200 : i32
      %mul3A_297 = arith.muli %scan3A_66, %mul3A_296 : i32
      %add3A_298 = arith.constant 128 : i32
      %add3A_299 = arith.addi %mul3A_297, %add3A_298 : i32
      %jit3A_300 = arith.constant -1 : i32
      %broadcast_in_dim3A_301 = vector.broadcast %jit3A_300 : i32 to vector<16xi32>
      %select_n3A_302 = arith.select %eq3A_71, %get3A_295, %broadcast_in_dim3A_301 : vector<16xi1>, vector<16xi32>
      %swap3A_303 = arith.index_cast %add3A_299 : i32 to index
      %swap3A_304 = tpu.vector_load %arg11[%swap3A_303] {strides = array<i32>} : memref<12800xi32, #tpu.memory_space<vmem>>, vector<16xi32>,
      tpu.vector_store %arg11[%swap3A_303], %select_n3A_302 {strides = array<i32>} : memref<12800xi32, #tpu.memory_space<vmem>>, vector<16xi32>,
      %jit3A_305 = arith.constant -1 : i32
      %broadcast_in_dim3A_306 = vector.broadcast %jit3A_305 : i32 to vector<16xi32>
      %select_n3A_307 = arith.select %eq3A_74, %get3A_295, %broadcast_in_dim3A_306 : vector<16xi1>, vector<16xi32>
      %swap3A_308 = arith.index_cast %add3A_299 : i32 to index
      %swap3A_309 = tpu.vector_load %arg12[%swap3A_308] {strides = array<i32>} : memref<12800xi32, #tpu.memory_space<vmem>>, vector<16xi32>,
      tpu.vector_store %arg12[%swap3A_308], %select_n3A_307 {strides = array<i32>} : memref<12800xi32, #tpu.memory_space<vmem>>, vector<16xi32>,
      %jit3A_310 = arith.constant -1 : i32
      %broadcast_in_dim3A_311 = vector.broadcast %jit3A_310 : i32 to vector<16xi32>
      %select_n3A_312 = arith.select %eq3A_77, %get3A_295, %broadcast_in_dim3A_311 : vector<16xi1>, vector<16xi32>
      %swap3A_313 = arith.index_cast %add3A_299 : i32 to index
      %swap3A_314 = tpu.vector_load %arg13[%swap3A_313] {strides = array<i32>} : memref<12800xi32, #tpu.memory_space<vmem>>, vector<16xi32>,
      tpu.vector_store %arg13[%swap3A_313], %select_n3A_312 {strides = array<i32>} : memref<12800xi32, #tpu.memory_space<vmem>>, vector<16xi32>,
      %jit3A_315 = arith.constant -1 : i32
      %broadcast_in_dim3A_316 = vector.broadcast %jit3A_315 : i32 to vector<16xi32>
      %select_n3A_317 = arith.select %eq3A_80, %get3A_295, %broadcast_in_dim3A_316 : vector<16xi1>, vector<16xi32>
      %swap3A_318 = arith.index_cast %add3A_299 : i32 to index
      %swap3A_319 = tpu.vector_load %arg14[%swap3A_318] {strides = array<i32>} : memref<12800xi32, #tpu.memory_space<vmem>>, vector<16xi32>,
      tpu.vector_store %arg14[%swap3A_318], %select_n3A_317 {strides = array<i32>} : memref<12800xi32, #tpu.memory_space<vmem>>, vector<16xi32>,
      %get3A_320 = arith.index_cast %scan3A_66 : i32 to index
      %get3A_321 = arith.constant 144 : index
      %get3A_322 = tpu.vector_load %arg8[%get3A_320, %get3A_321] {strides = array<i32>} : memref<64x200xi32, #tpu.memory_space<vmem>>, vector<16xi32>,
      %mul3A_323 = arith.constant 200 : i32
      %mul3A_324 = arith.muli %scan3A_66, %mul3A_323 : i32
      %add3A_325 = arith.constant 144 : i32
      %add3A_326 = arith.addi %mul3A_324, %add3A_325 : i32
      %jit3A_327 = arith.constant -1 : i32
      %broadcast_in_dim3A_328 = vector.broadcast %jit3A_327 : i32 to vector<16xi32>
      %select_n3A_329 = arith.select %eq3A_71, %get3A_322, %broadcast_in_dim3A_328 : vector<16xi1>, vector<16xi32>
      %swap3A_330 = arith.index_cast %add3A_326 : i32 to index
      %swap3A_331 = tpu.vector_load %arg11[%swap3A_330] {strides = array<i32>} : memref<12800xi32, #tpu.memory_space<vmem>>, vector<16xi32>,
      tpu.vector_store %arg11[%swap3A_330], %select_n3A_329 {strides = array<i32>} : memref<12800xi32, #tpu.memory_space<vmem>>, vector<16xi32>,
      %jit3A_332 = arith.constant -1 : i32
      %broadcast_in_dim3A_333 = vector.broadcast %jit3A_332 : i32 to vector<16xi32>
      %select_n3A_334 = arith.select %eq3A_74, %get3A_322, %broadcast_in_dim3A_333 : vector<16xi1>, vector<16xi32>
      %swap3A_335 = arith.index_cast %add3A_326 : i32 to index
      %swap3A_336 = tpu.vector_load %arg12[%swap3A_335] {strides = array<i32>} : memref<12800xi32, #tpu.memory_space<vmem>>, vector<16xi32>,
      tpu.vector_store %arg12[%swap3A_335], %select_n3A_334 {strides = array<i32>} : memref<12800xi32, #tpu.memory_space<vmem>>, vector<16xi32>,
      %jit3A_337 = arith.constant -1 : i32
      %broadcast_in_dim3A_338 = vector.broadcast %jit3A_337 : i32 to vector<16xi32>
      %select_n3A_339 = arith.select %eq3A_77, %get3A_322, %broadcast_in_dim3A_338 : vector<16xi1>, vector<16xi32>
      %swap3A_340 = arith.index_cast %add3A_326 : i32 to index
      %swap3A_341 = tpu.vector_load %arg13[%swap3A_340] {strides = array<i32>} : memref<12800xi32, #tpu.memory_space<vmem>>, vector<16xi32>,
      tpu.vector_store %arg13[%swap3A_340], %select_n3A_339 {strides = array<i32>} : memref<12800xi32, #tpu.memory_space<vmem>>, vector<16xi32>,
      %jit3A_342 = arith.constant -1 : i32
      %broadcast_in_dim3A_343 = vector.broadcast %jit3A_342 : i32 to vector<16xi32>
      %select_n3A_344 = arith.select %eq3A_80, %get3A_322, %broadcast_in_dim3A_343 : vector<16xi1>, vector<16xi32>
      %swap3A_345 = arith.index_cast %add3A_326 : i32 to index
      %swap3A_346 = tpu.vector_load %arg14[%swap3A_345] {strides = array<i32>} : memref<12800xi32, #tpu.memory_space<vmem>>, vector<16xi32>,
      tpu.vector_store %arg14[%swap3A_345], %select_n3A_344 {strides = array<i32>} : memref<12800xi32, #tpu.memory_space<vmem>>, vector<16xi32>,
      %get3A_347 = arith.index_cast %scan3A_66 : i32 to index
      %get3A_348 = arith.constant 160 : index
      %get3A_349 = tpu.vector_load %arg8[%get3A_347, %get3A_348] {strides = array<i32>} : memref<64x200xi32, #tpu.memory_space<vmem>>, vector<16xi32>,
      %mul3A_350 = arith.constant 200 : i32
      %mul3A_351 = arith.muli %scan3A_66, %mul3A_350 : i32
      %add3A_352 = arith.constant 160 : i32
      %add3A_353 = arith.addi %mul3A_351, %add3A_352 : i32
      %jit3A_354 = arith.constant -1 : i32
      %broadcast_in_dim3A_355 = vector.broadcast %jit3A_354 : i32 to vector<16xi32>
      %select_n3A_356 = arith.select %eq3A_71, %get3A_349, %broadcast_in_dim3A_355 : vector<16xi1>, vector<16xi32>
      %swap3A_357 = arith.index_cast %add3A_353 : i32 to index
      %swap3A_358 = tpu.vector_load %arg11[%swap3A_357] {strides = array<i32>} : memref<12800xi32, #tpu.memory_space<vmem>>, vector<16xi32>,
      tpu.vector_store %arg11[%swap3A_357], %select_n3A_356 {strides = array<i32>} : memref<12800xi32, #tpu.memory_space<vmem>>, vector<16xi32>,
      %jit3A_359 = arith.constant -1 : i32
      %broadcast_in_dim3A_360 = vector.broadcast %jit3A_359 : i32 to vector<16xi32>
      %select_n3A_361 = arith.select %eq3A_74, %get3A_349, %broadcast_in_dim3A_360 : vector<16xi1>, vector<16xi32>
      %swap3A_362 = arith.index_cast %add3A_353 : i32 to index
      %swap3A_363 = tpu.vector_load %arg12[%swap3A_362] {strides = array<i32>} : memref<12800xi32, #tpu.memory_space<vmem>>, vector<16xi32>,
      tpu.vector_store %arg12[%swap3A_362], %select_n3A_361 {strides = array<i32>} : memref<12800xi32, #tpu.memory_space<vmem>>, vector<16xi32>,
      %jit3A_364 = arith.constant -1 : i32
      %broadcast_in_dim3A_365 = vector.broadcast %jit3A_364 : i32 to vector<16xi32>
      %select_n3A_366 = arith.select %eq3A_77, %get3A_349, %broadcast_in_dim3A_365 : vector<16xi1>, vector<16xi32>
      %swap3A_367 = arith.index_cast %add3A_353 : i32 to index
      %swap3A_368 = tpu.vector_load %arg13[%swap3A_367] {strides = array<i32>} : memref<12800xi32, #tpu.memory_space<vmem>>, vector<16xi32>,
      tpu.vector_store %arg13[%swap3A_367], %select_n3A_366 {strides = array<i32>} : memref<12800xi32, #tpu.memory_space<vmem>>, vector<16xi32>,
      %jit3A_369 = arith.constant -1 : i32
      %broadcast_in_dim3A_370 = vector.broadcast %jit3A_369 : i32 to vector<16xi32>
      %select_n3A_371 = arith.select %eq3A_80, %get3A_349, %broadcast_in_dim3A_370 : vector<16xi1>, vector<16xi32>
      %swap3A_372 = arith.index_cast %add3A_353 : i32 to index
      %swap3A_373 = tpu.vector_load %arg14[%swap3A_372] {strides = array<i32>} : memref<12800xi32, #tpu.memory_space<vmem>>, vector<16xi32>,
      tpu.vector_store %arg14[%swap3A_372], %select_n3A_371 {strides = array<i32>} : memref<12800xi32, #tpu.memory_space<vmem>>, vector<16xi32>,
      %get3A_374 = arith.index_cast %scan3A_66 : i32 to index
      %get3A_375 = arith.constant 176 : index
      %get3A_376 = tpu.vector_load %arg8[%get3A_374, %get3A_375] {strides = array<i32>} : memref<64x200xi32, #tpu.memory_space<vmem>>, vector<16xi32>,
      %mul3A_377 = arith.constant 200 : i32
      %mul3A_378 = arith.muli %scan3A_66, %mul3A_377 : i32
      %add3A_379 = arith.constant 176 : i32
      %add3A_380 = arith.addi %mul3A_378, %add3A_379 : i32
      %jit3A_381 = arith.constant -1 : i32
      %broadcast_in_dim3A_382 = vector.broadcast %jit3A_381 : i32 to vector<16xi32>
      %select_n3A_383 = arith.select %eq3A_71, %get3A_376, %broadcast_in_dim3A_382 : vector<16xi1>, vector<16xi32>
      %swap3A_384 = arith.index_cast %add3A_380 : i32 to index
      %swap3A_385 = tpu.vector_load %arg11[%swap3A_384] {strides = array<i32>} : memref<12800xi32, #tpu.memory_space<vmem>>, vector<16xi32>,
      tpu.vector_store %arg11[%swap3A_384], %select_n3A_383 {strides = array<i32>} : memref<12800xi32, #tpu.memory_space<vmem>>, vector<16xi32>,
      %jit3A_386 = arith.constant -1 : i32
      %broadcast_in_dim3A_387 = vector.broadcast %jit3A_386 : i32 to vector<16xi32>
      %select_n3A_388 = arith.select %eq3A_74, %get3A_376, %broadcast_in_dim3A_387 : vector<16xi1>, vector<16xi32>
      %swap3A_389 = arith.index_cast %add3A_380 : i32 to index
      %swap3A_390 = tpu.vector_load %arg12[%swap3A_389] {strides = array<i32>} : memref<12800xi32, #tpu.memory_space<vmem>>, vector<16xi32>,
      tpu.vector_store %arg12[%swap3A_389], %select_n3A_388 {strides = array<i32>} : memref<12800xi32, #tpu.memory_space<vmem>>, vector<16xi32>,
      %jit3A_391 = arith.constant -1 : i32
      %broadcast_in_dim3A_392 = vector.broadcast %jit3A_391 : i32 to vector<16xi32>
      %select_n3A_393 = arith.select %eq3A_77, %get3A_376, %broadcast_in_dim3A_392 : vector<16xi1>, vector<16xi32>
      %swap3A_394 = arith.index_cast %add3A_380 : i32 to index
      %swap3A_395 = tpu.vector_load %arg13[%swap3A_394] {strides = array<i32>} : memref<12800xi32, #tpu.memory_space<vmem>>, vector<16xi32>,
      tpu.vector_store %arg13[%swap3A_394], %select_n3A_393 {strides = array<i32>} : memref<12800xi32, #tpu.memory_space<vmem>>, vector<16xi32>,
      %jit3A_396 = arith.constant -1 : i32
      %broadcast_in_dim3A_397 = vector.broadcast %jit3A_396 : i32 to vector<16xi32>
      %select_n3A_398 = arith.select %eq3A_80, %get3A_376, %broadcast_in_dim3A_397 : vector<16xi1>, vector<16xi32>
      %swap3A_399 = arith.index_cast %add3A_380 : i32 to index
      %swap3A_400 = tpu.vector_load %arg14[%swap3A_399] {strides = array<i32>} : memref<12800xi32, #tpu.memory_space<vmem>>, vector<16xi32>,
      tpu.vector_store %arg14[%swap3A_399], %select_n3A_398 {strides = array<i32>} : memref<12800xi32, #tpu.memory_space<vmem>>, vector<16xi32>,
      %get3A_401 = arith.index_cast %scan3A_66 : i32 to index
      %get3A_402 = arith.constant 184 : index
      %get3A_403 = tpu.vector_load %arg8[%get3A_401, %get3A_402] {strides = array<i32>} : memref<64x200xi32, #tpu.memory_space<vmem>>, vector<16xi32>,
      %mul3A_404 = arith.constant 200 : i32
      %mul3A_405 = arith.muli %scan3A_66, %mul3A_404 : i32
      %add3A_406 = arith.constant 184 : i32
      %add3A_407 = arith.addi %mul3A_405, %add3A_406 : i32
      %jit3A_408 = arith.constant -1 : i32
      %broadcast_in_dim3A_409 = vector.broadcast %jit3A_408 : i32 to vector<16xi32>
      %select_n3A_410 = arith.select %eq3A_71, %get3A_403, %broadcast_in_dim3A_409 : vector<16xi1>, vector<16xi32>
      %swap3A_411 = arith.index_cast %add3A_407 : i32 to index
      %swap3A_412 = tpu.vector_load %arg11[%swap3A_411] {strides = array<i32>} : memref<12800xi32, #tpu.memory_space<vmem>>, vector<16xi32>,
      tpu.vector_store %arg11[%swap3A_411], %select_n3A_410 {strides = array<i32>} : memref<12800xi32, #tpu.memory_space<vmem>>, vector<16xi32>,
      %jit3A_413 = arith.constant -1 : i32
      %broadcast_in_dim3A_414 = vector.broadcast %jit3A_413 : i32 to vector<16xi32>
      %select_n3A_415 = arith.select %eq3A_74, %get3A_403, %broadcast_in_dim3A_414 : vector<16xi1>, vector<16xi32>
      %swap3A_416 = arith.index_cast %add3A_407 : i32 to index
      %swap3A_417 = tpu.vector_load %arg12[%swap3A_416] {strides = array<i32>} : memref<12800xi32, #tpu.memory_space<vmem>>, vector<16xi32>,
      tpu.vector_store %arg12[%swap3A_416], %select_n3A_415 {strides = array<i32>} : memref<12800xi32, #tpu.memory_space<vmem>>, vector<16xi32>,
      %jit3A_418 = arith.constant -1 : i32
      %broadcast_in_dim3A_419 = vector.broadcast %jit3A_418 : i32 to vector<16xi32>
      %select_n3A_420 = arith.select %eq3A_77, %get3A_403, %broadcast_in_dim3A_419 : vector<16xi1>, vector<16xi32>
      %swap3A_421 = arith.index_cast %add3A_407 : i32 to index
      %swap3A_422 = tpu.vector_load %arg13[%swap3A_421] {strides = array<i32>} : memref<12800xi32, #tpu.memory_space<vmem>>, vector<16xi32>,
      tpu.vector_store %arg13[%swap3A_421], %select_n3A_420 {strides = array<i32>} : memref<12800xi32, #tpu.memory_space<vmem>>, vector<16xi32>,
      %jit3A_423 = arith.constant -1 : i32
      %broadcast_in_dim3A_424 = vector.broadcast %jit3A_423 : i32 to vector<16xi32>
      %select_n3A_425 = arith.select %eq3A_80, %get3A_403, %broadcast_in_dim3A_424 : vector<16xi1>, vector<16xi32>
      %swap3A_426 = arith.index_cast %add3A_407 : i32 to index
      %swap3A_427 = tpu.vector_load %arg14[%swap3A_426] {strides = array<i32>} : memref<12800xi32, #tpu.memory_space<vmem>>, vector<16xi32>,
      tpu.vector_store %arg14[%swap3A_426], %select_n3A_425 {strides = array<i32>} : memref<12800xi32, #tpu.memory_space<vmem>>, vector<16xi32>,
    }
    %scan3A_45 = arith.constant 64 : i32
    %mul3A_46 = arith.constant 25600 : i32
    %mul3A_47 = arith.muli %add3A, %mul3A_46 : i32
    %add3A_48 = arith.constant 12800 : i32
    %add3A_49 = arith.addi %mul3A_47, %add3A_48 : i32
    %dma_start3A_50 = tpu.memref_slice %arg4[%add3A_49] : memref<819200xi32, #tpu.memory_space<hbm>> -> memref<12800xi32, #tpu.memory_space<hbm>>
    %dma_start3A_51 = tpu.memref_slice %arg4[%add3A_49] : memref<819200xi32, #tpu.memory_space<hbm>> -> memref<12800xi32, #tpu.memory_space<hbm>>
    tpu.enqueue_dma source(%arg11 : memref<12800xi32, #tpu.memory_space<vmem>>) target(%dma_start3A_51 : memref<12800xi32, #tpu.memory_space<hbm>>) target_semaphore(%arg15 : memref<!tpu.dma_semaphore, #tpu.memory_space<semaphore_mem>>)
    %dma_start3A_52 = tpu.memref_slice %arg5[%add3A_49] : memref<819200xi32, #tpu.memory_space<hbm>> -> memref<12800xi32, #tpu.memory_space<hbm>>
    %dma_start3A_53 = tpu.memref_slice %arg5[%add3A_49] : memref<819200xi32, #tpu.memory_space<hbm>> -> memref<12800xi32, #tpu.memory_space<hbm>>
    tpu.enqueue_dma source(%arg12 : memref<12800xi32, #tpu.memory_space<vmem>>) target(%dma_start3A_53 : memref<12800xi32, #tpu.memory_space<hbm>>) target_semaphore(%arg15 : memref<!tpu.dma_semaphore, #tpu.memory_space<semaphore_mem>>)
    %dma_start3A_54 = tpu.memref_slice %arg6[%add3A_49] : memref<819200xi32, #tpu.memory_space<hbm>> -> memref<12800xi32, #tpu.memory_space<hbm>>
    %dma_start3A_55 = tpu.memref_slice %arg6[%add3A_49] : memref<819200xi32, #tpu.memory_space<hbm>> -> memref<12800xi32, #tpu.memory_space<hbm>>
    tpu.enqueue_dma source(%arg13 : memref<12800xi32, #tpu.memory_space<vmem>>) target(%dma_start3A_55 : memref<12800xi32, #tpu.memory_space<hbm>>) target_semaphore(%arg15 : memref<!tpu.dma_semaphore, #tpu.memory_space<semaphore_mem>>)
    %dma_start3A_56 = tpu.memref_slice %arg7[%add3A_49] : memref<819200xi32, #tpu.memory_space<hbm>> -> memref<12800xi32, #tpu.memory_space<hbm>>
    %dma_start3A_57 = tpu.memref_slice %arg7[%add3A_49] : memref<819200xi32, #tpu.memory_space<hbm>> -> memref<12800xi32, #tpu.memory_space<hbm>>
    tpu.enqueue_dma source(%arg14 : memref<12800xi32, #tpu.memory_space<vmem>>) target(%dma_start3A_57 : memref<12800xi32, #tpu.memory_space<hbm>>) target_semaphore(%arg15 : memref<!tpu.dma_semaphore, #tpu.memory_space<semaphore_mem>>)
    %dma_wait3A_58 = tpu.memref_slice %arg4[%add3A_49] : memref<819200xi32, #tpu.memory_space<hbm>> -> memref<12800xi32, #tpu.memory_space<hbm>>
    %dma_wait3A_59 = tpu.memref_slice %arg4[%add3A_49] : memref<819200xi32, #tpu.memory_space<hbm>> -> memref<12800xi32, #tpu.memory_space<hbm>>
    tpu.wait_dma2 semaphore(%arg15 : memref<!tpu.dma_semaphore, #tpu.memory_space<semaphore_mem>>) src(%arg11 : memref<12800xi32, #tpu.memory_space<vmem>>) dst(%dma_wait3A_59 : memref<12800xi32, #tpu.memory_space<hbm>>)
    %dma_wait3A_60 = tpu.memref_slice %arg5[%add3A_49] : memref<819200xi32, #tpu.memory_space<hbm>> -> memref<12800xi32, #tpu.memory_space<hbm>>
    %dma_wait3A_61 = tpu.memref_slice %arg5[%add3A_49] : memref<819200xi32, #tpu.memory_space<hbm>> -> memref<12800xi32, #tpu.memory_space<hbm>>
    tpu.wait_dma2 semaphore(%arg15 : memref<!tpu.dma_semaphore, #tpu.memory_space<semaphore_mem>>) src(%arg12 : memref<12800xi32, #tpu.memory_space<vmem>>) dst(%dma_wait3A_61 : memref<12800xi32, #tpu.memory_space<hbm>>)
    %dma_wait3A_62 = tpu.memref_slice %arg6[%add3A_49] : memref<819200xi32, #tpu.memory_space<hbm>> -> memref<12800xi32, #tpu.memory_space<hbm>>
    %dma_wait3A_63 = tpu.memref_slice %arg6[%add3A_49] : memref<819200xi32, #tpu.memory_space<hbm>> -> memref<12800xi32, #tpu.memory_space<hbm>>
    tpu.wait_dma2 semaphore(%arg15 : memref<!tpu.dma_semaphore, #tpu.memory_space<semaphore_mem>>) src(%arg13 : memref<12800xi32, #tpu.memory_space<vmem>>) dst(%dma_wait3A_63 : memref<12800xi32, #tpu.memory_space<hbm>>)
    %dma_wait3A_64 = tpu.memref_slice %arg7[%add3A_49] : memref<819200xi32, #tpu.memory_space<hbm>> -> memref<12800xi32, #tpu.memory_space<hbm>>
    %dma_wait3A_65 = tpu.memref_slice %arg7[%add3A_49] : memref<819200xi32, #tpu.memory_space<hbm>> -> memref<12800xi32, #tpu.memory_space<hbm>>
    tpu.wait_dma2 semaphore(%arg15 : memref<!tpu.dma_semaphore, #tpu.memory_space<semaphore_mem>>) src(%arg14 : memref<12800xi32, #tpu.memory_space<vmem>>) dst(%dma_wait3A_65 : memref<12800xi32, #tpu.memory_space<hbm>>)
    return
  }
}

#map = affine_map<(d0, d1) -> (0)>
module attributes {stable_mosaic.version = 14 : i64} {
  func.func @_gather_next_body(%arg0: i32, %arg1: i32, %arg2: memref<819200xf32, #tpu.memory_space<hbm>>, %arg3: memref<819200xi32, #tpu.memory_space<hbm>>, %arg4: memref<1000001xf32, #tpu.memory_space<hbm>>, %arg5: memref<819200xf32, #tpu.memory_space<hbm>>, %arg6: memref<12800xi32, #tpu.memory_space<vmem>>, %arg7: memref<12800xf32, #tpu.memory_space<vmem>>, %arg8: memref<12800xi32, #tpu.memory_space<vmem>>, %arg9: memref<12800xf32, #tpu.memory_space<vmem>>, %arg10: memref<!tpu.dma_semaphore, #tpu.memory_space<semaphore_mem>>, %arg11: memref<!tpu.dma_semaphore, #tpu.memory_space<semaphore_mem>>) attributes {dimension_semantics = [#tpu.dimension_semantics<core_parallel>, #tpu.dimension_semantics<subcore_parallel>], iteration_bounds = array<i64: 2, 16>, scalar_prefetch = 0 : i64, scratch_operands = 6 : i64, tpu.core_type = #tpu.core_type<sc_vector_subcore>, window_params = [{transform_indices = #map}, {transform_indices = #map}, {transform_indices = #map}, {transform_indices = #map}]} {
    %mul3A = arith.constant 2 : i32
    %mul3A_0 = arith.muli %arg1, %mul3A : i32
    %add3A = arith.addi %mul3A_0, %arg0 : i32
    %mul3A_1 = arith.constant 25600 : i32
    %mul3A_2 = arith.muli %add3A, %mul3A_1 : i32
    %add3A_3 = arith.constant 0 : i32
    %add3A_4 = arith.addi %mul3A_2, %add3A_3 : i32
    %mul3A_5 = arith.constant 25600 : i32
    %mul3A_6 = arith.muli %add3A, %mul3A_5 : i32
    %add3A_7 = arith.constant 12800 : i32
    %add3A_8 = arith.addi %mul3A_6, %add3A_7 : i32
    %dma_start3A = tpu.memref_slice %arg2[%add3A_4] : memref<819200xf32, #tpu.memory_space<hbm>> -> memref<12800xf32, #tpu.memory_space<hbm>>
    %dma_start3A_9 = tpu.memref_slice %arg2[%add3A_4] : memref<819200xf32, #tpu.memory_space<hbm>> -> memref<12800xf32, #tpu.memory_space<hbm>>
    tpu.enqueue_dma source(%dma_start3A_9 : memref<12800xf32, #tpu.memory_space<hbm>>) target(%arg7 : memref<12800xf32, #tpu.memory_space<vmem>>) target_semaphore(%arg10 : memref<!tpu.dma_semaphore, #tpu.memory_space<semaphore_mem>>)
    %dma_start3A_10 = tpu.memref_slice %arg3[%add3A_4] : memref<819200xi32, #tpu.memory_space<hbm>> -> memref<12800xi32, #tpu.memory_space<hbm>>
    %dma_start3A_11 = tpu.memref_slice %arg3[%add3A_4] : memref<819200xi32, #tpu.memory_space<hbm>> -> memref<12800xi32, #tpu.memory_space<hbm>>
    tpu.enqueue_dma source(%dma_start3A_11 : memref<12800xi32, #tpu.memory_space<hbm>>) target(%arg6 : memref<12800xi32, #tpu.memory_space<vmem>>) target_semaphore(%arg10 : memref<!tpu.dma_semaphore, #tpu.memory_space<semaphore_mem>>)
    %dma_start3A_12 = tpu.memref_slice %arg2[%add3A_8] : memref<819200xf32, #tpu.memory_space<hbm>> -> memref<12800xf32, #tpu.memory_space<hbm>>
    %dma_start3A_13 = tpu.memref_slice %arg2[%add3A_8] : memref<819200xf32, #tpu.memory_space<hbm>> -> memref<12800xf32, #tpu.memory_space<hbm>>
    tpu.enqueue_dma source(%dma_start3A_13 : memref<12800xf32, #tpu.memory_space<hbm>>) target(%arg9 : memref<12800xf32, #tpu.memory_space<vmem>>) target_semaphore(%arg11 : memref<!tpu.dma_semaphore, #tpu.memory_space<semaphore_mem>>)
    %dma_start3A_14 = tpu.memref_slice %arg3[%add3A_8] : memref<819200xi32, #tpu.memory_space<hbm>> -> memref<12800xi32, #tpu.memory_space<hbm>>
    %dma_start3A_15 = tpu.memref_slice %arg3[%add3A_8] : memref<819200xi32, #tpu.memory_space<hbm>> -> memref<12800xi32, #tpu.memory_space<hbm>>
    tpu.enqueue_dma source(%dma_start3A_15 : memref<12800xi32, #tpu.memory_space<hbm>>) target(%arg8 : memref<12800xi32, #tpu.memory_space<vmem>>) target_semaphore(%arg11 : memref<!tpu.dma_semaphore, #tpu.memory_space<semaphore_mem>>)
    %dma_wait3A = tpu.memref_slice %arg2[%add3A_4] : memref<819200xf32, #tpu.memory_space<hbm>> -> memref<12800xf32, #tpu.memory_space<hbm>>
    %dma_wait3A_16 = tpu.memref_slice %arg2[%add3A_4] : memref<819200xf32, #tpu.memory_space<hbm>> -> memref<12800xf32, #tpu.memory_space<hbm>>
    tpu.wait_dma2 semaphore(%arg10 : memref<!tpu.dma_semaphore, #tpu.memory_space<semaphore_mem>>) src(%dma_wait3A_16 : memref<12800xf32, #tpu.memory_space<hbm>>) dst(%arg7 : memref<12800xf32, #tpu.memory_space<vmem>>)
    %dma_wait3A_17 = tpu.memref_slice %arg3[%add3A_4] : memref<819200xi32, #tpu.memory_space<hbm>> -> memref<12800xi32, #tpu.memory_space<hbm>>
    %dma_wait3A_18 = tpu.memref_slice %arg3[%add3A_4] : memref<819200xi32, #tpu.memory_space<hbm>> -> memref<12800xi32, #tpu.memory_space<hbm>>
    tpu.wait_dma2 semaphore(%arg10 : memref<!tpu.dma_semaphore, #tpu.memory_space<semaphore_mem>>) src(%dma_wait3A_18 : memref<12800xi32, #tpu.memory_space<hbm>>) dst(%arg6 : memref<12800xi32, #tpu.memory_space<vmem>>)
    %dma_start3A_19 = arith.constant 0 : i32
    %dma_start3A_20 = tpu.memref_slice %arg4[%dma_start3A_19] : memref<1000001xf32, #tpu.memory_space<hbm>> -> memref<1000001xf32, #tpu.memory_space<hbm>>
    %dma_start3A_21 = arith.constant -1 : i32
    tpu.enqueue_indirect_dma source(%dma_start3A_20 : memref<1000001xf32, #tpu.memory_space<hbm>>) target(%arg7 : memref<12800xf32, #tpu.memory_space<vmem>>) offsets(%arg6 : memref<12800xi32, #tpu.memory_space<vmem>>) offset_filter(%dma_start3A_21) semaphore(%arg10 : memref<!tpu.dma_semaphore, #tpu.memory_space<semaphore_mem>>)
    %dma_wait3A_22 = tpu.memref_slice %arg2[%add3A_8] : memref<819200xf32, #tpu.memory_space<hbm>> -> memref<12800xf32, #tpu.memory_space<hbm>>
    %dma_wait3A_23 = tpu.memref_slice %arg2[%add3A_8] : memref<819200xf32, #tpu.memory_space<hbm>> -> memref<12800xf32, #tpu.memory_space<hbm>>
    tpu.wait_dma2 semaphore(%arg11 : memref<!tpu.dma_semaphore, #tpu.memory_space<semaphore_mem>>) src(%dma_wait3A_23 : memref<12800xf32, #tpu.memory_space<hbm>>) dst(%arg9 : memref<12800xf32, #tpu.memory_space<vmem>>)
    %dma_wait3A_24 = tpu.memref_slice %arg3[%add3A_8] : memref<819200xi32, #tpu.memory_space<hbm>> -> memref<12800xi32, #tpu.memory_space<hbm>>
    %dma_wait3A_25 = tpu.memref_slice %arg3[%add3A_8] : memref<819200xi32, #tpu.memory_space<hbm>> -> memref<12800xi32, #tpu.memory_space<hbm>>
    tpu.wait_dma2 semaphore(%arg11 : memref<!tpu.dma_semaphore, #tpu.memory_space<semaphore_mem>>) src(%dma_wait3A_25 : memref<12800xi32, #tpu.memory_space<hbm>>) dst(%arg8 : memref<12800xi32, #tpu.memory_space<vmem>>)
    %dma_start3A_26 = arith.constant 0 : i32
    %dma_start3A_27 = tpu.memref_slice %arg4[%dma_start3A_26] : memref<1000001xf32, #tpu.memory_space<hbm>> -> memref<1000001xf32, #tpu.memory_space<hbm>>
    %dma_start3A_28 = arith.constant -1 : i32
    tpu.enqueue_indirect_dma source(%dma_start3A_27 : memref<1000001xf32, #tpu.memory_space<hbm>>) target(%arg9 : memref<12800xf32, #tpu.memory_space<vmem>>) offsets(%arg8 : memref<12800xi32, #tpu.memory_space<vmem>>) offset_filter(%dma_start3A_28) semaphore(%arg11 : memref<!tpu.dma_semaphore, #tpu.memory_space<semaphore_mem>>)
    %dma_wait3A_29 = arith.constant 0 : i32
    %dma_wait3A_30 = tpu.memref_slice %arg4[%dma_wait3A_29] : memref<1000001xf32, #tpu.memory_space<hbm>> -> memref<1000001xf32, #tpu.memory_space<hbm>>
    tpu.wait_indirect_dma semaphore(%arg10 : memref<!tpu.dma_semaphore, #tpu.memory_space<semaphore_mem>>) src(%dma_wait3A_30 : memref<1000001xf32, #tpu.memory_space<hbm>>) dst(%arg7 : memref<12800xf32, #tpu.memory_space<vmem>>)
    "tpu.region"() ({
      %run_scoped3A = tpu.sem_alloc : memref<!tpu.dma_semaphore, #tpu.memory_space<semaphore_mem>>
      %dma_start3A_33 = tpu.memref_slice %arg5[%add3A_4] : memref<819200xf32, #tpu.memory_space<hbm>> -> memref<12800xf32, #tpu.memory_space<hbm>>
      %dma_start3A_34 = tpu.memref_slice %arg5[%add3A_4] : memref<819200xf32, #tpu.memory_space<hbm>> -> memref<12800xf32, #tpu.memory_space<hbm>>
      tpu.enqueue_dma source(%arg7 : memref<12800xf32, #tpu.memory_space<vmem>>) target(%dma_start3A_34 : memref<12800xf32, #tpu.memory_space<hbm>>) target_semaphore(%run_scoped3A : memref<!tpu.dma_semaphore, #tpu.memory_space<semaphore_mem>>)
      %dma_wait3A_35 = tpu.memref_slice %arg5[%add3A_4] : memref<819200xf32, #tpu.memory_space<hbm>> -> memref<12800xf32, #tpu.memory_space<hbm>>
      %dma_wait3A_36 = tpu.memref_slice %arg5[%add3A_4] : memref<819200xf32, #tpu.memory_space<hbm>> -> memref<12800xf32, #tpu.memory_space<hbm>>
      tpu.wait_dma2 semaphore(%run_scoped3A : memref<!tpu.dma_semaphore, #tpu.memory_space<semaphore_mem>>) src(%arg7 : memref<12800xf32, #tpu.memory_space<vmem>>) dst(%dma_wait3A_36 : memref<12800xf32, #tpu.memory_space<hbm>>)
      tpu.yield
    }) : () -> ()
    %dma_wait3A_31 = arith.constant 0 : i32
    %dma_wait3A_32 = tpu.memref_slice %arg4[%dma_wait3A_31] : memref<1000001xf32, #tpu.memory_space<hbm>> -> memref<1000001xf32, #tpu.memory_space<hbm>>
    tpu.wait_indirect_dma semaphore(%arg11 : memref<!tpu.dma_semaphore, #tpu.memory_space<semaphore_mem>>) src(%dma_wait3A_32 : memref<1000001xf32, #tpu.memory_space<hbm>>) dst(%arg9 : memref<12800xf32, #tpu.memory_space<vmem>>)
    "tpu.region"() ({
      %run_scoped3A = tpu.sem_alloc : memref<!tpu.dma_semaphore, #tpu.memory_space<semaphore_mem>>
      %dma_start3A_33 = tpu.memref_slice %arg5[%add3A_8] : memref<819200xf32, #tpu.memory_space<hbm>> -> memref<12800xf32, #tpu.memory_space<hbm>>
      %dma_start3A_34 = tpu.memref_slice %arg5[%add3A_8] : memref<819200xf32, #tpu.memory_space<hbm>> -> memref<12800xf32, #tpu.memory_space<hbm>>
      tpu.enqueue_dma source(%arg9 : memref<12800xf32, #tpu.memory_space<vmem>>) target(%dma_start3A_34 : memref<12800xf32, #tpu.memory_space<hbm>>) target_semaphore(%run_scoped3A : memref<!tpu.dma_semaphore, #tpu.memory_space<semaphore_mem>>)
      %dma_wait3A_35 = tpu.memref_slice %arg5[%add3A_8] : memref<819200xf32, #tpu.memory_space<hbm>> -> memref<12800xf32, #tpu.memory_space<hbm>>
      %dma_wait3A_36 = tpu.memref_slice %arg5[%add3A_8] : memref<819200xf32, #tpu.memory_space<hbm>> -> memref<12800xf32, #tpu.memory_space<hbm>>
      tpu.wait_dma2 semaphore(%run_scoped3A : memref<!tpu.dma_semaphore, #tpu.memory_space<semaphore_mem>>) src(%arg9 : memref<12800xf32, #tpu.memory_space<vmem>>) dst(%dma_wait3A_36 : memref<12800xf32, #tpu.memory_space<hbm>>)
      tpu.yield
    }) : () -> ()
    return
  }
}

#map = affine_map<(d0, d1) -> (0)>
module attributes {stable_mosaic.version = 14 : i64} {
  func.func @_gather_first_body(%arg0: i32, %arg1: i32, %arg2: memref<819200xi32, #tpu.memory_space<hbm>>, %arg3: memref<1000001xf32, #tpu.memory_space<hbm>>, %arg4: memref<819200xf32, #tpu.memory_space<hbm>>, %arg5: memref<12800xi32, #tpu.memory_space<vmem>>, %arg6: memref<12800xf32, #tpu.memory_space<vmem>>, %arg7: memref<12800xi32, #tpu.memory_space<vmem>>, %arg8: memref<12800xf32, #tpu.memory_space<vmem>>, %arg9: memref<!tpu.dma_semaphore, #tpu.memory_space<semaphore_mem>>, %arg10: memref<!tpu.dma_semaphore, #tpu.memory_space<semaphore_mem>>) attributes {dimension_semantics = [#tpu.dimension_semantics<core_parallel>, #tpu.dimension_semantics<subcore_parallel>], iteration_bounds = array<i64: 2, 16>, scalar_prefetch = 0 : i64, scratch_operands = 6 : i64, tpu.core_type = #tpu.core_type<sc_vector_subcore>, window_params = [{transform_indices = #map}, {transform_indices = #map}, {transform_indices = #map}]} {
    %mul3A = arith.constant 2 : i32
    %mul3A_0 = arith.muli %arg1, %mul3A : i32
    %add3A = arith.addi %mul3A_0, %arg0 : i32
    %mul3A_1 = arith.constant 25600 : i32
    %mul3A_2 = arith.muli %add3A, %mul3A_1 : i32
    %add3A_3 = arith.constant 0 : i32
    %add3A_4 = arith.addi %mul3A_2, %add3A_3 : i32
    %mul3A_5 = arith.constant 25600 : i32
    %mul3A_6 = arith.muli %add3A, %mul3A_5 : i32
    %add3A_7 = arith.constant 12800 : i32
    %add3A_8 = arith.addi %mul3A_6, %add3A_7 : i32
    %dma_start3A = tpu.memref_slice %arg2[%add3A_4] : memref<819200xi32, #tpu.memory_space<hbm>> -> memref<12800xi32, #tpu.memory_space<hbm>>
    %dma_start3A_9 = tpu.memref_slice %arg2[%add3A_4] : memref<819200xi32, #tpu.memory_space<hbm>> -> memref<12800xi32, #tpu.memory_space<hbm>>
    tpu.enqueue_dma source(%dma_start3A_9 : memref<12800xi32, #tpu.memory_space<hbm>>) target(%arg5 : memref<12800xi32, #tpu.memory_space<vmem>>) target_semaphore(%arg9 : memref<!tpu.dma_semaphore, #tpu.memory_space<semaphore_mem>>)
    %dma_start3A_10 = tpu.memref_slice %arg2[%add3A_8] : memref<819200xi32, #tpu.memory_space<hbm>> -> memref<12800xi32, #tpu.memory_space<hbm>>
    %dma_start3A_11 = tpu.memref_slice %arg2[%add3A_8] : memref<819200xi32, #tpu.memory_space<hbm>> -> memref<12800xi32, #tpu.memory_space<hbm>>
    tpu.enqueue_dma source(%dma_start3A_11 : memref<12800xi32, #tpu.memory_space<hbm>>) target(%arg7 : memref<12800xi32, #tpu.memory_space<vmem>>) target_semaphore(%arg10 : memref<!tpu.dma_semaphore, #tpu.memory_space<semaphore_mem>>)
    %dma_wait3A = tpu.memref_slice %arg2[%add3A_4] : memref<819200xi32, #tpu.memory_space<hbm>> -> memref<12800xi32, #tpu.memory_space<hbm>>
    %dma_wait3A_12 = tpu.memref_slice %arg2[%add3A_4] : memref<819200xi32, #tpu.memory_space<hbm>> -> memref<12800xi32, #tpu.memory_space<hbm>>
    tpu.wait_dma2 semaphore(%arg9 : memref<!tpu.dma_semaphore, #tpu.memory_space<semaphore_mem>>) src(%dma_wait3A_12 : memref<12800xi32, #tpu.memory_space<hbm>>) dst(%arg5 : memref<12800xi32, #tpu.memory_space<vmem>>)
    %dma_start3A_13 = arith.constant 0 : i32
    %dma_start3A_14 = tpu.memref_slice %arg3[%dma_start3A_13] : memref<1000001xf32, #tpu.memory_space<hbm>> -> memref<1000001xf32, #tpu.memory_space<hbm>>
    %dma_start3A_15 = arith.constant -1 : i32
    tpu.enqueue_indirect_dma source(%dma_start3A_14 : memref<1000001xf32, #tpu.memory_space<hbm>>) target(%arg6 : memref<12800xf32, #tpu.memory_space<vmem>>) offsets(%arg5 : memref<12800xi32, #tpu.memory_space<vmem>>) offset_filter(%dma_start3A_15) semaphore(%arg9 : memref<!tpu.dma_semaphore, #tpu.memory_space<semaphore_mem>>)
    %dma_wait3A_16 = tpu.memref_slice %arg2[%add3A_8] : memref<819200xi32, #tpu.memory_space<hbm>> -> memref<12800xi32, #tpu.memory_space<hbm>>
    %dma_wait3A_17 = tpu.memref_slice %arg2[%add3A_8] : memref<819200xi32, #tpu.memory_space<hbm>> -> memref<12800xi32, #tpu.memory_space<hbm>>
    tpu.wait_dma2 semaphore(%arg10 : memref<!tpu.dma_semaphore, #tpu.memory_space<semaphore_mem>>) src(%dma_wait3A_17 : memref<12800xi32, #tpu.memory_space<hbm>>) dst(%arg7 : memref<12800xi32, #tpu.memory_space<vmem>>)
    %dma_start3A_18 = arith.constant 0 : i32
    %dma_start3A_19 = tpu.memref_slice %arg3[%dma_start3A_18] : memref<1000001xf32, #tpu.memory_space<hbm>> -> memref<1000001xf32, #tpu.memory_space<hbm>>
    %dma_start3A_20 = arith.constant -1 : i32
    tpu.enqueue_indirect_dma source(%dma_start3A_19 : memref<1000001xf32, #tpu.memory_space<hbm>>) target(%arg8 : memref<12800xf32, #tpu.memory_space<vmem>>) offsets(%arg7 : memref<12800xi32, #tpu.memory_space<vmem>>) offset_filter(%dma_start3A_20) semaphore(%arg10 : memref<!tpu.dma_semaphore, #tpu.memory_space<semaphore_mem>>)
    %dma_wait3A_21 = arith.constant 0 : i32
    %dma_wait3A_22 = tpu.memref_slice %arg3[%dma_wait3A_21] : memref<1000001xf32, #tpu.memory_space<hbm>> -> memref<1000001xf32, #tpu.memory_space<hbm>>
    tpu.wait_indirect_dma semaphore(%arg9 : memref<!tpu.dma_semaphore, #tpu.memory_space<semaphore_mem>>) src(%dma_wait3A_22 : memref<1000001xf32, #tpu.memory_space<hbm>>) dst(%arg6 : memref<12800xf32, #tpu.memory_space<vmem>>)
    "tpu.region"() ({
      %run_scoped3A = tpu.sem_alloc : memref<!tpu.dma_semaphore, #tpu.memory_space<semaphore_mem>>
      %dma_start3A_25 = tpu.memref_slice %arg4[%add3A_4] : memref<819200xf32, #tpu.memory_space<hbm>> -> memref<12800xf32, #tpu.memory_space<hbm>>
      %dma_start3A_26 = tpu.memref_slice %arg4[%add3A_4] : memref<819200xf32, #tpu.memory_space<hbm>> -> memref<12800xf32, #tpu.memory_space<hbm>>
      tpu.enqueue_dma source(%arg6 : memref<12800xf32, #tpu.memory_space<vmem>>) target(%dma_start3A_26 : memref<12800xf32, #tpu.memory_space<hbm>>) target_semaphore(%run_scoped3A : memref<!tpu.dma_semaphore, #tpu.memory_space<semaphore_mem>>)
      %dma_wait3A_27 = tpu.memref_slice %arg4[%add3A_4] : memref<819200xf32, #tpu.memory_space<hbm>> -> memref<12800xf32, #tpu.memory_space<hbm>>
      %dma_wait3A_28 = tpu.memref_slice %arg4[%add3A_4] : memref<819200xf32, #tpu.memory_space<hbm>> -> memref<12800xf32, #tpu.memory_space<hbm>>
      tpu.wait_dma2 semaphore(%run_scoped3A : memref<!tpu.dma_semaphore, #tpu.memory_space<semaphore_mem>>) src(%arg6 : memref<12800xf32, #tpu.memory_space<vmem>>) dst(%dma_wait3A_28 : memref<12800xf32, #tpu.memory_space<hbm>>)
      tpu.yield
    }) : () -> ()
    %dma_wait3A_23 = arith.constant 0 : i32
    %dma_wait3A_24 = tpu.memref_slice %arg3[%dma_wait3A_23] : memref<1000001xf32, #tpu.memory_space<hbm>> -> memref<1000001xf32, #tpu.memory_space<hbm>>
    tpu.wait_indirect_dma semaphore(%arg10 : memref<!tpu.dma_semaphore, #tpu.memory_space<semaphore_mem>>) src(%dma_wait3A_24 : memref<1000001xf32, #tpu.memory_space<hbm>>) dst(%arg8 : memref<12800xf32, #tpu.memory_space<vmem>>)
    "tpu.region"() ({
      %run_scoped3A = tpu.sem_alloc : memref<!tpu.dma_semaphore, #tpu.memory_space<semaphore_mem>>
      %dma_start3A_25 = tpu.memref_slice %arg4[%add3A_8] : memref<819200xf32, #tpu.memory_space<hbm>> -> memref<12800xf32, #tpu.memory_space<hbm>>
      %dma_start3A_26 = tpu.memref_slice %arg4[%add3A_8] : memref<819200xf32, #tpu.memory_space<hbm>> -> memref<12800xf32, #tpu.memory_space<hbm>>
      tpu.enqueue_dma source(%arg8 : memref<12800xf32, #tpu.memory_space<vmem>>) target(%dma_start3A_26 : memref<12800xf32, #tpu.memory_space<hbm>>) target_semaphore(%run_scoped3A : memref<!tpu.dma_semaphore, #tpu.memory_space<semaphore_mem>>)
      %dma_wait3A_27 = tpu.memref_slice %arg4[%add3A_8] : memref<819200xf32, #tpu.memory_space<hbm>> -> memref<12800xf32, #tpu.memory_space<hbm>>
      %dma_wait3A_28 = tpu.memref_slice %arg4[%add3A_8] : memref<819200xf32, #tpu.memory_space<hbm>> -> memref<12800xf32, #tpu.memory_space<hbm>>
      tpu.wait_dma2 semaphore(%run_scoped3A : memref<!tpu.dma_semaphore, #tpu.memory_space<semaphore_mem>>) src(%arg8 : memref<12800xf32, #tpu.memory_space<vmem>>) dst(%dma_wait3A_28 : memref<12800xf32, #tpu.memory_space<hbm>>)
      tpu.yield
    }) : () -> ()
    return
  }
}

#map = affine_map<(d0, d1) -> (0)>
module attributes {stable_mosaic.version = 14 : i64} {
  func.func @_gather_next_body(%arg0: i32, %arg1: i32, %arg2: memref<819200xf32, #tpu.memory_space<hbm>>, %arg3: memref<819200xi32, #tpu.memory_space<hbm>>, %arg4: memref<1000001xf32, #tpu.memory_space<hbm>>, %arg5: memref<819200xf32, #tpu.memory_space<hbm>>, %arg6: memref<12800xi32, #tpu.memory_space<vmem>>, %arg7: memref<12800xf32, #tpu.memory_space<vmem>>, %arg8: memref<12800xi32, #tpu.memory_space<vmem>>, %arg9: memref<12800xf32, #tpu.memory_space<vmem>>, %arg10: memref<!tpu.dma_semaphore, #tpu.memory_space<semaphore_mem>>, %arg11: memref<!tpu.dma_semaphore, #tpu.memory_space<semaphore_mem>>) attributes {dimension_semantics = [#tpu.dimension_semantics<core_parallel>, #tpu.dimension_semantics<subcore_parallel>], iteration_bounds = array<i64: 2, 16>, scalar_prefetch = 0 : i64, scratch_operands = 6 : i64, tpu.core_type = #tpu.core_type<sc_vector_subcore>, window_params = [{transform_indices = #map}, {transform_indices = #map}, {transform_indices = #map}, {transform_indices = #map}]} {
    %mul3A = arith.constant 2 : i32
    %mul3A_0 = arith.muli %arg1, %mul3A : i32
    %add3A = arith.addi %mul3A_0, %arg0 : i32
    %mul3A_1 = arith.constant 25600 : i32
    %mul3A_2 = arith.muli %add3A, %mul3A_1 : i32
    %add3A_3 = arith.constant 0 : i32
    %add3A_4 = arith.addi %mul3A_2, %add3A_3 : i32
    %mul3A_5 = arith.constant 25600 : i32
    %mul3A_6 = arith.muli %add3A, %mul3A_5 : i32
    %add3A_7 = arith.constant 12800 : i32
    %add3A_8 = arith.addi %mul3A_6, %add3A_7 : i32
    %dma_start3A = tpu.memref_slice %arg2[%add3A_4] : memref<819200xf32, #tpu.memory_space<hbm>> -> memref<12800xf32, #tpu.memory_space<hbm>>
    %dma_start3A_9 = tpu.memref_slice %arg2[%add3A_4] : memref<819200xf32, #tpu.memory_space<hbm>> -> memref<12800xf32, #tpu.memory_space<hbm>>
    tpu.enqueue_dma source(%dma_start3A_9 : memref<12800xf32, #tpu.memory_space<hbm>>) target(%arg7 : memref<12800xf32, #tpu.memory_space<vmem>>) target_semaphore(%arg10 : memref<!tpu.dma_semaphore, #tpu.memory_space<semaphore_mem>>)
    %dma_start3A_10 = tpu.memref_slice %arg3[%add3A_4] : memref<819200xi32, #tpu.memory_space<hbm>> -> memref<12800xi32, #tpu.memory_space<hbm>>
    %dma_start3A_11 = tpu.memref_slice %arg3[%add3A_4] : memref<819200xi32, #tpu.memory_space<hbm>> -> memref<12800xi32, #tpu.memory_space<hbm>>
    tpu.enqueue_dma source(%dma_start3A_11 : memref<12800xi32, #tpu.memory_space<hbm>>) target(%arg6 : memref<12800xi32, #tpu.memory_space<vmem>>) target_semaphore(%arg10 : memref<!tpu.dma_semaphore, #tpu.memory_space<semaphore_mem>>)
    %dma_start3A_12 = tpu.memref_slice %arg2[%add3A_8] : memref<819200xf32, #tpu.memory_space<hbm>> -> memref<12800xf32, #tpu.memory_space<hbm>>
    %dma_start3A_13 = tpu.memref_slice %arg2[%add3A_8] : memref<819200xf32, #tpu.memory_space<hbm>> -> memref<12800xf32, #tpu.memory_space<hbm>>
    tpu.enqueue_dma source(%dma_start3A_13 : memref<12800xf32, #tpu.memory_space<hbm>>) target(%arg9 : memref<12800xf32, #tpu.memory_space<vmem>>) target_semaphore(%arg11 : memref<!tpu.dma_semaphore, #tpu.memory_space<semaphore_mem>>)
    %dma_start3A_14 = tpu.memref_slice %arg3[%add3A_8] : memref<819200xi32, #tpu.memory_space<hbm>> -> memref<12800xi32, #tpu.memory_space<hbm>>
    %dma_start3A_15 = tpu.memref_slice %arg3[%add3A_8] : memref<819200xi32, #tpu.memory_space<hbm>> -> memref<12800xi32, #tpu.memory_space<hbm>>
    tpu.enqueue_dma source(%dma_start3A_15 : memref<12800xi32, #tpu.memory_space<hbm>>) target(%arg8 : memref<12800xi32, #tpu.memory_space<vmem>>) target_semaphore(%arg11 : memref<!tpu.dma_semaphore, #tpu.memory_space<semaphore_mem>>)
    %dma_wait3A = tpu.memref_slice %arg2[%add3A_4] : memref<819200xf32, #tpu.memory_space<hbm>> -> memref<12800xf32, #tpu.memory_space<hbm>>
    %dma_wait3A_16 = tpu.memref_slice %arg2[%add3A_4] : memref<819200xf32, #tpu.memory_space<hbm>> -> memref<12800xf32, #tpu.memory_space<hbm>>
    tpu.wait_dma2 semaphore(%arg10 : memref<!tpu.dma_semaphore, #tpu.memory_space<semaphore_mem>>) src(%dma_wait3A_16 : memref<12800xf32, #tpu.memory_space<hbm>>) dst(%arg7 : memref<12800xf32, #tpu.memory_space<vmem>>)
    %dma_wait3A_17 = tpu.memref_slice %arg3[%add3A_4] : memref<819200xi32, #tpu.memory_space<hbm>> -> memref<12800xi32, #tpu.memory_space<hbm>>
    %dma_wait3A_18 = tpu.memref_slice %arg3[%add3A_4] : memref<819200xi32, #tpu.memory_space<hbm>> -> memref<12800xi32, #tpu.memory_space<hbm>>
    tpu.wait_dma2 semaphore(%arg10 : memref<!tpu.dma_semaphore, #tpu.memory_space<semaphore_mem>>) src(%dma_wait3A_18 : memref<12800xi32, #tpu.memory_space<hbm>>) dst(%arg6 : memref<12800xi32, #tpu.memory_space<vmem>>)
    %dma_start3A_19 = arith.constant 0 : i32
    %dma_start3A_20 = tpu.memref_slice %arg4[%dma_start3A_19] : memref<1000001xf32, #tpu.memory_space<hbm>> -> memref<1000001xf32, #tpu.memory_space<hbm>>
    %dma_start3A_21 = arith.constant -1 : i32
    tpu.enqueue_indirect_dma source(%dma_start3A_20 : memref<1000001xf32, #tpu.memory_space<hbm>>) target(%arg7 : memref<12800xf32, #tpu.memory_space<vmem>>) offsets(%arg6 : memref<12800xi32, #tpu.memory_space<vmem>>) offset_filter(%dma_start3A_21) semaphore(%arg10 : memref<!tpu.dma_semaphore, #tpu.memory_space<semaphore_mem>>)
    %dma_wait3A_22 = tpu.memref_slice %arg2[%add3A_8] : memref<819200xf32, #tpu.memory_space<hbm>> -> memref<12800xf32, #tpu.memory_space<hbm>>
    %dma_wait3A_23 = tpu.memref_slice %arg2[%add3A_8] : memref<819200xf32, #tpu.memory_space<hbm>> -> memref<12800xf32, #tpu.memory_space<hbm>>
    tpu.wait_dma2 semaphore(%arg11 : memref<!tpu.dma_semaphore, #tpu.memory_space<semaphore_mem>>) src(%dma_wait3A_23 : memref<12800xf32, #tpu.memory_space<hbm>>) dst(%arg9 : memref<12800xf32, #tpu.memory_space<vmem>>)
    %dma_wait3A_24 = tpu.memref_slice %arg3[%add3A_8] : memref<819200xi32, #tpu.memory_space<hbm>> -> memref<12800xi32, #tpu.memory_space<hbm>>
    %dma_wait3A_25 = tpu.memref_slice %arg3[%add3A_8] : memref<819200xi32, #tpu.memory_space<hbm>> -> memref<12800xi32, #tpu.memory_space<hbm>>
    tpu.wait_dma2 semaphore(%arg11 : memref<!tpu.dma_semaphore, #tpu.memory_space<semaphore_mem>>) src(%dma_wait3A_25 : memref<12800xi32, #tpu.memory_space<hbm>>) dst(%arg8 : memref<12800xi32, #tpu.memory_space<vmem>>)
    %dma_start3A_26 = arith.constant 0 : i32
    %dma_start3A_27 = tpu.memref_slice %arg4[%dma_start3A_26] : memref<1000001xf32, #tpu.memory_space<hbm>> -> memref<1000001xf32, #tpu.memory_space<hbm>>
    %dma_start3A_28 = arith.constant -1 : i32
    tpu.enqueue_indirect_dma source(%dma_start3A_27 : memref<1000001xf32, #tpu.memory_space<hbm>>) target(%arg9 : memref<12800xf32, #tpu.memory_space<vmem>>) offsets(%arg8 : memref<12800xi32, #tpu.memory_space<vmem>>) offset_filter(%dma_start3A_28) semaphore(%arg11 : memref<!tpu.dma_semaphore, #tpu.memory_space<semaphore_mem>>)
    %dma_wait3A_29 = arith.constant 0 : i32
    %dma_wait3A_30 = tpu.memref_slice %arg4[%dma_wait3A_29] : memref<1000001xf32, #tpu.memory_space<hbm>> -> memref<1000001xf32, #tpu.memory_space<hbm>>
    tpu.wait_indirect_dma semaphore(%arg10 : memref<!tpu.dma_semaphore, #tpu.memory_space<semaphore_mem>>) src(%dma_wait3A_30 : memref<1000001xf32, #tpu.memory_space<hbm>>) dst(%arg7 : memref<12800xf32, #tpu.memory_space<vmem>>)
    "tpu.region"() ({
      %run_scoped3A = tpu.sem_alloc : memref<!tpu.dma_semaphore, #tpu.memory_space<semaphore_mem>>
      %dma_start3A_33 = tpu.memref_slice %arg5[%add3A_4] : memref<819200xf32, #tpu.memory_space<hbm>> -> memref<12800xf32, #tpu.memory_space<hbm>>
      %dma_start3A_34 = tpu.memref_slice %arg5[%add3A_4] : memref<819200xf32, #tpu.memory_space<hbm>> -> memref<12800xf32, #tpu.memory_space<hbm>>
      tpu.enqueue_dma source(%arg7 : memref<12800xf32, #tpu.memory_space<vmem>>) target(%dma_start3A_34 : memref<12800xf32, #tpu.memory_space<hbm>>) target_semaphore(%run_scoped3A : memref<!tpu.dma_semaphore, #tpu.memory_space<semaphore_mem>>)
      %dma_wait3A_35 = tpu.memref_slice %arg5[%add3A_4] : memref<819200xf32, #tpu.memory_space<hbm>> -> memref<12800xf32, #tpu.memory_space<hbm>>
      %dma_wait3A_36 = tpu.memref_slice %arg5[%add3A_4] : memref<819200xf32, #tpu.memory_space<hbm>> -> memref<12800xf32, #tpu.memory_space<hbm>>
      tpu.wait_dma2 semaphore(%run_scoped3A : memref<!tpu.dma_semaphore, #tpu.memory_space<semaphore_mem>>) src(%arg7 : memref<12800xf32, #tpu.memory_space<vmem>>) dst(%dma_wait3A_36 : memref<12800xf32, #tpu.memory_space<hbm>>)
      tpu.yield
    }) : () -> ()
    %dma_wait3A_31 = arith.constant 0 : i32
    %dma_wait3A_32 = tpu.memref_slice %arg4[%dma_wait3A_31] : memref<1000001xf32, #tpu.memory_space<hbm>> -> memref<1000001xf32, #tpu.memory_space<hbm>>
    tpu.wait_indirect_dma semaphore(%arg11 : memref<!tpu.dma_semaphore, #tpu.memory_space<semaphore_mem>>) src(%dma_wait3A_32 : memref<1000001xf32, #tpu.memory_space<hbm>>) dst(%arg9 : memref<12800xf32, #tpu.memory_space<vmem>>)
    "tpu.region"() ({
      %run_scoped3A = tpu.sem_alloc : memref<!tpu.dma_semaphore, #tpu.memory_space<semaphore_mem>>
      %dma_start3A_33 = tpu.memref_slice %arg5[%add3A_8] : memref<819200xf32, #tpu.memory_space<hbm>> -> memref<12800xf32, #tpu.memory_space<hbm>>
      %dma_start3A_34 = tpu.memref_slice %arg5[%add3A_8] : memref<819200xf32, #tpu.memory_space<hbm>> -> memref<12800xf32, #tpu.memory_space<hbm>>
      tpu.enqueue_dma source(%arg9 : memref<12800xf32, #tpu.memory_space<vmem>>) target(%dma_start3A_34 : memref<12800xf32, #tpu.memory_space<hbm>>) target_semaphore(%run_scoped3A : memref<!tpu.dma_semaphore, #tpu.memory_space<semaphore_mem>>)
      %dma_wait3A_35 = tpu.memref_slice %arg5[%add3A_8] : memref<819200xf32, #tpu.memory_space<hbm>> -> memref<12800xf32, #tpu.memory_space<hbm>>
      %dma_wait3A_36 = tpu.memref_slice %arg5[%add3A_8] : memref<819200xf32, #tpu.memory_space<hbm>> -> memref<12800xf32, #tpu.memory_space<hbm>>
      tpu.wait_dma2 semaphore(%run_scoped3A : memref<!tpu.dma_semaphore, #tpu.memory_space<semaphore_mem>>) src(%arg9 : memref<12800xf32, #tpu.memory_space<vmem>>) dst(%dma_wait3A_36 : memref<12800xf32, #tpu.memory_space<hbm>>)
      tpu.yield
    }) : () -> ()
    return
  }
}

</mosaic_0001>

<sc_bundles>
// kernel: _stratified_gather.10.cloned.1.call-start
scs
__scs_entry_jumppad:
0x0: {  	(pc) =	sbr.rel $0x88, $3  }
0x1: {  	(tag) =	ssettag $0x0;
	lr =	simm.s32 $0x1  }
0x2: {  	[smem:$0x3F9B] =	sst lr;
	_ =	strace $0xD0000000  }
0x3: {  	_ = 	snop  }
0x4: {  	_ = 	snop  }
0x5: {  	_ = 	snop  }
0x6: {  	_ = 	snop  }
0x7: {  	_ = 	snop  }
__scs_overlays_trampoline_lowered:
0x8: {  	[smem:$0x3FAA] =	sst s0  }
0x9: {  	[smem:$0x3FAB] =	sst s1  }
0xa: {  	[smem:$0x3FAC] =	sst s2  }
0xb: {  	[smem:$0x3FAD] =	sst s3  }
0xc: {  	[smem:$0x3FAE] =	sst s4  }
0xd: {  	[smem:$0x3FAF] =	sst s5  }
0xe: {  	[smem:$0x3FB0] =	sst s6  }
0xf: {  	[smem:$0x3FB1] =	sst s7  }
0x10: {  	[smem:$0x3FB2] =	sst s8  }
0x11: {  	[smem:$0x3FB3] =	sst s9;
	s0 =	simm.s32 @!p0 $0x0  }
0x12: {  	s1 =	sld [smem:$0x3F99];
	s0 =	simm.s32 @p0 $0x1  }
0x13: {  	[smem:$0x3FB4] =	sst s0;
	s0 =	simm.s32 @!p1 $0x0  }
0x14: {  	s2 =	sld [smem:$0x3F98];
	s0 =	simm.s32 @p1 $0x1  }
0x15: {  	[smem:$0x3FB5] =	sst s0;
	s0 =	simm.s32 @!p2 $0x0  }
0x16: {  	s3 =	sld [smem:$0x3FDB];
	s0 =	simm.s32 @p2 $0x1  }
0x17: {  	s4 =	simm.s32 $0x1BF5;
	[smem:$0x3FB7] =	sst s0  }
0x18: {  	s0 =	sld [smem:$0x3F9A];
	_ =	swait.ge [sflag:s4], $0x0  }
0x19: {  	s7 =	sld [smem:$0x3F9B]  }
0x1a: {  	s8 =	sadd.s32 $0xFFFFE003, lr  }
0x1b: {  	s9 =	sadd.s32 $0xFFFFFEF7, lr;
	s5 =	simm.s32 $0xFFFFFFFF;
	p2 =	slt.u32 s8, $0xFFFFF086  }
0x1c: {  	p1 =	slt.u32 s9, $0xF7A;
	s5 =	simm.s32 @!p2 $0x0  }
0x1d: {  	s5 =	simm.s32 @p1 $0x1;
	p0 =	seq.s32 s7, s2  }
0x1e: {  	s7 =	smul.u32 @!p0 $0xF7A, s2;
	p2 =	seq.s32 @!p0 s5, $0x0  }
0x1f: {  	s9 =	smul.u32 $0xF7A, s1;
	s8 =	simm.s32 @!p0 $0x1BF5;
	p2 =	por !p2, p0  }
0x20: {  	[sflag:s8] =	ssyncset.s32 @!p0 $0xFFFFF086;
	s6 =	sadd.s32 @!p0 s3, s7;
	s7 =	simm.s32 @!p0 $0x108  }
0x21: {  	s3 =	sadd.s32 s3, s9;
	s6 =	sadd.s32 @!p0 $0x88, s6;
	s7 =	simm.s32 @p2 $0x1082  }
0x22: {  	[simem:s7], [sflag:s8] =	dma.local @!p0 [hbm:s6], $0xF7A  }
0x23: {  	s9 =	sor.u32 $0xD0000000, s2;
	s6 =	simm.s32 $0x108;
	_ =	swait.ge @!p0 [sflag:s8], $0x0  }
0x24: {  	s3 =	sadd.s32 $0x88, s3;
	s6 =	simm.s32 @!p1 $0x1082;
	[sflag:s4] =	ssyncset.s32 $0xFFFFF086  }
0x25: {  	[simem:s6], [sflag:s4] =	dma.local [hbm:s3], $0xF7A  }
0x26: {  	[smem:$0x3F9B] =	sst s1;
	(tag) =	ssettag s2;
	_ =	strace s9  }
0x27: {  	s1 =	sld [smem:$0x3FAB]  }
0x28: {  	s2 =	sld [smem:$0x3FAC]  }
0x29: {  	s4 =	sld [smem:$0x3FAE]  }
0x2a: {  	p0 =	seq.s32 s5, $0x0;
	s5 =	sld [smem:$0x3FAF]  }
0x2b: {  	s6 =	sld [smem:$0x3FB0]  }
0x2c: {  	s7 =	sld [smem:$0x3FB1]  }
0x2d: {  	s3 =	simm.s32 $0x108;
	s8 =	sld [smem:$0x3FB2]  }
0x2e: {  	s3 =	simm.s32 @!p0 $0x1082;
	s9 =	sld [smem:$0x3FB3]  }
0x2f: {  	lr =	sadd.s32 s0, s3;
	s0 =	sld [smem:$0x3FAA]  }
0x30: {  	s3 =	sld [smem:$0x3FAD]  }
0x31: {  	[smem:$0x3FB6] =	sst s10  }
0x32: {  	s10 =	sld [smem:$0x3FB4];
	_ =	sdelay $0x3  }
0x33: {  	p0 =	seq.s32 s10, $0x1;
	s10 =	sld [smem:$0x3FB6];
	_ =	sdelay $0x3  }
0x34: {  	[smem:$0x3FB6] =	sst s10  }
0x35: {  	s10 =	sld [smem:$0x3FB5];
	_ =	sdelay $0x3  }
0x36: {  	p1 =	seq.s32 s10, $0x1;
	s10 =	sld [smem:$0x3FB6];
	_ =	sdelay $0x3  }
0x37: {  	[smem:$0x3FB6] =	sst s10  }
0x38: {  	s10 =	sld [smem:$0x3FB7]  }
0x39: {  	_ = 	snop;
	(pc) =	sbr.ind lr, $3  }
0x3a: {  	_ = 	snop  }
0x3b: {  	_ = 	snop  }
0x3c: {  	p2 =	seq.s32 s10, $0x1;
	s10 =	sld [smem:$0x3FB6]  }
0x3d: {  	_ =	shalt  }
0x3e: {  	_ =	shalt  }
0x3f: {  	_ =	shalt  }
0x40: {  	_ =	shalt  }
0x41: {  	_ =	shalt  }
0x42: {  	_ =	shalt  }
0x43: {  	_ =	shalt  }
0x44: {  	_ =	shalt  }
0x45: {  	_ =	shalt  }
0x46: {  	_ =	shalt  }
0x47: {  	_ =	shalt  }
0x48: {  	_ =	shalt  }
0x49: {  	_ =	shalt  }
0x4a: {  	_ =	shalt  }
0x4b: {  	_ =	shalt  }
0x4c: {  	_ =	shalt  }
0x4d: {  	_ =	shalt  }
0x4e: {  	_ =	shalt  }
0x4f: {  	_ =	shalt  }
0x50: {  	_ =	shalt  }
0x51: {  	_ =	shalt  }
0x52: {  	_ =	shalt  }
0x53: {  	_ =	shalt  }
0x54: {  	_ =	shalt  }
0x55: {  	_ =	shalt  }
0x56: {  	_ =	shalt  }
0x57: {  	_ =	shalt  }
0x58: {  	_ =	shalt  }
0x59: {  	_ =	shalt  }
0x5a: {  	_ =	shalt  }
0x5b: {  	_ =	shalt  }
0x5c: {  	_ =	shalt  }
0x5d: {  	_ =	shalt  }
0x5e: {  	_ =	shalt  }
0x5f: {  	_ =	shalt  }
0x60: {  	_ =	shalt  }
0x61: {  	_ =	shalt  }
0x62: {  	_ =	shalt  }
0x63: {  	_ =	shalt  }
0x64: {  	_ =	shalt  }
0x65: {  	_ =	shalt  }
0x66: {  	_ =	shalt  }
0x67: {  	_ =	shalt  }
0x68: {  	_ =	shalt  }
0x69: {  	_ =	shalt  }
0x6a: {  	_ =	shalt  }
0x6b: {  	_ =	shalt  }
0x6c: {  	_ =	shalt  }
0x6d: {  	_ =	shalt  }
0x6e: {  	_ =	shalt  }
0x6f: {  	_ =	shalt  }
0x70: {  	_ =	shalt  }
0x71: {  	_ =	shalt  }
0x72: {  	_ =	shalt  }
0x73: {  	_ =	shalt  }
0x74: {  	_ =	shalt  }
0x75: {  	_ =	shalt  }
0x76: {  	_ =	shalt  }
0x77: {  	_ =	shalt  }
0x78: {  	_ =	shalt  }
0x79: {  	_ =	shalt  }
0x7a: {  	_ =	shalt  }
0x7b: {  	_ =	shalt  }
0x7c: {  	_ =	shalt  }
0x7d: {  	_ =	shalt  }
0x7e: {  	_ =	shalt  }
0x7f: {  	_ =	shalt  }
0x80: {  	_ =	shalt  }
0x81: {  	_ =	shalt  }
0x82: {  	_ =	shalt  }
0x83: {  	_ =	shalt  }
0x84: {  	_ =	shalt  }
0x85: {  	_ =	shalt  }
0x86: {  	_ =	shalt  }
0x87: {  	_ =	shalt  }
.Lfunc_end0:
.L_simem_size_0:
called_computation.1_lowered:
.L_overlay_start_0:
0x88: {  	s2 =	sld [smem:$0x3FD9]  }
0x89: {  	s3 =	sld [smem:$0x3FFE];
	_ =	sdelay $0x1  }
0x8a: {  	s1 =	srdreg.scid  }
0x8b: {  	s0 =	sand.u32 $0x1, s1  }
0x8c: {  	s17 =	sshll.u32 s0, $0xA;
	s2 =	sadd.s32 s3, s2  }
0x8d: {  	s2 =	sadd.s32 s2, s17  }
0x8e: {  	[smem:$0x3FC2] =	sst s2  }
0x8f: {  	_ = 	snop  }
0x90: {  	s2 =	sld [smem:$0x3FC7]  }
0x91: {  	s18 =	sld [smem:$0x3FD0];
	(tm) =	ssettm $0x1  }
0x92: {  	s4 =	sld [smem:$0x3FFB];
	_ =	sdelay $0x3  }
0x93: {  	_ =	strace s4  }
0x94: {  	s4 =	sld [smem:$0x3FFC];
	_ =	sdelay $0x3  }
0x95: {  	_ =	strace s4  }
0x96: {  	s4 =	sld [smem:$0x3FFD];
	_ =	sdelay $0x3  }
0x97: {  	_ =	strace s4  }
0x98: {  	_ =	strace $0x8FFFFFFF  }
0x99: {  	s19 =	sld [smem:$0x3FDB];
	_ =	sdelay $0x1  }
0x9a: {  	s5 =	simm.s32 $_scs_section_size  }
0x9b: {  	s6 =	simm.s32 $_size__tile_overlayer_lowered;
	s7 =	simm.s32 $_tile_overlayer_lowered  }
0x9c: {  	s22 =	simm.s32 $0x1BFF;
	s21 =	sshll.u32 s7, $0x1;
	s4 =	sadd.s32 s5, s19  }
0x9d: {  	s8 =	simm.s32 $0x0;
	s20 =	sshll.u32 s6, $0x1;
	s6 =	sadd.s32 s21, s4  }
0x9e: {  	[timem:s8], [sflag:s22] =	dma.local [hbm:s6], s20  }
0x9f: {  	_ =	swait.ge [sflag:s22], s20  }
0xa0: {  	s5 =	ssub.s32 $0x0, s20;
	[sflag:s22] =	ssyncset.done $0x0  }
0xa1: {  	[sflag:s22] =	ssyncadd.s32 s5;
	_ =	sdelay $0x1  }
0xa2: {  	s23 =	simm.s32 $0x1B8B  }
0xa3: {  	_ =	swait.ge [sflag:s23], $0x1  }
0xa4: {  	[sflag:s23] =	ssyncset.done $0x0  }
0xa5: {  	s25 =	simm.s32 $0x1B8E;
	s24 =	sld [smem:$0x3FFE];
	[sflag:s23] =	ssyncadd.s32 $0xFFFFFFFF  }
0xa6: {  	s26 =	simm.s32 $execute0_lowered;
	[smem:$0x3FD2] =	sst s25  }
0xa7: {  	s6 =	sshll.u32 s26, $0x1;
	_ =	strace $0x80000049;
	[dreg:$0x1] =	wrdreg $0xFFFFFFFF  }
0xa8: {  	s28 =	simm.s32 $_size_execute0_lowered;
	s4 =	sadd.s32 s4, s6;
	[dreg:$0x0] =	wrdreg $0x0  }
0xa9: {  	s6 =	sshll.u32 s28, $0x1;
	[dreg:$0x2] =	wrdreg s4  }
0xaa: {  	[dreg:$0x3] =	wrdreg s6  }
0xab: {  	[dreg:$0x4] =	wrdreg $0xC0  }
0xac: {  	_ =	task [dreg:s8], $0x5FFFF  }
0xad: {  	[dreg:$0x1] =	wrdreg $0xFFFFFFFF  }
0xae: {  	[dreg:$0x0] =	wrdreg $0x60  }
0xaf: {  	[dreg:$0x2] =	wrdreg s18  }
0xb0: {  	[dreg:$0x3] =	wrdreg s2  }
0xb1: {  	[dreg:$0x4] =	wrdreg s24  }
0xb2: {  	[dreg:$0x5] =	wrdreg $0x9  }
0xb3: {  	_ =	task.clear_ibuf [dreg:s8], $0x6FFFF;
	_ =	strace $0x90000049  }
0xb4: {  	s29 =	simm.s32 $0x9;
	_ =	strace $0x8000004B  }
0xb5: {  	_ =	swait.ge [sflag:s29], $0x1  }
0xb6: {  	[sflag:s29] =	ssyncadd.s32 $0xFFFFFFFF  }
0xb7: {  	_ =	strace $0x9000004B  }
0xb8: {  	_ =	sfence  }
0xb9: {  	s30 =	sld [smem:$0x0];
	_ =	sdelay $0x2  }
0xba: {  	s31 =	sshll.u32 s1, $0xD;
	s1 =	sshrl.u32 s1, $0x2  }
0xbb: {  	s3 =	sand.u32 $0x4000, s31;
	s1 =	sadd.s32 s1, s30  }
0xbc: {  	s0 =	sor.u32 s3, s0;
	s1 =	sshll.u32 s1, $0x11  }
0xbd: {  	s0 =	sor.u32 s1, s0  }
0xbe: {  	s0 =	sadd.s32 $0x8F2B, s0  }
0xbf: {  	[sflag:s0] =	ssyncadd.remote.s32 $0x1  }
0xc0: {  	_ =	sfence.sel $0xFFFF  }
0xc1: {  	[dreg:$0x0] =	wrdreg $0xFFFFFFFF;
	(pc) =	sbr.abs _section_cstart, $3  }
0xc2: {  	[dreg:$0x1] =	wrdreg $0xFFFFFFFF  }
0xc3: {  	_ =	task.clear_ibuf [dreg:s8], $0x2FFFF;
	_ =	strace $0x9FFFFFFF  }
0xc4: {  	(tm) =	ssettm $0x7FFFFFFF  }
0xc5: {  	_ =	shalt  }
tec
execute0_lowered:
.L_overlay_start_1:
0x0: {  	(tag) =	ssettag $0x1  }
0x1: {  	s1 =	srdreg.scid;
	s0 =	stileid.u32  }
0x2: {  	s5 =	rddreg [dreg:$0x0];
	s13 =	sand.u32 $0x1, s1;
	s30 =	sshll.u32 s0, $0x1  }
0x3: {  	s2 =	rddreg [dreg:$0x1];
	s1 =	sor.u32 s13, s30  }
0x4: {  	s11 =	rddreg [dreg:$0x2];
	s3 =	simm.s32 $0x0;
	s4 =	smul.u32 $0x6400, s1  }
0x5: {  	[smem:$0x7FF] =	sst s3  }
0x6: {  	s1 =	rddreg [dreg:$0x3];
	s12 =	sshrl.u32 s4, $0x3  }
0x7: {  	_ =	strace $0x8000004A;
	s4 =	sadd.s32 s5, s12;
	s14 =	sadd.s32 $0x640, s12  }
0x8: {  	[tilespmem:s3], [sflag:$0x1] =	stream.linear.gather [hbm4b:s4+s3], $0x3200, $0x38;
	[tilespmem:$0xC800] =	vst v63  }
0x9: {  	s6 =	simm.s32 $0x6400;
	s7 =	simm.s32 $0x1;
	s5 =	sadd.s32 s5, s14  }
0xa: {  	[tilespmem:s6], [sflag:$0x2] =	stream.linear.gather [hbm4b:s5+s3], $0x3200, $0x38;
	[tilespmem:$0xC800] =	vst v63  }
0xb: {  	_ =	swait.ge [sflag:s7], $0x3200  }
0xc: {  	[sflag:s7] =	ssyncset.done $0x0  }
0xd: {  	[sflag:s7] =	ssyncadd.s32 $0xFFFFCE00;
	(ifvalue) =	ssetifvalue $0xFFFFFFFF  }
0xe: {  	s8 =	simm.s32 $0x3200;
	s9 =	simm.s32 $0x2;
	(ifvalue) =	ssetifvalue $0xFFFFFFFF  }
0xf: {  	[tilespmem:s8], [sflag:$0x1] =	stream.indirect.gather [hbm4b:s2+s8], $0x1, s3, s8, $0x40b8;
	[tilespmem:$0xC800] =	vst v63  }
0x10: {  	_ =	swait.ge [sflag:s9], $0x3200  }
0x11: {  	[sflag:s9] =	ssyncset.done $0x0  }
0x12: {  	[sflag:s9] =	ssyncadd.s32 $0xFFFFCE00;
	(ifvalue) =	ssetifvalue $0xFFFFFFFF  }
0x13: {  	s10 =	simm.s32 $0x9600;
	(ifvalue) =	ssetifvalue $0xFFFFFFFF  }
0x14: {  	[tilespmem:s10], [sflag:$0x2] =	stream.indirect.gather [hbm4b:s2+s8], $0x1, s6, s8, $0x40b8;
	[tilespmem:$0xC800] =	vst v63  }
0x15: {  	_ =	swait.ge [sflag:s7], $0x3200  }
0x16: {  	s15 =	sadd.s32 $0x1800, s11;
	s11 =	simm.s32 $0x3;
	[sflag:s7] =	ssyncset.done $0x0  }
0x17: {  	s13 =	ssub.s32 $0x2, s13;
	s12 =	sadd.s32 s15, s12;
	[sflag:s7] =	ssyncadd.s32 $0xFFFFCE00  }
0x18: {  	[hbm4b:s12+s3] =	stream.linear.scatter [tilespmem:s8], [sflag:$0x3], $0x3200, $0x38;
	[tilespmem:$0xC800] =	vst v63  }
0x19: {  	s16 =	sshrl.u32 s13, $0x1;
	_ =	swait.ge [sflag:s11], $0x3200  }
0x1a: {  	s16 =	ssub.s32 s13, s16;
	[sflag:s11] =	ssyncset.done $0x0  }
0x1b: {  	s31 =	smax.u32 s16, $0x1;
	[sflag:s11] =	ssyncadd.s32 $0xFFFFCE00  }
0x1c: {  	p0 =	sne.s32 s31, $0x1;
	_ =	swait.ge [sflag:s9], $0x3200  }
.Ltmp0:
0x1d: {  	[sflag:s9] =	ssyncset.done $0x0;
	(pc) =	sbr.rel @!p0 .LBB2_2-.Ltmp0, $4  }
0x1e: {  	s13 =	sadd.s32 s15, s14;
	[sflag:s9] =	ssyncadd.s32 $0xFFFFCE00  }
0x1f: {  	[hbm4b:s13+s3] =	stream.linear.scatter [tilespmem:s10], [sflag:$0x3], $0x3200, $0x38;
	[tilespmem:$0xC800] =	vst v63  }
0x20: {  	_ =	swait.ge [sflag:s11], $0x3200  }
0x21: {  	s14 =	sadd.s32 $0xFFFFFFFF, s31;
	[sflag:s11] =	ssyncset.done $0x0  }
.LBB2_1:
0x22: {  	p0 =	sne.s32 s14, $0x1;
	s14 =	sadd.s32 $0xFFFFFFFF, s14;
	[sflag:s11] =	ssyncadd.s32 $0xFFFFCE00  }
0x23: {  	[tilespmem:s3], [sflag:$0x1] =	stream.linear.gather [hbm4b:s4+s3], $0x3200, $0x38;
	[tilespmem:$0xC800] =	vst v63  }
0x24: {  	_ = 	snop  }
0x25: {  	[tilespmem:s6], [sflag:$0x2] =	stream.linear.gather [hbm4b:s5+s3], $0x3200, $0x38;
	[tilespmem:$0xC800] =	vst v63  }
0x26: {  	_ =	swait.ge [sflag:s7], $0x3200  }
0x27: {  	[sflag:s7] =	ssyncset.done $0x0  }
0x28: {  	[sflag:s7] =	ssyncadd.s32 $0xFFFFCE00  }
0x29: {  	(ifvalue) =	ssetifvalue $0xFFFFFFFF  }
0x2a: {  	(ifvalue) =	ssetifvalue $0xFFFFFFFF  }
0x2b: {  	[tilespmem:s8], [sflag:$0x1] =	stream.indirect.gather [hbm4b:s2+s8], $0x1, s3, s8, $0x40b8;
	[tilespmem:$0xC800] =	vst v63  }
0x2c: {  	_ =	swait.ge [sflag:s9], $0x3200  }
0x2d: {  	[sflag:s9] =	ssyncset.done $0x0  }
0x2e: {  	[sflag:s9] =	ssyncadd.s32 $0xFFFFCE00  }
0x2f: {  	(ifvalue) =	ssetifvalue $0xFFFFFFFF  }
0x30: {  	(ifvalue) =	ssetifvalue $0xFFFFFFFF  }
0x31: {  	[tilespmem:s10], [sflag:$0x2] =	stream.indirect.gather [hbm4b:s2+s8], $0x1, s6, s8, $0x40b8;
	[tilespmem:$0xC800] =	vst v63  }
0x32: {  	_ =	swait.ge [sflag:s7], $0x3200  }
0x33: {  	[sflag:s7] =	ssyncset.done $0x0  }
0x34: {  	[sflag:s7] =	ssyncadd.s32 $0xFFFFCE00  }
0x35: {  	[hbm4b:s12+s3] =	stream.linear.scatter [tilespmem:s8], [sflag:$0x3], $0x3200, $0x38;
	[tilespmem:$0xC800] =	vst v63  }
0x36: {  	_ =	swait.ge [sflag:s11], $0x3200  }
0x37: {  	[sflag:s11] =	ssyncset.done $0x0  }
0x38: {  	[sflag:s11] =	ssyncadd.s32 $0xFFFFCE00  }
0x39: {  	_ =	swait.ge [sflag:s9], $0x3200  }
.Ltmp1:
0x3a: {  	[sflag:s9] =	ssyncset.done $0x0;
	(pc) =	sbr.rel @p0 .LBB2_1-.Ltmp1, $4  }
0x3b: {  	[sflag:s9] =	ssyncadd.s32 $0xFFFFCE00  }
0x3c: {  	[hbm4b:s13+s3] =	stream.linear.scatter [tilespmem:s10], [sflag:$0x3], $0x3200, $0x38;
	[tilespmem:$0xC800] =	vst v63  }
0x3d: {  	_ =	swait.ge [sflag:s11], $0x3200  }
0x3e: {  	[sflag:s11] =	ssyncset.done $0x0  }
.LBB2_2:
0x3f: {  	[sflag:s11] =	ssyncadd.s32 $0xFFFFCE00  }
0x40: {  	_ =	sfence.sel $0x180000  }
0x41: {  	[bflag:$0x0] =	sbarrier.arrive $0xFFFF  }
0x42: {  	p0 =	sne.s32 s0, $0x0;
	_ =	strace $0x9000004A  }
0x43: {  	s0 =	sadd.s32 @!p0 $0x100000, s1;
	[bflag:$0x2] =	sbarrier.arrive $0xFFFF  }
0x44: {  	[sflag:s0] =	ssyncadd.tile.s32 @!p0 $0x1;
	_ =	shalt  }
.Lfunc_end2:
_tile_overlayer_lowered:
.L_overlay_start_2:
0x45: {  	(tag) =	ssettag $0x2  }
0x46: {  	s0 =	rddreg [dreg:$0x0];
	s2 =	stileid.u32  }
0x47: {  	s1 =	rddreg [dreg:$0x1];
	p0 =	sne.s32 s2, $0x0  }
0x48: {  	s3 =	rddreg [dreg:$0x2];
	[bflag:$0x3] =	sbarrier.arrive $0xFFFF;
	s2 =	simm.s32 @!p0 $0x1C03  }
0x49: {  	[timem:s3], [sflag:s2] =	dma.local @!p0 [hbm:s0], s1  }
0x4a: {  	s0 =	simm.s32 @!p0 $0x3  }
0x4b: {  	_ =	swait.ge @!p0 [sflag:s0], s1  }
0x4c: {  	s1 =	ssub.s32 @!p0 $0x0, s1;
	[sflag:s0] =	ssyncset.done @!p0 $0x0  }
0x4d: {  	[sflag:s0] =	ssyncadd.s32 @!p0 s1  }
0x4e: {  	[bflag:$0x3] =	sbarrier.arrive $0xFFFF  }
0x4f: {  	_ =	shalt  }

// kernel: _stratified_gather.13.cloned.1.call-start
scs
__scs_entry_jumppad:
0x0: {  	(pc) =	sbr.rel $0x88, $3  }
0x1: {  	(tag) =	ssettag $0x0;
	lr =	simm.s32 $0x1  }
0x2: {  	[smem:$0x3F9B] =	sst lr;
	_ =	strace $0xD0000000  }
0x3: {  	_ = 	snop  }
0x4: {  	_ = 	snop  }
0x5: {  	_ = 	snop  }
0x6: {  	_ = 	snop  }
0x7: {  	_ = 	snop  }
__scs_overlays_trampoline_lowered:
0x8: {  	[smem:$0x3FAA] =	sst s0  }
0x9: {  	[smem:$0x3FAB] =	sst s1  }
0xa: {  	[smem:$0x3FAC] =	sst s2  }
0xb: {  	[smem:$0x3FAD] =	sst s3  }
0xc: {  	[smem:$0x3FAE] =	sst s4  }
0xd: {  	[smem:$0x3FAF] =	sst s5  }
0xe: {  	[smem:$0x3FB0] =	sst s6  }
0xf: {  	[smem:$0x3FB1] =	sst s7  }
0x10: {  	[smem:$0x3FB2] =	sst s8  }
0x11: {  	[smem:$0x3FB3] =	sst s9;
	s0 =	simm.s32 @!p0 $0x0  }
0x12: {  	s1 =	sld [smem:$0x3F99];
	s0 =	simm.s32 @p0 $0x1  }
0x13: {  	[smem:$0x3FB4] =	sst s0;
	s0 =	simm.s32 @!p1 $0x0  }
0x14: {  	s2 =	sld [smem:$0x3F98];
	s0 =	simm.s32 @p1 $0x1  }
0x15: {  	[smem:$0x3FB5] =	sst s0;
	s0 =	simm.s32 @!p2 $0x0  }
0x16: {  	s3 =	sld [smem:$0x3FDB];
	s0 =	simm.s32 @p2 $0x1  }
0x17: {  	s4 =	simm.s32 $0x1BF5;
	[smem:$0x3FB7] =	sst s0  }
0x18: {  	s0 =	sld [smem:$0x3F9A];
	_ =	swait.ge [sflag:s4], $0x0  }
0x19: {  	s7 =	sld [smem:$0x3F9B]  }
0x1a: {  	s8 =	sadd.s32 $0xFFFFE003, lr  }
0x1b: {  	s9 =	sadd.s32 $0xFFFFFEF7, lr;
	s5 =	simm.s32 $0xFFFFFFFF;
	p2 =	slt.u32 s8, $0xFFFFF086  }
0x1c: {  	p1 =	slt.u32 s9, $0xF7A;
	s5 =	simm.s32 @!p2 $0x0  }
0x1d: {  	s5 =	simm.s32 @p1 $0x1;
	p0 =	seq.s32 s7, s2  }
0x1e: {  	s7 =	smul.u32 @!p0 $0xF7A, s2;
	p2 =	seq.s32 @!p0 s5, $0x0  }
0x1f: {  	s9 =	smul.u32 $0xF7A, s1;
	s8 =	simm.s32 @!p0 $0x1BF5;
	p2 =	por !p2, p0  }
0x20: {  	[sflag:s8] =	ssyncset.s32 @!p0 $0xFFFFF086;
	s6 =	sadd.s32 @!p0 s3, s7;
	s7 =	simm.s32 @!p0 $0x108  }
0x21: {  	s3 =	sadd.s32 s3, s9;
	s6 =	sadd.s32 @!p0 $0x88, s6;
	s7 =	simm.s32 @p2 $0x1082  }
0x22: {  	[simem:s7], [sflag:s8] =	dma.local @!p0 [hbm:s6], $0xF7A  }
0x23: {  	s9 =	sor.u32 $0xD0000000, s2;
	s6 =	simm.s32 $0x108;
	_ =	swait.ge @!p0 [sflag:s8], $0x0  }
0x24: {  	s3 =	sadd.s32 $0x88, s3;
	s6 =	simm.s32 @!p1 $0x1082;
	[sflag:s4] =	ssyncset.s32 $0xFFFFF086  }
0x25: {  	[simem:s6], [sflag:s4] =	dma.local [hbm:s3], $0xF7A  }
0x26: {  	[smem:$0x3F9B] =	sst s1;
	(tag) =	ssettag s2;
	_ =	strace s9  }
0x27: {  	s1 =	sld [smem:$0x3FAB]  }
0x28: {  	s2 =	sld [smem:$0x3FAC]  }
0x29: {  	s4 =	sld [smem:$0x3FAE]  }
0x2a: {  	p0 =	seq.s32 s5, $0x0;
	s5 =	sld [smem:$0x3FAF]  }
0x2b: {  	s6 =	sld [smem:$0x3FB0]  }
0x2c: {  	s7 =	sld [smem:$0x3FB1]  }
0x2d: {  	s3 =	simm.s32 $0x108;
	s8 =	sld [smem:$0x3FB2]  }
0x2e: {  	s3 =	simm.s32 @!p0 $0x1082;
	s9 =	sld [smem:$0x3FB3]  }
0x2f: {  	lr =	sadd.s32 s0, s3;
	s0 =	sld [smem:$0x3FAA]  }
0x30: {  	s3 =	sld [smem:$0x3FAD]  }
0x31: {  	[smem:$0x3FB6] =	sst s10  }
0x32: {  	s10 =	sld [smem:$0x3FB4];
	_ =	sdelay $0x3  }
0x33: {  	p0 =	seq.s32 s10, $0x1;
	s10 =	sld [smem:$0x3FB6];
	_ =	sdelay $0x3  }
0x34: {  	[smem:$0x3FB6] =	sst s10  }
0x35: {  	s10 =	sld [smem:$0x3FB5];
	_ =	sdelay $0x3  }
0x36: {  	p1 =	seq.s32 s10, $0x1;
	s10 =	sld [smem:$0x3FB6];
	_ =	sdelay $0x3  }
0x37: {  	[smem:$0x3FB6] =	sst s10  }
0x38: {  	s10 =	sld [smem:$0x3FB7]  }
0x39: {  	_ = 	snop;
	(pc) =	sbr.ind lr, $3  }
0x3a: {  	_ = 	snop  }
0x3b: {  	_ = 	snop  }
0x3c: {  	p2 =	seq.s32 s10, $0x1;
	s10 =	sld [smem:$0x3FB6]  }
0x3d: {  	_ =	shalt  }
0x3e: {  	_ =	shalt  }
0x3f: {  	_ =	shalt  }
0x40: {  	_ =	shalt  }
0x41: {  	_ =	shalt  }
0x42: {  	_ =	shalt  }
0x43: {  	_ =	shalt  }
0x44: {  	_ =	shalt  }
0x45: {  	_ =	shalt  }
0x46: {  	_ =	shalt  }
0x47: {  	_ =	shalt  }
0x48: {  	_ =	shalt  }
0x49: {  	_ =	shalt  }
0x4a: {  	_ =	shalt  }
0x4b: {  	_ =	shalt  }
0x4c: {  	_ =	shalt  }
0x4d: {  	_ =	shalt  }
0x4e: {  	_ =	shalt  }
0x4f: {  	_ =	shalt  }
0x50: {  	_ =	shalt  }
0x51: {  	_ =	shalt  }
0x52: {  	_ =	shalt  }
0x53: {  	_ =	shalt  }
0x54: {  	_ =	shalt  }
0x55: {  	_ =	shalt  }
0x56: {  	_ =	shalt  }
0x57: {  	_ =	shalt  }
0x58: {  	_ =	shalt  }
0x59: {  	_ =	shalt  }
0x5a: {  	_ =	shalt  }
0x5b: {  	_ =	shalt  }
0x5c: {  	_ =	shalt  }
0x5d: {  	_ =	shalt  }
0x5e: {  	_ =	shalt  }
0x5f: {  	_ =	shalt  }
0x60: {  	_ =	shalt  }
0x61: {  	_ =	shalt  }
0x62: {  	_ =	shalt  }
0x63: {  	_ =	shalt  }
0x64: {  	_ =	shalt  }
0x65: {  	_ =	shalt  }
0x66: {  	_ =	shalt  }
0x67: {  	_ =	shalt  }
0x68: {  	_ =	shalt  }
0x69: {  	_ =	shalt  }
0x6a: {  	_ =	shalt  }
0x6b: {  	_ =	shalt  }
0x6c: {  	_ =	shalt  }
0x6d: {  	_ =	shalt  }
0x6e: {  	_ =	shalt  }
0x6f: {  	_ =	shalt  }
0x70: {  	_ =	shalt  }
0x71: {  	_ =	shalt  }
0x72: {  	_ =	shalt  }
0x73: {  	_ =	shalt  }
0x74: {  	_ =	shalt  }
0x75: {  	_ =	shalt  }
0x76: {  	_ =	shalt  }
0x77: {  	_ =	shalt  }
0x78: {  	_ =	shalt  }
0x79: {  	_ =	shalt  }
0x7a: {  	_ =	shalt  }
0x7b: {  	_ =	shalt  }
0x7c: {  	_ =	shalt  }
0x7d: {  	_ =	shalt  }
0x7e: {  	_ =	shalt  }
0x7f: {  	_ =	shalt  }
0x80: {  	_ =	shalt  }
0x81: {  	_ =	shalt  }
0x82: {  	_ =	shalt  }
0x83: {  	_ =	shalt  }
0x84: {  	_ =	shalt  }
0x85: {  	_ =	shalt  }
0x86: {  	_ =	shalt  }
0x87: {  	_ =	shalt  }
.Lfunc_end0:
.L_simem_size_0:
called_computation.2_lowered:
.L_overlay_start_0:
0x88: {  	s2 =	sld [smem:$0x3FD9]  }
0x89: {  	s3 =	sld [smem:$0x3FFE];
	_ =	sdelay $0x1  }
0x8a: {  	s1 =	srdreg.scid  }
0x8b: {  	s0 =	sand.u32 $0x1, s1  }
0x8c: {  	s17 =	sshll.u32 s0, $0xA;
	s2 =	sadd.s32 s3, s2  }
0x8d: {  	s2 =	sadd.s32 s2, s17  }
0x8e: {  	[smem:$0x3FC2] =	sst s2  }
0x8f: {  	_ = 	snop  }
0x90: {  	s2 =	sld [smem:$0x3FC6]  }
0x91: {  	s18 =	sld [smem:$0x3FD0];
	(tm) =	ssettm $0x1  }
0x92: {  	s4 =	sld [smem:$0x3FFB];
	_ =	sdelay $0x3  }
0x93: {  	_ =	strace s4  }
0x94: {  	s4 =	sld [smem:$0x3FFC];
	_ =	sdelay $0x3  }
0x95: {  	_ =	strace s4  }
0x96: {  	s4 =	sld [smem:$0x3FFD];
	_ =	sdelay $0x3  }
0x97: {  	_ =	strace s4  }
0x98: {  	_ =	strace $0x8FFFFFFF  }
0x99: {  	s19 =	sld [smem:$0x3FDB];
	_ =	sdelay $0x1  }
0x9a: {  	s5 =	simm.s32 $_scs_section_size  }
0x9b: {  	s6 =	simm.s32 $_size__tile_overlayer_lowered;
	s7 =	simm.s32 $_tile_overlayer_lowered  }
0x9c: {  	s22 =	simm.s32 $0x1BFF;
	s21 =	sshll.u32 s7, $0x1;
	s4 =	sadd.s32 s5, s19  }
0x9d: {  	s8 =	simm.s32 $0x0;
	s20 =	sshll.u32 s6, $0x1;
	s6 =	sadd.s32 s21, s4  }
0x9e: {  	[timem:s8], [sflag:s22] =	dma.local [hbm:s6], s20  }
0x9f: {  	_ =	swait.ge [sflag:s22], s20  }
0xa0: {  	s5 =	ssub.s32 $0x0, s20;
	[sflag:s22] =	ssyncset.done $0x0  }
0xa1: {  	[sflag:s22] =	ssyncadd.s32 s5;
	_ =	sdelay $0x1  }
0xa2: {  	s23 =	simm.s32 $0x1B8B  }
0xa3: {  	_ =	swait.ge [sflag:s23], $0x1  }
0xa4: {  	[sflag:s23] =	ssyncset.done $0x0  }
0xa5: {  	s25 =	simm.s32 $0x1B8E;
	s24 =	sld [smem:$0x3FFE];
	[sflag:s23] =	ssyncadd.s32 $0xFFFFFFFF  }
0xa6: {  	s26 =	simm.s32 $execute0_lowered;
	[smem:$0x3FD2] =	sst s25  }
0xa7: {  	s6 =	sshll.u32 s26, $0x1;
	_ =	strace $0x8000004C;
	[dreg:$0x1] =	wrdreg $0xFFFFFFFF  }
0xa8: {  	s28 =	simm.s32 $_size_execute0_lowered;
	s4 =	sadd.s32 s4, s6;
	[dreg:$0x0] =	wrdreg $0x0  }
0xa9: {  	s6 =	sshll.u32 s28, $0x1;
	[dreg:$0x2] =	wrdreg s4  }
0xaa: {  	[dreg:$0x3] =	wrdreg s6  }
0xab: {  	[dreg:$0x4] =	wrdreg $0xC0  }
0xac: {  	_ =	task [dreg:s8], $0x5FFFF  }
0xad: {  	[dreg:$0x1] =	wrdreg $0xFFFFFFFF  }
0xae: {  	[dreg:$0x0] =	wrdreg $0x60  }
0xaf: {  	[dreg:$0x2] =	wrdreg s24  }
0xb0: {  	[dreg:$0x3] =	wrdreg s2  }
0xb1: {  	[dreg:$0x4] =	wrdreg s18  }
0xb2: {  	[dreg:$0x5] =	wrdreg $0x9  }
0xb3: {  	_ =	task.clear_ibuf [dreg:s8], $0x6FFFF;
	_ =	strace $0x9000004C  }
0xb4: {  	s29 =	simm.s32 $0x9;
	_ =	strace $0x8000004E  }
0xb5: {  	_ =	swait.ge [sflag:s29], $0x1  }
0xb6: {  	[sflag:s29] =	ssyncadd.s32 $0xFFFFFFFF  }
0xb7: {  	_ =	strace $0x9000004E  }
0xb8: {  	_ =	sfence  }
0xb9: {  	s30 =	sld [smem:$0x0];
	_ =	sdelay $0x2  }
0xba: {  	s31 =	sshll.u32 s1, $0xD;
	s1 =	sshrl.u32 s1, $0x2  }
0xbb: {  	s3 =	sand.u32 $0x4000, s31;
	s1 =	sadd.s32 s1, s30  }
0xbc: {  	s0 =	sor.u32 s3, s0;
	s1 =	sshll.u32 s1, $0x11  }
0xbd: {  	s0 =	sor.u32 s1, s0  }
0xbe: {  	s0 =	sadd.s32 $0x8F2B, s0  }
0xbf: {  	[sflag:s0] =	ssyncadd.remote.s32 $0x1  }
0xc0: {  	_ =	sfence.sel $0xFFFF  }
0xc1: {  	[dreg:$0x0] =	wrdreg $0xFFFFFFFF;
	(pc) =	sbr.abs _section_cstart, $3  }
0xc2: {  	[dreg:$0x1] =	wrdreg $0xFFFFFFFF  }
0xc3: {  	_ =	task.clear_ibuf [dreg:s8], $0x2FFFF;
	_ =	strace $0x9FFFFFFF  }
0xc4: {  	(tm) =	ssettm $0x7FFFFFFF  }
0xc5: {  	_ =	shalt  }
tec
execute0_lowered:
.L_overlay_start_1:
0x0: {  	(tag) =	ssettag $0x1  }
0x1: {  	s4 =	rddreg [dreg:$0x0]  }
0x2: {  	s1 =	srdreg.scid;
	s0 =	stileid.u32  }
0x3: {  	s2 =	rddreg [dreg:$0x1];
	s15 =	sand.u32 $0x1, s1;
	s30 =	sshll.u32 s0, $0x1  }
0x4: {  	s16 =	rddreg [dreg:$0x2];
	s5 =	sor.u32 s15, s30  }
0x5: {  	s3 =	simm.s32 $0x0;
	s1 =	rddreg [dreg:$0x3];
	s5 =	smul.u32 $0x6400, s5  }
0x6: {  	[smem:$0x7FF] =	sst s3  }
0x7: {  	s7 =	sadd.s32 $0x1800, s4;
	s9 =	sadd.s32 $0x21800, s4;
	s13 =	sshrl.u32 s5, $0x3  }
0x8: {  	_ =	strace $0x8000004D;
	s5 =	simm.s32 $0x3200;
	s4 =	sadd.s32 s7, s13  }
0x9: {  	[tilespmem:s5], [sflag:$0x1] =	stream.linear.gather [hbm4b:s4+s3], $0x3200, $0x38;
	[tilespmem:$0xC800] =	vst v63  }
0xa: {  	s6 =	sadd.s32 s9, s13;
	s17 =	sadd.s32 $0x640, s13  }
0xb: {  	[tilespmem:s3], [sflag:$0x1] =	stream.linear.gather [hbm4b:s6+s3], $0x3200, $0x38;
	[tilespmem:$0xC800] =	vst v63  }
0xc: {  	s8 =	simm.s32 $0x9600;
	s7 =	sadd.s32 s7, s17  }
0xd: {  	[tilespmem:s8], [sflag:$0x2] =	stream.linear.gather [hbm4b:s7+s3], $0x3200, $0x38;
	[tilespmem:$0xC800] =	vst v63  }
0xe: {  	s10 =	simm.s32 $0x6400;
	s11 =	simm.s32 $0x1;
	s9 =	sadd.s32 s9, s17  }
0xf: {  	[tilespmem:s10], [sflag:$0x2] =	stream.linear.gather [hbm4b:s9+s3], $0x3200, $0x38;
	[tilespmem:$0xC800] =	vst v63  }
0x10: {  	_ =	swait.ge [sflag:s11], $0x3200  }
0x11: {  	[sflag:s11] =	ssyncset.done $0x0  }
0x12: {  	[sflag:s11] =	ssyncadd.s32 $0xFFFFCE00  }
0x13: {  	_ =	swait.ge [sflag:s11], $0x3200  }
0x14: {  	[sflag:s11] =	ssyncset.done $0x0  }
0x15: {  	[sflag:s11] =	ssyncadd.s32 $0xFFFFCE00;
	(ifvalue) =	ssetifvalue $0xFFFFFFFF  }
0x16: {  	s12 =	simm.s32 $0x2;
	(ifvalue) =	ssetifvalue $0xFFFFFFFF  }
0x17: {  	[tilespmem:s5], [sflag:$0x1] =	stream.indirect.gather [hbm4b:s2+s5], $0x1, s3, s5, $0x40b8;
	[tilespmem:$0xC800] =	vst v63  }
0x18: {  	_ =	swait.ge [sflag:s12], $0x3200  }
0x19: {  	[sflag:s12] =	ssyncset.done $0x0  }
0x1a: {  	[sflag:s12] =	ssyncadd.s32 $0xFFFFCE00  }
0x1b: {  	_ =	swait.ge [sflag:s12], $0x3200  }
0x1c: {  	[sflag:s12] =	ssyncset.done $0x0  }
0x1d: {  	[sflag:s12] =	ssyncadd.s32 $0xFFFFCE00;
	(ifvalue) =	ssetifvalue $0xFFFFFFFF  }
0x1e: {  	(ifvalue) =	ssetifvalue $0xFFFFFFFF  }
0x1f: {  	[tilespmem:s8], [sflag:$0x2] =	stream.indirect.gather [hbm4b:s2+s5], $0x1, s10, s5, $0x40b8;
	[tilespmem:$0xC800] =	vst v63  }
0x20: {  	_ =	swait.ge [sflag:s11], $0x3200  }
0x21: {  	s15 =	ssub.s32 $0x2, s15;
	[sflag:s11] =	ssyncset.done $0x0  }
0x22: {  	s14 =	sadd.s32 s16, s13;
	s13 =	simm.s32 $0x3;
	[sflag:s11] =	ssyncadd.s32 $0xFFFFCE00  }
0x23: {  	[hbm4b:s14+s3] =	stream.linear.scatter [tilespmem:s5], [sflag:$0x3], $0x3200, $0x38;
	[tilespmem:$0xC800] =	vst v63  }
0x24: {  	s18 =	sshrl.u32 s15, $0x1;
	_ =	swait.ge [sflag:s13], $0x3200  }
0x25: {  	s18 =	ssub.s32 s15, s18;
	[sflag:s13] =	ssyncset.done $0x0  }
0x26: {  	s31 =	smax.u32 s18, $0x1;
	[sflag:s13] =	ssyncadd.s32 $0xFFFFCE00  }
0x27: {  	p0 =	sne.s32 s31, $0x1;
	_ =	swait.ge [sflag:s12], $0x3200  }
.Ltmp0:
0x28: {  	[sflag:s12] =	ssyncset.done $0x0;
	(pc) =	sbr.rel @!p0 .LBB2_2-.Ltmp0, $4  }
0x29: {  	s15 =	sadd.s32 s16, s17;
	[sflag:s12] =	ssyncadd.s32 $0xFFFFCE00  }
0x2a: {  	[hbm4b:s15+s3] =	stream.linear.scatter [tilespmem:s8], [sflag:$0x3], $0x3200, $0x38;
	[tilespmem:$0xC800] =	vst v63  }
0x2b: {  	_ =	swait.ge [sflag:s13], $0x3200  }
0x2c: {  	s16 =	sadd.s32 $0xFFFFFFFF, s31;
	[sflag:s13] =	ssyncset.done $0x0  }
.LBB2_1:
0x2d: {  	p0 =	sne.s32 s16, $0x1;
	s16 =	sadd.s32 $0xFFFFFFFF, s16;
	[sflag:s13] =	ssyncadd.s32 $0xFFFFCE00  }
0x2e: {  	[tilespmem:s5], [sflag:$0x1] =	stream.linear.gather [hbm4b:s4+s3], $0x3200, $0x38;
	[tilespmem:$0xC800] =	vst v63  }
0x2f: {  	_ = 	snop  }
0x30: {  	[tilespmem:s3], [sflag:$0x1] =	stream.linear.gather [hbm4b:s6+s3], $0x3200, $0x38;
	[tilespmem:$0xC800] =	vst v63  }
0x31: {  	_ = 	snop  }
0x32: {  	[tilespmem:s8], [sflag:$0x2] =	stream.linear.gather [hbm4b:s7+s3], $0x3200, $0x38;
	[tilespmem:$0xC800] =	vst v63  }
0x33: {  	_ = 	snop  }
0x34: {  	[tilespmem:s10], [sflag:$0x2] =	stream.linear.gather [hbm4b:s9+s3], $0x3200, $0x38;
	[tilespmem:$0xC800] =	vst v63  }
0x35: {  	_ =	swait.ge [sflag:s11], $0x3200  }
0x36: {  	[sflag:s11] =	ssyncset.done $0x0  }
0x37: {  	[sflag:s11] =	ssyncadd.s32 $0xFFFFCE00  }
0x38: {  	_ =	swait.ge [sflag:s11], $0x3200  }
0x39: {  	[sflag:s11] =	ssyncset.done $0x0  }
0x3a: {  	[sflag:s11] =	ssyncadd.s32 $0xFFFFCE00  }
0x3b: {  	(ifvalue) =	ssetifvalue $0xFFFFFFFF  }
0x3c: {  	(ifvalue) =	ssetifvalue $0xFFFFFFFF  }
0x3d: {  	[tilespmem:s5], [sflag:$0x1] =	stream.indirect.gather [hbm4b:s2+s5], $0x1, s3, s5, $0x40b8;
	[tilespmem:$0xC800] =	vst v63  }
0x3e: {  	_ =	swait.ge [sflag:s12], $0x3200  }
0x3f: {  	[sflag:s12] =	ssyncset.done $0x0  }
0x40: {  	[sflag:s12] =	ssyncadd.s32 $0xFFFFCE00  }
0x41: {  	_ =	swait.ge [sflag:s12], $0x3200  }
0x42: {  	[sflag:s12] =	ssyncset.done $0x0  }
0x43: {  	[sflag:s12] =	ssyncadd.s32 $0xFFFFCE00  }
0x44: {  	(ifvalue) =	ssetifvalue $0xFFFFFFFF  }
0x45: {  	(ifvalue) =	ssetifvalue $0xFFFFFFFF  }
0x46: {  	[tilespmem:s8], [sflag:$0x2] =	stream.indirect.gather [hbm4b:s2+s5], $0x1, s10, s5, $0x40b8;
	[tilespmem:$0xC800] =	vst v63  }
0x47: {  	_ =	swait.ge [sflag:s11], $0x3200  }
0x48: {  	[sflag:s11] =	ssyncset.done $0x0  }
0x49: {  	[sflag:s11] =	ssyncadd.s32 $0xFFFFCE00  }
0x4a: {  	[hbm4b:s14+s3] =	stream.linear.scatter [tilespmem:s5], [sflag:$0x3], $0x3200, $0x38;
	[tilespmem:$0xC800] =	vst v63  }
0x4b: {  	_ =	swait.ge [sflag:s13], $0x3200  }
0x4c: {  	[sflag:s13] =	ssyncset.done $0x0  }
0x4d: {  	[sflag:s13] =	ssyncadd.s32 $0xFFFFCE00  }
0x4e: {  	_ =	swait.ge [sflag:s12], $0x3200  }
.Ltmp1:
0x4f: {  	[sflag:s12] =	ssyncset.done $0x0;
	(pc) =	sbr.rel @p0 .LBB2_1-.Ltmp1, $4  }
0x50: {  	[sflag:s12] =	ssyncadd.s32 $0xFFFFCE00  }
0x51: {  	[hbm4b:s15+s3] =	stream.linear.scatter [tilespmem:s8], [sflag:$0x3], $0x3200, $0x38;
	[tilespmem:$0xC800] =	vst v63  }
0x52: {  	_ =	swait.ge [sflag:s13], $0x3200  }
0x53: {  	[sflag:s13] =	ssyncset.done $0x0  }
.LBB2_2:
0x54: {  	[sflag:s13] =	ssyncadd.s32 $0xFFFFCE00  }
0x55: {  	_ =	sfence.sel $0x180000  }
0x56: {  	[bflag:$0x0] =	sbarrier.arrive $0xFFFF  }
0x57: {  	p0 =	sne.s32 s0, $0x0;
	_ =	strace $0x9000004D  }
0x58: {  	s0 =	sadd.s32 @!p0 $0x100000, s1;
	[bflag:$0x2] =	sbarrier.arrive $0xFFFF  }
0x59: {  	[sflag:s0] =	ssyncadd.tile.s32 @!p0 $0x1;
	_ =	shalt  }
.Lfunc_end2:
_tile_overlayer_lowered:
.L_overlay_start_2:
0x5a: {  	(tag) =	ssettag $0x2  }
0x5b: {  	s0 =	rddreg [dreg:$0x0];
	s2 =	stileid.u32  }
0x5c: {  	s1 =	rddreg [dreg:$0x1];
	p0 =	sne.s32 s2, $0x0  }
0x5d: {  	s3 =	rddreg [dreg:$0x2];
	[bflag:$0x3] =	sbarrier.arrive $0xFFFF;
	s2 =	simm.s32 @!p0 $0x1C03  }
0x5e: {  	[timem:s3], [sflag:s2] =	dma.local @!p0 [hbm:s0], s1  }
0x5f: {  	s0 =	simm.s32 @!p0 $0x3  }
0x60: {  	_ =	swait.ge @!p0 [sflag:s0], s1  }
0x61: {  	s1 =	ssub.s32 @!p0 $0x0, s1;
	[sflag:s0] =	ssyncset.done @!p0 $0x0  }
0x62: {  	[sflag:s0] =	ssyncadd.s32 @!p0 s1  }
0x63: {  	[bflag:$0x3] =	sbarrier.arrive $0xFFFF  }
0x64: {  	_ =	shalt  }

// kernel: _stratified_gather.16.cloned.1.call-start
scs
__scs_entry_jumppad:
0x0: {  	(pc) =	sbr.rel $0x88, $3  }
0x1: {  	(tag) =	ssettag $0x0;
	lr =	simm.s32 $0x1  }
0x2: {  	[smem:$0x3F9B] =	sst lr;
	_ =	strace $0xD0000000  }
0x3: {  	_ = 	snop  }
0x4: {  	_ = 	snop  }
0x5: {  	_ = 	snop  }
0x6: {  	_ = 	snop  }
0x7: {  	_ = 	snop  }
__scs_overlays_trampoline_lowered:
0x8: {  	[smem:$0x3FAA] =	sst s0  }
0x9: {  	[smem:$0x3FAB] =	sst s1  }
0xa: {  	[smem:$0x3FAC] =	sst s2  }
0xb: {  	[smem:$0x3FAD] =	sst s3  }
0xc: {  	[smem:$0x3FAE] =	sst s4  }
0xd: {  	[smem:$0x3FAF] =	sst s5  }
0xe: {  	[smem:$0x3FB0] =	sst s6  }
0xf: {  	[smem:$0x3FB1] =	sst s7  }
0x10: {  	[smem:$0x3FB2] =	sst s8  }
0x11: {  	[smem:$0x3FB3] =	sst s9;
	s0 =	simm.s32 @!p0 $0x0  }
0x12: {  	s1 =	sld [smem:$0x3F99];
	s0 =	simm.s32 @p0 $0x1  }
0x13: {  	[smem:$0x3FB4] =	sst s0;
	s0 =	simm.s32 @!p1 $0x0  }
0x14: {  	s2 =	sld [smem:$0x3F98];
	s0 =	simm.s32 @p1 $0x1  }
0x15: {  	[smem:$0x3FB5] =	sst s0;
	s0 =	simm.s32 @!p2 $0x0  }
0x16: {  	s3 =	sld [smem:$0x3FDB];
	s0 =	simm.s32 @p2 $0x1  }
0x17: {  	s4 =	simm.s32 $0x1BF5;
	[smem:$0x3FB7] =	sst s0  }
0x18: {  	s0 =	sld [smem:$0x3F9A];
	_ =	swait.ge [sflag:s4], $0x0  }
0x19: {  	s7 =	sld [smem:$0x3F9B]  }
0x1a: {  	s8 =	sadd.s32 $0xFFFFE003, lr  }
0x1b: {  	s9 =	sadd.s32 $0xFFFFFEF7, lr;
	s5 =	simm.s32 $0xFFFFFFFF;
	p2 =	slt.u32 s8, $0xFFFFF086  }
0x1c: {  	p1 =	slt.u32 s9, $0xF7A;
	s5 =	simm.s32 @!p2 $0x0  }
0x1d: {  	s5 =	simm.s32 @p1 $0x1;
	p0 =	seq.s32 s7, s2  }
0x1e: {  	s7 =	smul.u32 @!p0 $0xF7A, s2;
	p2 =	seq.s32 @!p0 s5, $0x0  }
0x1f: {  	s9 =	smul.u32 $0xF7A, s1;
	s8 =	simm.s32 @!p0 $0x1BF5;
	p2 =	por !p2, p0  }
0x20: {  	[sflag:s8] =	ssyncset.s32 @!p0 $0xFFFFF086;
	s6 =	sadd.s32 @!p0 s3, s7;
	s7 =	simm.s32 @!p0 $0x108  }
0x21: {  	s3 =	sadd.s32 s3, s9;
	s6 =	sadd.s32 @!p0 $0x88, s6;
	s7 =	simm.s32 @p2 $0x1082  }
0x22: {  	[simem:s7], [sflag:s8] =	dma.local @!p0 [hbm:s6], $0xF7A  }
0x23: {  	s9 =	sor.u32 $0xD0000000, s2;
	s6 =	simm.s32 $0x108;
	_ =	swait.ge @!p0 [sflag:s8], $0x0  }
0x24: {  	s3 =	sadd.s32 $0x88, s3;
	s6 =	simm.s32 @!p1 $0x1082;
	[sflag:s4] =	ssyncset.s32 $0xFFFFF086  }
0x25: {  	[simem:s6], [sflag:s4] =	dma.local [hbm:s3], $0xF7A  }
0x26: {  	[smem:$0x3F9B] =	sst s1;
	(tag) =	ssettag s2;
	_ =	strace s9  }
0x27: {  	s1 =	sld [smem:$0x3FAB]  }
0x28: {  	s2 =	sld [smem:$0x3FAC]  }
0x29: {  	s4 =	sld [smem:$0x3FAE]  }
0x2a: {  	p0 =	seq.s32 s5, $0x0;
	s5 =	sld [smem:$0x3FAF]  }
0x2b: {  	s6 =	sld [smem:$0x3FB0]  }
0x2c: {  	s7 =	sld [smem:$0x3FB1]  }
0x2d: {  	s3 =	simm.s32 $0x108;
	s8 =	sld [smem:$0x3FB2]  }
0x2e: {  	s3 =	simm.s32 @!p0 $0x1082;
	s9 =	sld [smem:$0x3FB3]  }
0x2f: {  	lr =	sadd.s32 s0, s3;
	s0 =	sld [smem:$0x3FAA]  }
0x30: {  	s3 =	sld [smem:$0x3FAD]  }
0x31: {  	[smem:$0x3FB6] =	sst s10  }
0x32: {  	s10 =	sld [smem:$0x3FB4];
	_ =	sdelay $0x3  }
0x33: {  	p0 =	seq.s32 s10, $0x1;
	s10 =	sld [smem:$0x3FB6];
	_ =	sdelay $0x3  }
0x34: {  	[smem:$0x3FB6] =	sst s10  }
0x35: {  	s10 =	sld [smem:$0x3FB5];
	_ =	sdelay $0x3  }
0x36: {  	p1 =	seq.s32 s10, $0x1;
	s10 =	sld [smem:$0x3FB6];
	_ =	sdelay $0x3  }
0x37: {  	[smem:$0x3FB6] =	sst s10  }
0x38: {  	s10 =	sld [smem:$0x3FB7]  }
0x39: {  	_ = 	snop;
	(pc) =	sbr.ind lr, $3  }
0x3a: {  	_ = 	snop  }
0x3b: {  	_ = 	snop  }
0x3c: {  	p2 =	seq.s32 s10, $0x1;
	s10 =	sld [smem:$0x3FB6]  }
0x3d: {  	_ =	shalt  }
0x3e: {  	_ =	shalt  }
0x3f: {  	_ =	shalt  }
0x40: {  	_ =	shalt  }
0x41: {  	_ =	shalt  }
0x42: {  	_ =	shalt  }
0x43: {  	_ =	shalt  }
0x44: {  	_ =	shalt  }
0x45: {  	_ =	shalt  }
0x46: {  	_ =	shalt  }
0x47: {  	_ =	shalt  }
0x48: {  	_ =	shalt  }
0x49: {  	_ =	shalt  }
0x4a: {  	_ =	shalt  }
0x4b: {  	_ =	shalt  }
0x4c: {  	_ =	shalt  }
0x4d: {  	_ =	shalt  }
0x4e: {  	_ =	shalt  }
0x4f: {  	_ =	shalt  }
0x50: {  	_ =	shalt  }
0x51: {  	_ =	shalt  }
0x52: {  	_ =	shalt  }
0x53: {  	_ =	shalt  }
0x54: {  	_ =	shalt  }
0x55: {  	_ =	shalt  }
0x56: {  	_ =	shalt  }
0x57: {  	_ =	shalt  }
0x58: {  	_ =	shalt  }
0x59: {  	_ =	shalt  }
0x5a: {  	_ =	shalt  }
0x5b: {  	_ =	shalt  }
0x5c: {  	_ =	shalt  }
0x5d: {  	_ =	shalt  }
0x5e: {  	_ =	shalt  }
0x5f: {  	_ =	shalt  }
0x60: {  	_ =	shalt  }
0x61: {  	_ =	shalt  }
0x62: {  	_ =	shalt  }
0x63: {  	_ =	shalt  }
0x64: {  	_ =	shalt  }
0x65: {  	_ =	shalt  }
0x66: {  	_ =	shalt  }
0x67: {  	_ =	shalt  }
0x68: {  	_ =	shalt  }
0x69: {  	_ =	shalt  }
0x6a: {  	_ =	shalt  }
0x6b: {  	_ =	shalt  }
0x6c: {  	_ =	shalt  }
0x6d: {  	_ =	shalt  }
0x6e: {  	_ =	shalt  }
0x6f: {  	_ =	shalt  }
0x70: {  	_ =	shalt  }
0x71: {  	_ =	shalt  }
0x72: {  	_ =	shalt  }
0x73: {  	_ =	shalt  }
0x74: {  	_ =	shalt  }
0x75: {  	_ =	shalt  }
0x76: {  	_ =	shalt  }
0x77: {  	_ =	shalt  }
0x78: {  	_ =	shalt  }
0x79: {  	_ =	shalt  }
0x7a: {  	_ =	shalt  }
0x7b: {  	_ =	shalt  }
0x7c: {  	_ =	shalt  }
0x7d: {  	_ =	shalt  }
0x7e: {  	_ =	shalt  }
0x7f: {  	_ =	shalt  }
0x80: {  	_ =	shalt  }
0x81: {  	_ =	shalt  }
0x82: {  	_ =	shalt  }
0x83: {  	_ =	shalt  }
0x84: {  	_ =	shalt  }
0x85: {  	_ =	shalt  }
0x86: {  	_ =	shalt  }
0x87: {  	_ =	shalt  }
.Lfunc_end0:
.L_simem_size_0:
called_computation.3_lowered:
.L_overlay_start_0:
0x88: {  	s2 =	sld [smem:$0x3FD9]  }
0x89: {  	s3 =	sld [smem:$0x3FFE];
	_ =	sdelay $0x1  }
0x8a: {  	s1 =	srdreg.scid  }
0x8b: {  	s0 =	sand.u32 $0x1, s1  }
0x8c: {  	s17 =	sshll.u32 s0, $0xA;
	s2 =	sadd.s32 s3, s2  }
0x8d: {  	s2 =	sadd.s32 s2, s17  }
0x8e: {  	[smem:$0x3FC2] =	sst s2  }
0x8f: {  	_ = 	snop  }
0x90: {  	s2 =	sld [smem:$0x3FC5]  }
0x91: {  	s18 =	sld [smem:$0x3FD0];
	(tm) =	ssettm $0x1  }
0x92: {  	s4 =	sld [smem:$0x3FFB];
	_ =	sdelay $0x3  }
0x93: {  	_ =	strace s4  }
0x94: {  	s4 =	sld [smem:$0x3FFC];
	_ =	sdelay $0x3  }
0x95: {  	_ =	strace s4  }
0x96: {  	s4 =	sld [smem:$0x3FFD];
	_ =	sdelay $0x3  }
0x97: {  	_ =	strace s4  }
0x98: {  	_ =	strace $0x8FFFFFFF  }
0x99: {  	s19 =	sld [smem:$0x3FDB];
	_ =	sdelay $0x1  }
0x9a: {  	s5 =	simm.s32 $_scs_section_size  }
0x9b: {  	s6 =	simm.s32 $_size__tile_overlayer_lowered;
	s7 =	simm.s32 $_tile_overlayer_lowered  }
0x9c: {  	s22 =	simm.s32 $0x1BFF;
	s21 =	sshll.u32 s7, $0x1;
	s4 =	sadd.s32 s5, s19  }
0x9d: {  	s8 =	simm.s32 $0x0;
	s20 =	sshll.u32 s6, $0x1;
	s6 =	sadd.s32 s21, s4  }
0x9e: {  	[timem:s8], [sflag:s22] =	dma.local [hbm:s6], s20  }
0x9f: {  	_ =	swait.ge [sflag:s22], s20  }
0xa0: {  	s5 =	ssub.s32 $0x0, s20;
	[sflag:s22] =	ssyncset.done $0x0  }
0xa1: {  	[sflag:s22] =	ssyncadd.s32 s5;
	_ =	sdelay $0x1  }
0xa2: {  	s23 =	simm.s32 $0x1B8B  }
0xa3: {  	_ =	swait.ge [sflag:s23], $0x1  }
0xa4: {  	[sflag:s23] =	ssyncset.done $0x0  }
0xa5: {  	s25 =	simm.s32 $0x1B8E;
	s24 =	sld [smem:$0x3FFE];
	[sflag:s23] =	ssyncadd.s32 $0xFFFFFFFF  }
0xa6: {  	s26 =	simm.s32 $execute0_lowered;
	[smem:$0x3FD2] =	sst s25  }
0xa7: {  	s6 =	sshll.u32 s26, $0x1;
	_ =	strace $0x8000004F;
	[dreg:$0x1] =	wrdreg $0xFFFFFFFF  }
0xa8: {  	s28 =	simm.s32 $_size_execute0_lowered;
	s4 =	sadd.s32 s4, s6;
	[dreg:$0x0] =	wrdreg $0x0  }
0xa9: {  	s6 =	sshll.u32 s28, $0x1;
	[dreg:$0x2] =	wrdreg s4  }
0xaa: {  	[dreg:$0x3] =	wrdreg s6  }
0xab: {  	[dreg:$0x4] =	wrdreg $0xC0  }
0xac: {  	_ =	task [dreg:s8], $0x5FFFF  }
0xad: {  	[dreg:$0x1] =	wrdreg $0xFFFFFFFF  }
0xae: {  	[dreg:$0x0] =	wrdreg $0x60  }
0xaf: {  	[dreg:$0x2] =	wrdreg s18  }
0xb0: {  	[dreg:$0x3] =	wrdreg s24  }
0xb1: {  	[dreg:$0x4] =	wrdreg s2  }
0xb2: {  	[dreg:$0x5] =	wrdreg $0x9  }
0xb3: {  	_ =	task.clear_ibuf [dreg:s8], $0x6FFFF;
	_ =	strace $0x9000004F  }
0xb4: {  	s29 =	simm.s32 $0x9;
	_ =	strace $0x80000051  }
0xb5: {  	_ =	swait.ge [sflag:s29], $0x1  }
0xb6: {  	[sflag:s29] =	ssyncadd.s32 $0xFFFFFFFF  }
0xb7: {  	_ =	strace $0x90000051  }
0xb8: {  	_ =	sfence  }
0xb9: {  	s30 =	sld [smem:$0x0];
	_ =	sdelay $0x2  }
0xba: {  	s31 =	sshll.u32 s1, $0xD;
	s1 =	sshrl.u32 s1, $0x2  }
0xbb: {  	s3 =	sand.u32 $0x4000, s31;
	s1 =	sadd.s32 s1, s30  }
0xbc: {  	s0 =	sor.u32 s3, s0;
	s1 =	sshll.u32 s1, $0x11  }
0xbd: {  	s0 =	sor.u32 s1, s0  }
0xbe: {  	s0 =	sadd.s32 $0x8F2B, s0  }
0xbf: {  	[sflag:s0] =	ssyncadd.remote.s32 $0x1  }
0xc0: {  	_ =	sfence.sel $0xFFFF  }
0xc1: {  	[dreg:$0x0] =	wrdreg $0xFFFFFFFF;
	(pc) =	sbr.abs _section_cstart, $3  }
0xc2: {  	[dreg:$0x1] =	wrdreg $0xFFFFFFFF  }
0xc3: {  	_ =	task.clear_ibuf [dreg:s8], $0x2FFFF;
	_ =	strace $0x9FFFFFFF  }
0xc4: {  	(tm) =	ssettm $0x7FFFFFFF  }
0xc5: {  	_ =	shalt  }
tec
execute0_lowered:
.L_overlay_start_1:
0x0: {  	(tag) =	ssettag $0x1  }
0x1: {  	s1 =	srdreg.scid;
	s0 =	stileid.u32  }
0x2: {  	s7 =	rddreg [dreg:$0x0];
	s15 =	sand.u32 $0x1, s1;
	s30 =	sshll.u32 s0, $0x1  }
0x3: {  	s13 =	rddreg [dreg:$0x1];
	s4 =	sor.u32 s15, s30  }
0x4: {  	s2 =	rddreg [dreg:$0x2];
	s4 =	smul.u32 $0x6400, s4  }
0x5: {  	s3 =	simm.s32 $0x0;
	s1 =	rddreg [dreg:$0x3]  }
0x6: {  	s5 =	simm.s32 $0x3200;
	[smem:$0x7FF] =	sst s3;
	s14 =	sshrl.u32 s4, $0x3  }
0x7: {  	s9 =	sadd.s32 $0x3A800, s13;
	_ =	strace $0x80000050;
	s4 =	sadd.s32 s7, s14  }
0x8: {  	[tilespmem:s5], [sflag:$0x1] =	stream.linear.gather [hbm4b:s4+s3], $0x3200, $0x38;
	[tilespmem:$0xC800] =	vst v63  }
0x9: {  	s6 =	sadd.s32 s9, s14;
	s16 =	sadd.s32 $0x640, s14  }
0xa: {  	[tilespmem:s3], [sflag:$0x1] =	stream.linear.gather [hbm4b:s6+s3], $0x3200, $0x38;
	[tilespmem:$0xC800] =	vst v63  }
0xb: {  	s8 =	simm.s32 $0x9600;
	s7 =	sadd.s32 s7, s16  }
0xc: {  	[tilespmem:s8], [sflag:$0x2] =	stream.linear.gather [hbm4b:s7+s3], $0x3200, $0x38;
	[tilespmem:$0xC800] =	vst v63  }
0xd: {  	s10 =	simm.s32 $0x6400;
	s11 =	simm.s32 $0x1;
	s9 =	sadd.s32 s9, s16  }
0xe: {  	[tilespmem:s10], [sflag:$0x2] =	stream.linear.gather [hbm4b:s9+s3], $0x3200, $0x38;
	[tilespmem:$0xC800] =	vst v63  }
0xf: {  	_ =	swait.ge [sflag:s11], $0x3200  }
0x10: {  	[sflag:s11] =	ssyncset.done $0x0  }
0x11: {  	[sflag:s11] =	ssyncadd.s32 $0xFFFFCE00  }
0x12: {  	_ =	swait.ge [sflag:s11], $0x3200  }
0x13: {  	[sflag:s11] =	ssyncset.done $0x0  }
0x14: {  	[sflag:s11] =	ssyncadd.s32 $0xFFFFCE00;
	(ifvalue) =	ssetifvalue $0xFFFFFFFF  }
0x15: {  	s12 =	simm.s32 $0x2;
	(ifvalue) =	ssetifvalue $0xFFFFFFFF  }
0x16: {  	[tilespmem:s5], [sflag:$0x1] =	stream.indirect.gather [hbm4b:s2+s5], $0x1, s3, s5, $0x40b8;
	[tilespmem:$0xC800] =	vst v63  }
0x17: {  	_ =	swait.ge [sflag:s12], $0x3200  }
0x18: {  	[sflag:s12] =	ssyncset.done $0x0  }
0x19: {  	[sflag:s12] =	ssyncadd.s32 $0xFFFFCE00  }
0x1a: {  	_ =	swait.ge [sflag:s12], $0x3200  }
0x1b: {  	[sflag:s12] =	ssyncset.done $0x0  }
0x1c: {  	[sflag:s12] =	ssyncadd.s32 $0xFFFFCE00;
	(ifvalue) =	ssetifvalue $0xFFFFFFFF  }
0x1d: {  	(ifvalue) =	ssetifvalue $0xFFFFFFFF  }
0x1e: {  	[tilespmem:s8], [sflag:$0x2] =	stream.indirect.gather [hbm4b:s2+s5], $0x1, s10, s5, $0x40b8;
	[tilespmem:$0xC800] =	vst v63  }
0x1f: {  	_ =	swait.ge [sflag:s11], $0x3200  }
0x20: {  	s17 =	sadd.s32 $0x1800, s13;
	s13 =	simm.s32 $0x3;
	[sflag:s11] =	ssyncset.done $0x0  }
0x21: {  	s15 =	ssub.s32 $0x2, s15;
	s14 =	sadd.s32 s17, s14;
	[sflag:s11] =	ssyncadd.s32 $0xFFFFCE00  }
0x22: {  	[hbm4b:s14+s3] =	stream.linear.scatter [tilespmem:s5], [sflag:$0x3], $0x3200, $0x38;
	[tilespmem:$0xC800] =	vst v63  }
0x23: {  	s18 =	sshrl.u32 s15, $0x1;
	_ =	swait.ge [sflag:s13], $0x3200  }
0x24: {  	s18 =	ssub.s32 s15, s18;
	[sflag:s13] =	ssyncset.done $0x0  }
0x25: {  	s31 =	smax.u32 s18, $0x1;
	[sflag:s13] =	ssyncadd.s32 $0xFFFFCE00  }
0x26: {  	p0 =	sne.s32 s31, $0x1;
	_ =	swait.ge [sflag:s12], $0x3200  }
.Ltmp0:
0x27: {  	[sflag:s12] =	ssyncset.done $0x0;
	(pc) =	sbr.rel @!p0 .LBB2_2-.Ltmp0, $4  }
0x28: {  	s15 =	sadd.s32 s17, s16;
	[sflag:s12] =	ssyncadd.s32 $0xFFFFCE00  }
0x29: {  	[hbm4b:s15+s3] =	stream.linear.scatter [tilespmem:s8], [sflag:$0x3], $0x3200, $0x38;
	[tilespmem:$0xC800] =	vst v63  }
0x2a: {  	_ =	swait.ge [sflag:s13], $0x3200  }
0x2b: {  	s16 =	sadd.s32 $0xFFFFFFFF, s31;
	[sflag:s13] =	ssyncset.done $0x0  }
.LBB2_1:
0x2c: {  	p0 =	sne.s32 s16, $0x1;
	s16 =	sadd.s32 $0xFFFFFFFF, s16;
	[sflag:s13] =	ssyncadd.s32 $0xFFFFCE00  }
0x2d: {  	[tilespmem:s5], [sflag:$0x1] =	stream.linear.gather [hbm4b:s4+s3], $0x3200, $0x38;
	[tilespmem:$0xC800] =	vst v63  }
0x2e: {  	_ = 	snop  }
0x2f: {  	[tilespmem:s3], [sflag:$0x1] =	stream.linear.gather [hbm4b:s6+s3], $0x3200, $0x38;
	[tilespmem:$0xC800] =	vst v63  }
0x30: {  	_ = 	snop  }
0x31: {  	[tilespmem:s8], [sflag:$0x2] =	stream.linear.gather [hbm4b:s7+s3], $0x3200, $0x38;
	[tilespmem:$0xC800] =	vst v63  }
0x32: {  	_ = 	snop  }
0x33: {  	[tilespmem:s10], [sflag:$0x2] =	stream.linear.gather [hbm4b:s9+s3], $0x3200, $0x38;
	[tilespmem:$0xC800] =	vst v63  }
0x34: {  	_ =	swait.ge [sflag:s11], $0x3200  }
0x35: {  	[sflag:s11] =	ssyncset.done $0x0  }
0x36: {  	[sflag:s11] =	ssyncadd.s32 $0xFFFFCE00  }
0x37: {  	_ =	swait.ge [sflag:s11], $0x3200  }
0x38: {  	[sflag:s11] =	ssyncset.done $0x0  }
0x39: {  	[sflag:s11] =	ssyncadd.s32 $0xFFFFCE00  }
0x3a: {  	(ifvalue) =	ssetifvalue $0xFFFFFFFF  }
0x3b: {  	(ifvalue) =	ssetifvalue $0xFFFFFFFF  }
0x3c: {  	[tilespmem:s5], [sflag:$0x1] =	stream.indirect.gather [hbm4b:s2+s5], $0x1, s3, s5, $0x40b8;
	[tilespmem:$0xC800] =	vst v63  }
0x3d: {  	_ =	swait.ge [sflag:s12], $0x3200  }
0x3e: {  	[sflag:s12] =	ssyncset.done $0x0  }
0x3f: {  	[sflag:s12] =	ssyncadd.s32 $0xFFFFCE00  }
0x40: {  	_ =	swait.ge [sflag:s12], $0x3200  }
0x41: {  	[sflag:s12] =	ssyncset.done $0x0  }
0x42: {  	[sflag:s12] =	ssyncadd.s32 $0xFFFFCE00  }
0x43: {  	(ifvalue) =	ssetifvalue $0xFFFFFFFF  }
0x44: {  	(ifvalue) =	ssetifvalue $0xFFFFFFFF  }
0x45: {  	[tilespmem:s8], [sflag:$0x2] =	stream.indirect.gather [hbm4b:s2+s5], $0x1, s10, s5, $0x40b8;
	[tilespmem:$0xC800] =	vst v63  }
0x46: {  	_ =	swait.ge [sflag:s11], $0x3200  }
0x47: {  	[sflag:s11] =	ssyncset.done $0x0  }
0x48: {  	[sflag:s11] =	ssyncadd.s32 $0xFFFFCE00  }
0x49: {  	[hbm4b:s14+s3] =	stream.linear.scatter [tilespmem:s5], [sflag:$0x3], $0x3200, $0x38;
	[tilespmem:$0xC800] =	vst v63  }
0x4a: {  	_ =	swait.ge [sflag:s13], $0x3200  }
0x4b: {  	[sflag:s13] =	ssyncset.done $0x0  }
0x4c: {  	[sflag:s13] =	ssyncadd.s32 $0xFFFFCE00  }
0x4d: {  	_ =	swait.ge [sflag:s12], $0x3200  }
.Ltmp1:
0x4e: {  	[sflag:s12] =	ssyncset.done $0x0;
	(pc) =	sbr.rel @p0 .LBB2_1-.Ltmp1, $4  }
0x4f: {  	[sflag:s12] =	ssyncadd.s32 $0xFFFFCE00  }
0x50: {  	[hbm4b:s15+s3] =	stream.linear.scatter [tilespmem:s8], [sflag:$0x3], $0x3200, $0x38;
	[tilespmem:$0xC800] =	vst v63  }
0x51: {  	_ =	swait.ge [sflag:s13], $0x3200  }
0x52: {  	[sflag:s13] =	ssyncset.done $0x0  }
.LBB2_2:
0x53: {  	[sflag:s13] =	ssyncadd.s32 $0xFFFFCE00  }
0x54: {  	_ =	sfence.sel $0x180000  }
0x55: {  	[bflag:$0x0] =	sbarrier.arrive $0xFFFF  }
0x56: {  	p0 =	sne.s32 s0, $0x0;
	_ =	strace $0x90000050  }
0x57: {  	s0 =	sadd.s32 @!p0 $0x100000, s1;
	[bflag:$0x2] =	sbarrier.arrive $0xFFFF  }
0x58: {  	[sflag:s0] =	ssyncadd.tile.s32 @!p0 $0x1;
	_ =	shalt  }
.Lfunc_end2:
_tile_overlayer_lowered:
.L_overlay_start_2:
0x59: {  	(tag) =	ssettag $0x2  }
0x5a: {  	s0 =	rddreg [dreg:$0x0];
	s2 =	stileid.u32  }
0x5b: {  	s1 =	rddreg [dreg:$0x1];
	p0 =	sne.s32 s2, $0x0  }
0x5c: {  	s3 =	rddreg [dreg:$0x2];
	[bflag:$0x3] =	sbarrier.arrive $0xFFFF;
	s2 =	simm.s32 @!p0 $0x1C03  }
0x5d: {  	[timem:s3], [sflag:s2] =	dma.local @!p0 [hbm:s0], s1  }
0x5e: {  	s0 =	simm.s32 @!p0 $0x3  }
0x5f: {  	_ =	swait.ge @!p0 [sflag:s0], s1  }
0x60: {  	s1 =	ssub.s32 @!p0 $0x0, s1;
	[sflag:s0] =	ssyncset.done @!p0 $0x0  }
0x61: {  	[sflag:s0] =	ssyncadd.s32 @!p0 s1  }
0x62: {  	[bflag:$0x3] =	sbarrier.arrive $0xFFFF  }
0x63: {  	_ =	shalt  }

// kernel: _stratified_gather.19.cloned.1.call-start
scs
__scs_entry_jumppad:
0x0: {  	(pc) =	sbr.rel $0x88, $3  }
0x1: {  	(tag) =	ssettag $0x0;
	lr =	simm.s32 $0x1  }
0x2: {  	[smem:$0x3F9B] =	sst lr;
	_ =	strace $0xD0000000  }
0x3: {  	_ = 	snop  }
0x4: {  	_ = 	snop  }
0x5: {  	_ = 	snop  }
0x6: {  	_ = 	snop  }
0x7: {  	_ = 	snop  }
__scs_overlays_trampoline_lowered:
0x8: {  	[smem:$0x3FAA] =	sst s0  }
0x9: {  	[smem:$0x3FAB] =	sst s1  }
0xa: {  	[smem:$0x3FAC] =	sst s2  }
0xb: {  	[smem:$0x3FAD] =	sst s3  }
0xc: {  	[smem:$0x3FAE] =	sst s4  }
0xd: {  	[smem:$0x3FAF] =	sst s5  }
0xe: {  	[smem:$0x3FB0] =	sst s6  }
0xf: {  	[smem:$0x3FB1] =	sst s7  }
0x10: {  	[smem:$0x3FB2] =	sst s8  }
0x11: {  	[smem:$0x3FB3] =	sst s9;
	s0 =	simm.s32 @!p0 $0x0  }
0x12: {  	s1 =	sld [smem:$0x3F99];
	s0 =	simm.s32 @p0 $0x1  }
0x13: {  	[smem:$0x3FB4] =	sst s0;
	s0 =	simm.s32 @!p1 $0x0  }
0x14: {  	s2 =	sld [smem:$0x3F98];
	s0 =	simm.s32 @p1 $0x1  }
0x15: {  	[smem:$0x3FB5] =	sst s0;
	s0 =	simm.s32 @!p2 $0x0  }
0x16: {  	s3 =	sld [smem:$0x3FDB];
	s0 =	simm.s32 @p2 $0x1  }
0x17: {  	s4 =	simm.s32 $0x1BF5;
	[smem:$0x3FB7] =	sst s0  }
0x18: {  	s0 =	sld [smem:$0x3F9A];
	_ =	swait.ge [sflag:s4], $0x0  }
0x19: {  	s7 =	sld [smem:$0x3F9B]  }
0x1a: {  	s8 =	sadd.s32 $0xFFFFE003, lr  }
0x1b: {  	s9 =	sadd.s32 $0xFFFFFEF7, lr;
	s5 =	simm.s32 $0xFFFFFFFF;
	p2 =	slt.u32 s8, $0xFFFFF086  }
0x1c: {  	p1 =	slt.u32 s9, $0xF7A;
	s5 =	simm.s32 @!p2 $0x0  }
0x1d: {  	s5 =	simm.s32 @p1 $0x1;
	p0 =	seq.s32 s7, s2  }
0x1e: {  	s7 =	smul.u32 @!p0 $0xF7A, s2;
	p2 =	seq.s32 @!p0 s5, $0x0  }
0x1f: {  	s9 =	smul.u32 $0xF7A, s1;
	s8 =	simm.s32 @!p0 $0x1BF5;
	p2 =	por !p2, p0  }
0x20: {  	[sflag:s8] =	ssyncset.s32 @!p0 $0xFFFFF086;
	s6 =	sadd.s32 @!p0 s3, s7;
	s7 =	simm.s32 @!p0 $0x108  }
0x21: {  	s3 =	sadd.s32 s3, s9;
	s6 =	sadd.s32 @!p0 $0x88, s6;
	s7 =	simm.s32 @p2 $0x1082  }
0x22: {  	[simem:s7], [sflag:s8] =	dma.local @!p0 [hbm:s6], $0xF7A  }
0x23: {  	s9 =	sor.u32 $0xD0000000, s2;
	s6 =	simm.s32 $0x108;
	_ =	swait.ge @!p0 [sflag:s8], $0x0  }
0x24: {  	s3 =	sadd.s32 $0x88, s3;
	s6 =	simm.s32 @!p1 $0x1082;
	[sflag:s4] =	ssyncset.s32 $0xFFFFF086  }
0x25: {  	[simem:s6], [sflag:s4] =	dma.local [hbm:s3], $0xF7A  }
0x26: {  	[smem:$0x3F9B] =	sst s1;
	(tag) =	ssettag s2;
	_ =	strace s9  }
0x27: {  	s1 =	sld [smem:$0x3FAB]  }
0x28: {  	s2 =	sld [smem:$0x3FAC]  }
0x29: {  	s4 =	sld [smem:$0x3FAE]  }
0x2a: {  	p0 =	seq.s32 s5, $0x0;
	s5 =	sld [smem:$0x3FAF]  }
0x2b: {  	s6 =	sld [smem:$0x3FB0]  }
0x2c: {  	s7 =	sld [smem:$0x3FB1]  }
0x2d: {  	s3 =	simm.s32 $0x108;
	s8 =	sld [smem:$0x3FB2]  }
0x2e: {  	s3 =	simm.s32 @!p0 $0x1082;
	s9 =	sld [smem:$0x3FB3]  }
0x2f: {  	lr =	sadd.s32 s0, s3;
	s0 =	sld [smem:$0x3FAA]  }
0x30: {  	s3 =	sld [smem:$0x3FAD]  }
0x31: {  	[smem:$0x3FB6] =	sst s10  }
0x32: {  	s10 =	sld [smem:$0x3FB4];
	_ =	sdelay $0x3  }
0x33: {  	p0 =	seq.s32 s10, $0x1;
	s10 =	sld [smem:$0x3FB6];
	_ =	sdelay $0x3  }
0x34: {  	[smem:$0x3FB6] =	sst s10  }
0x35: {  	s10 =	sld [smem:$0x3FB5];
	_ =	sdelay $0x3  }
0x36: {  	p1 =	seq.s32 s10, $0x1;
	s10 =	sld [smem:$0x3FB6];
	_ =	sdelay $0x3  }
0x37: {  	[smem:$0x3FB6] =	sst s10  }
0x38: {  	s10 =	sld [smem:$0x3FB7]  }
0x39: {  	_ = 	snop;
	(pc) =	sbr.ind lr, $3  }
0x3a: {  	_ = 	snop  }
0x3b: {  	_ = 	snop  }
0x3c: {  	p2 =	seq.s32 s10, $0x1;
	s10 =	sld [smem:$0x3FB6]  }
0x3d: {  	_ =	shalt  }
0x3e: {  	_ =	shalt  }
0x3f: {  	_ =	shalt  }
0x40: {  	_ =	shalt  }
0x41: {  	_ =	shalt  }
0x42: {  	_ =	shalt  }
0x43: {  	_ =	shalt  }
0x44: {  	_ =	shalt  }
0x45: {  	_ =	shalt  }
0x46: {  	_ =	shalt  }
0x47: {  	_ =	shalt  }
0x48: {  	_ =	shalt  }
0x49: {  	_ =	shalt  }
0x4a: {  	_ =	shalt  }
0x4b: {  	_ =	shalt  }
0x4c: {  	_ =	shalt  }
0x4d: {  	_ =	shalt  }
0x4e: {  	_ =	shalt  }
0x4f: {  	_ =	shalt  }
0x50: {  	_ =	shalt  }
0x51: {  	_ =	shalt  }
0x52: {  	_ =	shalt  }
0x53: {  	_ =	shalt  }
0x54: {  	_ =	shalt  }
0x55: {  	_ =	shalt  }
0x56: {  	_ =	shalt  }
0x57: {  	_ =	shalt  }
0x58: {  	_ =	shalt  }
0x59: {  	_ =	shalt  }
0x5a: {  	_ =	shalt  }
0x5b: {  	_ =	shalt  }
0x5c: {  	_ =	shalt  }
0x5d: {  	_ =	shalt  }
0x5e: {  	_ =	shalt  }
0x5f: {  	_ =	shalt  }
0x60: {  	_ =	shalt  }
0x61: {  	_ =	shalt  }
0x62: {  	_ =	shalt  }
0x63: {  	_ =	shalt  }
0x64: {  	_ =	shalt  }
0x65: {  	_ =	shalt  }
0x66: {  	_ =	shalt  }
0x67: {  	_ =	shalt  }
0x68: {  	_ =	shalt  }
0x69: {  	_ =	shalt  }
0x6a: {  	_ =	shalt  }
0x6b: {  	_ =	shalt  }
0x6c: {  	_ =	shalt  }
0x6d: {  	_ =	shalt  }
0x6e: {  	_ =	shalt  }
0x6f: {  	_ =	shalt  }
0x70: {  	_ =	shalt  }
0x71: {  	_ =	shalt  }
0x72: {  	_ =	shalt  }
0x73: {  	_ =	shalt  }
0x74: {  	_ =	shalt  }
0x75: {  	_ =	shalt  }
0x76: {  	_ =	shalt  }
0x77: {  	_ =	shalt  }
0x78: {  	_ =	shalt  }
0x79: {  	_ =	shalt  }
0x7a: {  	_ =	shalt  }
0x7b: {  	_ =	shalt  }
0x7c: {  	_ =	shalt  }
0x7d: {  	_ =	shalt  }
0x7e: {  	_ =	shalt  }
0x7f: {  	_ =	shalt  }
0x80: {  	_ =	shalt  }
0x81: {  	_ =	shalt  }
0x82: {  	_ =	shalt  }
0x83: {  	_ =	shalt  }
0x84: {  	_ =	shalt  }
0x85: {  	_ =	shalt  }
0x86: {  	_ =	shalt  }
0x87: {  	_ =	shalt  }
.Lfunc_end0:
.L_simem_size_0:
called_computation.4_lowered:
.L_overlay_start_0:
0x88: {  	s2 =	sld [smem:$0x3FD9]  }
0x89: {  	s3 =	sld [smem:$0x3FFE];
	_ =	sdelay $0x1  }
0x8a: {  	s1 =	srdreg.scid  }
0x8b: {  	s0 =	sand.u32 $0x1, s1  }
0x8c: {  	s17 =	sshll.u32 s0, $0xA;
	s2 =	sadd.s32 s3, s2  }
0x8d: {  	s2 =	sadd.s32 s2, s17  }
0x8e: {  	[smem:$0x3FC2] =	sst s2  }
0x8f: {  	_ = 	snop  }
0x90: {  	s2 =	sld [smem:$0x3FC4]  }
0x91: {  	s18 =	sld [smem:$0x3FD0];
	(tm) =	ssettm $0x1  }
0x92: {  	s4 =	sld [smem:$0x3FFB];
	_ =	sdelay $0x3  }
0x93: {  	_ =	strace s4  }
0x94: {  	s4 =	sld [smem:$0x3FFC];
	_ =	sdelay $0x3  }
0x95: {  	_ =	strace s4  }
0x96: {  	s4 =	sld [smem:$0x3FFD];
	_ =	sdelay $0x3  }
0x97: {  	_ =	strace s4  }
0x98: {  	_ =	strace $0x8FFFFFFF  }
0x99: {  	s19 =	sld [smem:$0x3FDB];
	_ =	sdelay $0x1  }
0x9a: {  	s5 =	simm.s32 $_scs_section_size  }
0x9b: {  	s6 =	simm.s32 $_size__tile_overlayer_lowered;
	s7 =	simm.s32 $_tile_overlayer_lowered  }
0x9c: {  	s22 =	simm.s32 $0x1BFF;
	s21 =	sshll.u32 s7, $0x1;
	s4 =	sadd.s32 s5, s19  }
0x9d: {  	s8 =	simm.s32 $0x0;
	s20 =	sshll.u32 s6, $0x1;
	s6 =	sadd.s32 s21, s4  }
0x9e: {  	[timem:s8], [sflag:s22] =	dma.local [hbm:s6], s20  }
0x9f: {  	_ =	swait.ge [sflag:s22], s20  }
0xa0: {  	s5 =	ssub.s32 $0x0, s20;
	[sflag:s22] =	ssyncset.done $0x0  }
0xa1: {  	[sflag:s22] =	ssyncadd.s32 s5;
	_ =	sdelay $0x1  }
0xa2: {  	s23 =	simm.s32 $0x1B8B  }
0xa3: {  	_ =	swait.ge [sflag:s23], $0x1  }
0xa4: {  	[sflag:s23] =	ssyncset.done $0x0  }
0xa5: {  	s25 =	simm.s32 $0x1B8E;
	s24 =	sld [smem:$0x3FFE];
	[sflag:s23] =	ssyncadd.s32 $0xFFFFFFFF  }
0xa6: {  	s26 =	simm.s32 $execute0_lowered;
	[smem:$0x3FD2] =	sst s25  }
0xa7: {  	s6 =	sshll.u32 s26, $0x1;
	_ =	strace $0x80000052;
	[dreg:$0x1] =	wrdreg $0xFFFFFFFF  }
0xa8: {  	s28 =	simm.s32 $_size_execute0_lowered;
	s4 =	sadd.s32 s4, s6;
	[dreg:$0x0] =	wrdreg $0x0  }
0xa9: {  	s6 =	sshll.u32 s28, $0x1;
	[dreg:$0x2] =	wrdreg s4  }
0xaa: {  	[dreg:$0x3] =	wrdreg s6  }
0xab: {  	[dreg:$0x4] =	wrdreg $0xC0  }
0xac: {  	_ =	task [dreg:s8], $0x5FFFF  }
0xad: {  	[dreg:$0x1] =	wrdreg $0xFFFFFFFF  }
0xae: {  	[dreg:$0x0] =	wrdreg $0x60  }
0xaf: {  	[dreg:$0x2] =	wrdreg s24  }
0xb0: {  	[dreg:$0x3] =	wrdreg s2  }
0xb1: {  	[dreg:$0x4] =	wrdreg s18  }
0xb2: {  	[dreg:$0x5] =	wrdreg $0x9  }
0xb3: {  	_ =	task.clear_ibuf [dreg:s8], $0x6FFFF;
	_ =	strace $0x90000052  }
0xb4: {  	s29 =	simm.s32 $0x9;
	_ =	strace $0x80000054  }
0xb5: {  	_ =	swait.ge [sflag:s29], $0x1  }
0xb6: {  	[sflag:s29] =	ssyncadd.s32 $0xFFFFFFFF  }
0xb7: {  	_ =	strace $0x90000054  }
0xb8: {  	_ =	sfence  }
0xb9: {  	s30 =	sld [smem:$0x0];
	_ =	sdelay $0x2  }
0xba: {  	s31 =	sshll.u32 s1, $0xD;
	s1 =	sshrl.u32 s1, $0x2  }
0xbb: {  	s3 =	sand.u32 $0x4000, s31;
	s1 =	sadd.s32 s1, s30  }
0xbc: {  	s0 =	sor.u32 s3, s0;
	s1 =	sshll.u32 s1, $0x11  }
0xbd: {  	s0 =	sor.u32 s1, s0  }
0xbe: {  	s0 =	sadd.s32 $0x8F2B, s0  }
0xbf: {  	[sflag:s0] =	ssyncadd.remote.s32 $0x1  }
0xc0: {  	_ =	sfence.sel $0xFFFF  }
0xc1: {  	[dreg:$0x0] =	wrdreg $0xFFFFFFFF;
	(pc) =	sbr.abs _section_cstart, $3  }
0xc2: {  	[dreg:$0x1] =	wrdreg $0xFFFFFFFF  }
0xc3: {  	_ =	task.clear_ibuf [dreg:s8], $0x2FFFF;
	_ =	strace $0x9FFFFFFF  }
0xc4: {  	(tm) =	ssettm $0x7FFFFFFF  }
0xc5: {  	_ =	shalt  }
tec
execute0_lowered:
.L_overlay_start_1:
0x0: {  	(tag) =	ssettag $0x1  }
0x1: {  	s4 =	rddreg [dreg:$0x0]  }
0x2: {  	s1 =	srdreg.scid;
	s0 =	stileid.u32  }
0x3: {  	s2 =	rddreg [dreg:$0x1];
	s15 =	sand.u32 $0x1, s1;
	s30 =	sshll.u32 s0, $0x1  }
0x4: {  	s16 =	rddreg [dreg:$0x2];
	s5 =	sor.u32 s15, s30  }
0x5: {  	s3 =	simm.s32 $0x0;
	s1 =	rddreg [dreg:$0x3];
	s5 =	smul.u32 $0x6400, s5  }
0x6: {  	[smem:$0x7FF] =	sst s3  }
0x7: {  	s7 =	sadd.s32 $0x1800, s4;
	s9 =	sadd.s32 $0x53800, s4;
	s13 =	sshrl.u32 s5, $0x3  }
0x8: {  	_ =	strace $0x80000053;
	s5 =	simm.s32 $0x3200;
	s4 =	sadd.s32 s7, s13  }
0x9: {  	[tilespmem:s5], [sflag:$0x1] =	stream.linear.gather [hbm4b:s4+s3], $0x3200, $0x38;
	[tilespmem:$0xC800] =	vst v63  }
0xa: {  	s6 =	sadd.s32 s9, s13;
	s17 =	sadd.s32 $0x640, s13  }
0xb: {  	[tilespmem:s3], [sflag:$0x1] =	stream.linear.gather [hbm4b:s6+s3], $0x3200, $0x38;
	[tilespmem:$0xC800] =	vst v63  }
0xc: {  	s8 =	simm.s32 $0x9600;
	s7 =	sadd.s32 s7, s17  }
0xd: {  	[tilespmem:s8], [sflag:$0x2] =	stream.linear.gather [hbm4b:s7+s3], $0x3200, $0x38;
	[tilespmem:$0xC800] =	vst v63  }
0xe: {  	s10 =	simm.s32 $0x6400;
	s11 =	simm.s32 $0x1;
	s9 =	sadd.s32 s9, s17  }
0xf: {  	[tilespmem:s10], [sflag:$0x2] =	stream.linear.gather [hbm4b:s9+s3], $0x3200, $0x38;
	[tilespmem:$0xC800] =	vst v63  }
0x10: {  	_ =	swait.ge [sflag:s11], $0x3200  }
0x11: {  	[sflag:s11] =	ssyncset.done $0x0  }
0x12: {  	[sflag:s11] =	ssyncadd.s32 $0xFFFFCE00  }
0x13: {  	_ =	swait.ge [sflag:s11], $0x3200  }
0x14: {  	[sflag:s11] =	ssyncset.done $0x0  }
0x15: {  	[sflag:s11] =	ssyncadd.s32 $0xFFFFCE00;
	(ifvalue) =	ssetifvalue $0xFFFFFFFF  }
0x16: {  	s12 =	simm.s32 $0x2;
	(ifvalue) =	ssetifvalue $0xFFFFFFFF  }
0x17: {  	[tilespmem:s5], [sflag:$0x1] =	stream.indirect.gather [hbm4b:s2+s5], $0x1, s3, s5, $0x40b8;
	[tilespmem:$0xC800] =	vst v63  }
0x18: {  	_ =	swait.ge [sflag:s12], $0x3200  }
0x19: {  	[sflag:s12] =	ssyncset.done $0x0  }
0x1a: {  	[sflag:s12] =	ssyncadd.s32 $0xFFFFCE00  }
0x1b: {  	_ =	swait.ge [sflag:s12], $0x3200  }
0x1c: {  	[sflag:s12] =	ssyncset.done $0x0  }
0x1d: {  	[sflag:s12] =	ssyncadd.s32 $0xFFFFCE00;
	(ifvalue) =	ssetifvalue $0xFFFFFFFF  }
0x1e: {  	(ifvalue) =	ssetifvalue $0xFFFFFFFF  }
0x1f: {  	[tilespmem:s8], [sflag:$0x2] =	stream.indirect.gather [hbm4b:s2+s5], $0x1, s10, s5, $0x40b8;
	[tilespmem:$0xC800] =	vst v63  }
0x20: {  	_ =	swait.ge [sflag:s11], $0x3200  }
0x21: {  	s15 =	ssub.s32 $0x2, s15;
	[sflag:s11] =	ssyncset.done $0x0  }
0x22: {  	s14 =	sadd.s32 s16, s13;
	s13 =	simm.s32 $0x3;
	[sflag:s11] =	ssyncadd.s32 $0xFFFFCE00  }
0x23: {  	[hbm4b:s14+s3] =	stream.linear.scatter [tilespmem:s5], [sflag:$0x3], $0x3200, $0x38;
	[tilespmem:$0xC800] =	vst v63  }
0x24: {  	s18 =	sshrl.u32 s15, $0x1;
	_ =	swait.ge [sflag:s13], $0x3200  }
0x25: {  	s18 =	ssub.s32 s15, s18;
	[sflag:s13] =	ssyncset.done $0x0  }
0x26: {  	s31 =	smax.u32 s18, $0x1;
	[sflag:s13] =	ssyncadd.s32 $0xFFFFCE00  }
0x27: {  	p0 =	sne.s32 s31, $0x1;
	_ =	swait.ge [sflag:s12], $0x3200  }
.Ltmp0:
0x28: {  	[sflag:s12] =	ssyncset.done $0x0;
	(pc) =	sbr.rel @!p0 .LBB2_2-.Ltmp0, $4  }
0x29: {  	s15 =	sadd.s32 s16, s17;
	[sflag:s12] =	ssyncadd.s32 $0xFFFFCE00  }
0x2a: {  	[hbm4b:s15+s3] =	stream.linear.scatter [tilespmem:s8], [sflag:$0x3], $0x3200, $0x38;
	[tilespmem:$0xC800] =	vst v63  }
0x2b: {  	_ =	swait.ge [sflag:s13], $0x3200  }
0x2c: {  	s16 =	sadd.s32 $0xFFFFFFFF, s31;
	[sflag:s13] =	ssyncset.done $0x0  }
.LBB2_1:
0x2d: {  	p0 =	sne.s32 s16, $0x1;
	s16 =	sadd.s32 $0xFFFFFFFF, s16;
	[sflag:s13] =	ssyncadd.s32 $0xFFFFCE00  }
0x2e: {  	[tilespmem:s5], [sflag:$0x1] =	stream.linear.gather [hbm4b:s4+s3], $0x3200, $0x38;
	[tilespmem:$0xC800] =	vst v63  }
0x2f: {  	_ = 	snop  }
0x30: {  	[tilespmem:s3], [sflag:$0x1] =	stream.linear.gather [hbm4b:s6+s3], $0x3200, $0x38;
	[tilespmem:$0xC800] =	vst v63  }
0x31: {  	_ = 	snop  }
0x32: {  	[tilespmem:s8], [sflag:$0x2] =	stream.linear.gather [hbm4b:s7+s3], $0x3200, $0x38;
	[tilespmem:$0xC800] =	vst v63  }
0x33: {  	_ = 	snop  }
0x34: {  	[tilespmem:s10], [sflag:$0x2] =	stream.linear.gather [hbm4b:s9+s3], $0x3200, $0x38;
	[tilespmem:$0xC800] =	vst v63  }
0x35: {  	_ =	swait.ge [sflag:s11], $0x3200  }
0x36: {  	[sflag:s11] =	ssyncset.done $0x0  }
0x37: {  	[sflag:s11] =	ssyncadd.s32 $0xFFFFCE00  }
0x38: {  	_ =	swait.ge [sflag:s11], $0x3200  }
0x39: {  	[sflag:s11] =	ssyncset.done $0x0  }
0x3a: {  	[sflag:s11] =	ssyncadd.s32 $0xFFFFCE00  }
0x3b: {  	(ifvalue) =	ssetifvalue $0xFFFFFFFF  }
0x3c: {  	(ifvalue) =	ssetifvalue $0xFFFFFFFF  }
0x3d: {  	[tilespmem:s5], [sflag:$0x1] =	stream.indirect.gather [hbm4b:s2+s5], $0x1, s3, s5, $0x40b8;
	[tilespmem:$0xC800] =	vst v63  }
0x3e: {  	_ =	swait.ge [sflag:s12], $0x3200  }
0x3f: {  	[sflag:s12] =	ssyncset.done $0x0  }
0x40: {  	[sflag:s12] =	ssyncadd.s32 $0xFFFFCE00  }
0x41: {  	_ =	swait.ge [sflag:s12], $0x3200  }
0x42: {  	[sflag:s12] =	ssyncset.done $0x0  }
0x43: {  	[sflag:s12] =	ssyncadd.s32 $0xFFFFCE00  }
0x44: {  	(ifvalue) =	ssetifvalue $0xFFFFFFFF  }
0x45: {  	(ifvalue) =	ssetifvalue $0xFFFFFFFF  }
0x46: {  	[tilespmem:s8], [sflag:$0x2] =	stream.indirect.gather [hbm4b:s2+s5], $0x1, s10, s5, $0x40b8;
	[tilespmem:$0xC800] =	vst v63  }
0x47: {  	_ =	swait.ge [sflag:s11], $0x3200  }
0x48: {  	[sflag:s11] =	ssyncset.done $0x0  }
0x49: {  	[sflag:s11] =	ssyncadd.s32 $0xFFFFCE00  }
0x4a: {  	[hbm4b:s14+s3] =	stream.linear.scatter [tilespmem:s5], [sflag:$0x3], $0x3200, $0x38;
	[tilespmem:$0xC800] =	vst v63  }
0x4b: {  	_ =	swait.ge [sflag:s13], $0x3200  }
0x4c: {  	[sflag:s13] =	ssyncset.done $0x0  }
0x4d: {  	[sflag:s13] =	ssyncadd.s32 $0xFFFFCE00  }
0x4e: {  	_ =	swait.ge [sflag:s12], $0x3200  }
.Ltmp1:
0x4f: {  	[sflag:s12] =	ssyncset.done $0x0;
	(pc) =	sbr.rel @p0 .LBB2_1-.Ltmp1, $4  }
0x50: {  	[sflag:s12] =	ssyncadd.s32 $0xFFFFCE00  }
0x51: {  	[hbm4b:s15+s3] =	stream.linear.scatter [tilespmem:s8], [sflag:$0x3], $0x3200, $0x38;
	[tilespmem:$0xC800] =	vst v63  }
0x52: {  	_ =	swait.ge [sflag:s13], $0x3200  }
0x53: {  	[sflag:s13] =	ssyncset.done $0x0  }
.LBB2_2:
0x54: {  	[sflag:s13] =	ssyncadd.s32 $0xFFFFCE00  }
0x55: {  	_ =	sfence.sel $0x180000  }
0x56: {  	[bflag:$0x0] =	sbarrier.arrive $0xFFFF  }
0x57: {  	p0 =	sne.s32 s0, $0x0;
	_ =	strace $0x90000053  }
0x58: {  	s0 =	sadd.s32 @!p0 $0x100000, s1;
	[bflag:$0x2] =	sbarrier.arrive $0xFFFF  }
0x59: {  	[sflag:s0] =	ssyncadd.tile.s32 @!p0 $0x1;
	_ =	shalt  }
.Lfunc_end2:
_tile_overlayer_lowered:
.L_overlay_start_2:
0x5a: {  	(tag) =	ssettag $0x2  }
0x5b: {  	s0 =	rddreg [dreg:$0x0];
	s2 =	stileid.u32  }
0x5c: {  	s1 =	rddreg [dreg:$0x1];
	p0 =	sne.s32 s2, $0x0  }
0x5d: {  	s3 =	rddreg [dreg:$0x2];
	[bflag:$0x3] =	sbarrier.arrive $0xFFFF;
	s2 =	simm.s32 @!p0 $0x1C03  }
0x5e: {  	[timem:s3], [sflag:s2] =	dma.local @!p0 [hbm:s0], s1  }
0x5f: {  	s0 =	simm.s32 @!p0 $0x3  }
0x60: {  	_ =	swait.ge @!p0 [sflag:s0], s1  }
0x61: {  	s1 =	ssub.s32 @!p0 $0x0, s1;
	[sflag:s0] =	ssyncset.done @!p0 $0x0  }
0x62: {  	[sflag:s0] =	ssyncadd.s32 @!p0 s1  }
0x63: {  	[bflag:$0x3] =	sbarrier.arrive $0xFFFF  }
0x64: {  	_ =	shalt  }

// kernel: _stratified_gather.7.cloned.1.call-start
scs
__scs_entry_jumppad:
0x0: {  	(pc) =	sbr.rel $0x88, $3  }
0x1: {  	(tag) =	ssettag $0x0;
	lr =	simm.s32 $0x1  }
0x2: {  	[smem:$0x3F9B] =	sst lr;
	_ =	strace $0xD0000000  }
0x3: {  	_ = 	snop  }
0x4: {  	_ = 	snop  }
0x5: {  	_ = 	snop  }
0x6: {  	_ = 	snop  }
0x7: {  	_ = 	snop  }
__scs_overlays_trampoline_lowered:
0x8: {  	[smem:$0x3FAA] =	sst s0  }
0x9: {  	[smem:$0x3FAB] =	sst s1  }
0xa: {  	[smem:$0x3FAC] =	sst s2  }
0xb: {  	[smem:$0x3FAD] =	sst s3  }
0xc: {  	[smem:$0x3FAE] =	sst s4  }
0xd: {  	[smem:$0x3FAF] =	sst s5  }
0xe: {  	[smem:$0x3FB0] =	sst s6  }
0xf: {  	[smem:$0x3FB1] =	sst s7  }
0x10: {  	[smem:$0x3FB2] =	sst s8  }
0x11: {  	[smem:$0x3FB3] =	sst s9;
	s0 =	simm.s32 @!p0 $0x0  }
0x12: {  	s1 =	sld [smem:$0x3F99];
	s0 =	simm.s32 @p0 $0x1  }
0x13: {  	[smem:$0x3FB4] =	sst s0;
	s0 =	simm.s32 @!p1 $0x0  }
0x14: {  	s2 =	sld [smem:$0x3F98];
	s0 =	simm.s32 @p1 $0x1  }
0x15: {  	[smem:$0x3FB5] =	sst s0;
	s0 =	simm.s32 @!p2 $0x0  }
0x16: {  	s3 =	sld [smem:$0x3FDB];
	s0 =	simm.s32 @p2 $0x1  }
0x17: {  	s4 =	simm.s32 $0x1BF5;
	[smem:$0x3FB7] =	sst s0  }
0x18: {  	s0 =	sld [smem:$0x3F9A];
	_ =	swait.ge [sflag:s4], $0x0  }
0x19: {  	s7 =	sld [smem:$0x3F9B]  }
0x1a: {  	s8 =	sadd.s32 $0xFFFFE003, lr  }
0x1b: {  	s9 =	sadd.s32 $0xFFFFFEF7, lr;
	s5 =	simm.s32 $0xFFFFFFFF;
	p2 =	slt.u32 s8, $0xFFFFF086  }
0x1c: {  	p1 =	slt.u32 s9, $0xF7A;
	s5 =	simm.s32 @!p2 $0x0  }
0x1d: {  	s5 =	simm.s32 @p1 $0x1;
	p0 =	seq.s32 s7, s2  }
0x1e: {  	s7 =	smul.u32 @!p0 $0xF7A, s2;
	p2 =	seq.s32 @!p0 s5, $0x0  }
0x1f: {  	s9 =	smul.u32 $0xF7A, s1;
	s8 =	simm.s32 @!p0 $0x1BF5;
	p2 =	por !p2, p0  }
0x20: {  	[sflag:s8] =	ssyncset.s32 @!p0 $0xFFFFF086;
	s6 =	sadd.s32 @!p0 s3, s7;
	s7 =	simm.s32 @!p0 $0x108  }
0x21: {  	s3 =	sadd.s32 s3, s9;
	s6 =	sadd.s32 @!p0 $0x88, s6;
	s7 =	simm.s32 @p2 $0x1082  }
0x22: {  	[simem:s7], [sflag:s8] =	dma.local @!p0 [hbm:s6], $0xF7A  }
0x23: {  	s9 =	sor.u32 $0xD0000000, s2;
	s6 =	simm.s32 $0x108;
	_ =	swait.ge @!p0 [sflag:s8], $0x0  }
0x24: {  	s3 =	sadd.s32 $0x88, s3;
	s6 =	simm.s32 @!p1 $0x1082;
	[sflag:s4] =	ssyncset.s32 $0xFFFFF086  }
0x25: {  	[simem:s6], [sflag:s4] =	dma.local [hbm:s3], $0xF7A  }
0x26: {  	[smem:$0x3F9B] =	sst s1;
	(tag) =	ssettag s2;
	_ =	strace s9  }
0x27: {  	s1 =	sld [smem:$0x3FAB]  }
0x28: {  	s2 =	sld [smem:$0x3FAC]  }
0x29: {  	s4 =	sld [smem:$0x3FAE]  }
0x2a: {  	p0 =	seq.s32 s5, $0x0;
	s5 =	sld [smem:$0x3FAF]  }
0x2b: {  	s6 =	sld [smem:$0x3FB0]  }
0x2c: {  	s7 =	sld [smem:$0x3FB1]  }
0x2d: {  	s3 =	simm.s32 $0x108;
	s8 =	sld [smem:$0x3FB2]  }
0x2e: {  	s3 =	simm.s32 @!p0 $0x1082;
	s9 =	sld [smem:$0x3FB3]  }
0x2f: {  	lr =	sadd.s32 s0, s3;
	s0 =	sld [smem:$0x3FAA]  }
0x30: {  	s3 =	sld [smem:$0x3FAD]  }
0x31: {  	[smem:$0x3FB6] =	sst s10  }
0x32: {  	s10 =	sld [smem:$0x3FB4];
	_ =	sdelay $0x3  }
0x33: {  	p0 =	seq.s32 s10, $0x1;
	s10 =	sld [smem:$0x3FB6];
	_ =	sdelay $0x3  }
0x34: {  	[smem:$0x3FB6] =	sst s10  }
0x35: {  	s10 =	sld [smem:$0x3FB5];
	_ =	sdelay $0x3  }
0x36: {  	p1 =	seq.s32 s10, $0x1;
	s10 =	sld [smem:$0x3FB6];
	_ =	sdelay $0x3  }
0x37: {  	[smem:$0x3FB6] =	sst s10  }
0x38: {  	s10 =	sld [smem:$0x3FB7]  }
0x39: {  	_ = 	snop;
	(pc) =	sbr.ind lr, $3  }
0x3a: {  	_ = 	snop  }
0x3b: {  	_ = 	snop  }
0x3c: {  	p2 =	seq.s32 s10, $0x1;
	s10 =	sld [smem:$0x3FB6]  }
0x3d: {  	_ =	shalt  }
0x3e: {  	_ =	shalt  }
0x3f: {  	_ =	shalt  }
0x40: {  	_ =	shalt  }
0x41: {  	_ =	shalt  }
0x42: {  	_ =	shalt  }
0x43: {  	_ =	shalt  }
0x44: {  	_ =	shalt  }
0x45: {  	_ =	shalt  }
0x46: {  	_ =	shalt  }
0x47: {  	_ =	shalt  }
0x48: {  	_ =	shalt  }
0x49: {  	_ =	shalt  }
0x4a: {  	_ =	shalt  }
0x4b: {  	_ =	shalt  }
0x4c: {  	_ =	shalt  }
0x4d: {  	_ =	shalt  }
0x4e: {  	_ =	shalt  }
0x4f: {  	_ =	shalt  }
0x50: {  	_ =	shalt  }
0x51: {  	_ =	shalt  }
0x52: {  	_ =	shalt  }
0x53: {  	_ =	shalt  }
0x54: {  	_ =	shalt  }
0x55: {  	_ =	shalt  }
0x56: {  	_ =	shalt  }
0x57: {  	_ =	shalt  }
0x58: {  	_ =	shalt  }
0x59: {  	_ =	shalt  }
0x5a: {  	_ =	shalt  }
0x5b: {  	_ =	shalt  }
0x5c: {  	_ =	shalt  }
0x5d: {  	_ =	shalt  }
0x5e: {  	_ =	shalt  }
0x5f: {  	_ =	shalt  }
0x60: {  	_ =	shalt  }
0x61: {  	_ =	shalt  }
0x62: {  	_ =	shalt  }
0x63: {  	_ =	shalt  }
0x64: {  	_ =	shalt  }
0x65: {  	_ =	shalt  }
0x66: {  	_ =	shalt  }
0x67: {  	_ =	shalt  }
0x68: {  	_ =	shalt  }
0x69: {  	_ =	shalt  }
0x6a: {  	_ =	shalt  }
0x6b: {  	_ =	shalt  }
0x6c: {  	_ =	shalt  }
0x6d: {  	_ =	shalt  }
0x6e: {  	_ =	shalt  }
0x6f: {  	_ =	shalt  }
0x70: {  	_ =	shalt  }
0x71: {  	_ =	shalt  }
0x72: {  	_ =	shalt  }
0x73: {  	_ =	shalt  }
0x74: {  	_ =	shalt  }
0x75: {  	_ =	shalt  }
0x76: {  	_ =	shalt  }
0x77: {  	_ =	shalt  }
0x78: {  	_ =	shalt  }
0x79: {  	_ =	shalt  }
0x7a: {  	_ =	shalt  }
0x7b: {  	_ =	shalt  }
0x7c: {  	_ =	shalt  }
0x7d: {  	_ =	shalt  }
0x7e: {  	_ =	shalt  }
0x7f: {  	_ =	shalt  }
0x80: {  	_ =	shalt  }
0x81: {  	_ =	shalt  }
0x82: {  	_ =	shalt  }
0x83: {  	_ =	shalt  }
0x84: {  	_ =	shalt  }
0x85: {  	_ =	shalt  }
0x86: {  	_ =	shalt  }
0x87: {  	_ =	shalt  }
.Lfunc_end0:
.L_simem_size_0:
called_computation_lowered:
.L_overlay_start_0:
0x88: {  	s2 =	sld [smem:$0x3FD9]  }
0x89: {  	s3 =	sld [smem:$0x3FFE];
	_ =	sdelay $0x1  }
0x8a: {  	s1 =	srdreg.scid  }
0x8b: {  	s0 =	sand.u32 $0x1, s1  }
0x8c: {  	s17 =	sshll.u32 s0, $0xA;
	s2 =	sadd.s32 s3, s2  }
0x8d: {  	s2 =	sadd.s32 s2, s17  }
0x8e: {  	[smem:$0x3FC2] =	sst s2  }
0x8f: {  	_ = 	snop  }
0x90: {  	s2 =	sld [smem:$0x3FC8]  }
0x91: {  	s18 =	sld [smem:$0x3FD0];
	(tm) =	ssettm $0x1  }
0x92: {  	s4 =	sld [smem:$0x3FFB];
	_ =	sdelay $0x3  }
0x93: {  	_ =	strace s4  }
0x94: {  	s4 =	sld [smem:$0x3FFC];
	_ =	sdelay $0x3  }
0x95: {  	_ =	strace s4  }
0x96: {  	s4 =	sld [smem:$0x3FFD];
	_ =	sdelay $0x3  }
0x97: {  	_ =	strace s4  }
0x98: {  	_ =	strace $0x8FFFFFFF  }
0x99: {  	s19 =	sld [smem:$0x3FDB];
	_ =	sdelay $0x1  }
0x9a: {  	s5 =	simm.s32 $_scs_section_size  }
0x9b: {  	s6 =	simm.s32 $_size__tile_overlayer_lowered;
	s7 =	simm.s32 $_tile_overlayer_lowered  }
0x9c: {  	s22 =	simm.s32 $0x1BFF;
	s21 =	sshll.u32 s7, $0x1;
	s4 =	sadd.s32 s5, s19  }
0x9d: {  	s8 =	simm.s32 $0x0;
	s20 =	sshll.u32 s6, $0x1;
	s6 =	sadd.s32 s21, s4  }
0x9e: {  	[timem:s8], [sflag:s22] =	dma.local [hbm:s6], s20  }
0x9f: {  	_ =	swait.ge [sflag:s22], s20  }
0xa0: {  	s5 =	ssub.s32 $0x0, s20;
	[sflag:s22] =	ssyncset.done $0x0  }
0xa1: {  	[sflag:s22] =	ssyncadd.s32 s5;
	_ =	sdelay $0x1  }
0xa2: {  	s23 =	simm.s32 $0x1B8B  }
0xa3: {  	_ =	swait.ge [sflag:s23], $0x1  }
0xa4: {  	[sflag:s23] =	ssyncset.done $0x0  }
0xa5: {  	s25 =	simm.s32 $0x1B8E;
	s24 =	sld [smem:$0x3FFE];
	[sflag:s23] =	ssyncadd.s32 $0xFFFFFFFF  }
0xa6: {  	s26 =	simm.s32 $execute0_lowered;
	[smem:$0x3FD2] =	sst s25  }
0xa7: {  	s6 =	sshll.u32 s26, $0x1;
	_ =	strace $0x80000046;
	[dreg:$0x1] =	wrdreg $0xFFFFFFFF  }
0xa8: {  	s28 =	simm.s32 $_size_execute0_lowered;
	s4 =	sadd.s32 s4, s6;
	[dreg:$0x0] =	wrdreg $0x0  }
0xa9: {  	s6 =	sshll.u32 s28, $0x1;
	[dreg:$0x2] =	wrdreg s4  }
0xaa: {  	[dreg:$0x3] =	wrdreg s6  }
0xab: {  	[dreg:$0x4] =	wrdreg $0xC0  }
0xac: {  	_ =	task [dreg:s8], $0x5FFFF  }
0xad: {  	[dreg:$0x1] =	wrdreg $0xFFFFFFFF  }
0xae: {  	[dreg:$0x0] =	wrdreg $0x60  }
0xaf: {  	[dreg:$0x2] =	wrdreg s24  }
0xb0: {  	[dreg:$0x3] =	wrdreg s2  }
0xb1: {  	[dreg:$0x4] =	wrdreg s18  }
0xb2: {  	[dreg:$0x5] =	wrdreg $0x9  }
0xb3: {  	_ =	task.clear_ibuf [dreg:s8], $0x6FFFF;
	_ =	strace $0x90000046  }
0xb4: {  	s29 =	simm.s32 $0x9;
	_ =	strace $0x80000048  }
0xb5: {  	_ =	swait.ge [sflag:s29], $0x1  }
0xb6: {  	[sflag:s29] =	ssyncadd.s32 $0xFFFFFFFF  }
0xb7: {  	_ =	strace $0x90000048  }
0xb8: {  	_ =	sfence  }
0xb9: {  	s30 =	sld [smem:$0x0];
	_ =	sdelay $0x2  }
0xba: {  	s31 =	sshll.u32 s1, $0xD;
	s1 =	sshrl.u32 s1, $0x2  }
0xbb: {  	s3 =	sand.u32 $0x4000, s31;
	s1 =	sadd.s32 s1, s30  }
0xbc: {  	s0 =	sor.u32 s3, s0;
	s1 =	sshll.u32 s1, $0x11  }
0xbd: {  	s0 =	sor.u32 s1, s0  }
0xbe: {  	s0 =	sadd.s32 $0x8F2B, s0  }
0xbf: {  	[sflag:s0] =	ssyncadd.remote.s32 $0x1  }
0xc0: {  	_ =	sfence.sel $0xFFFF  }
0xc1: {  	[dreg:$0x0] =	wrdreg $0xFFFFFFFF;
	(pc) =	sbr.abs _section_cstart, $3  }
0xc2: {  	[dreg:$0x1] =	wrdreg $0xFFFFFFFF  }
0xc3: {  	_ =	task.clear_ibuf [dreg:s8], $0x2FFFF;
	_ =	strace $0x9FFFFFFF  }
0xc4: {  	(tm) =	ssettm $0x7FFFFFFF  }
0xc5: {  	_ =	shalt  }
tec
execute0_lowered:
.L_overlay_start_1:
0x0: {  	(tag) =	ssettag $0x1  }
0x1: {  	s0 =	rddreg [dreg:$0x0]  }
0x2: {  	s1 =	rddreg [dreg:$0x1];
	s2 =	srdreg.scid  }
0x3: {  	s5 =	stileid.u32;
	s3 =	rddreg [dreg:$0x2]  }
0x4: {  	s15 =	simm.s32 $0x4000;
	s16 =	simm.s32 $0x2;
	s17 =	simm.s32 $0x4180  }
0x5: {  	s21 =	simm.s32 $0xD800;
	s22 =	simm.s32 $0x1;
	s23 =	simm.s32 $0x0  }
0x6: {  	s4 =	sand.u32 $0x1, s2;
	s5 =	sshll.u32 s5, $0x1;
	s2 =	simm.s32 $0x0  }
0x7: {  	s11 =	sadd.s32 $0x21800, s0;
	s12 =	sadd.s32 $0x3A800, s0;
	s5 =	sor.u32 s4, s5  }
0x8: {  	[smem:$0x7FF] =	sst s2;
	s4 =	ssub.s32 $0x2, s4;
	s28 =	smul.u32 $0x30, s5  }
0x9: {  	s6 =	sshll.u32 s5, $0xC;
	_ =	strace $0x80000047;
	s5 =	smul.u32 $0x6400, s5  }
0xa: {  	s7 =	sshrl.u32 s4, $0x1;
	s9 =	sadd.s32 s6, s0;
	s0 =	sadd.s32 $0x53800, s0  }
0xb: {  	s4 =	ssub.s32 s4, s7;
	s1 =	sadd.s32 s1, s28;
	s29 =	sshrl.u32 s5, $0x3  }
0xc: {  	s30 =	sadd.s32 $0x1800, s9;
	s9 =	sadd.s32 $0x2000, s9;
	[dreg:$0x4] =	wrdreg s1  }
0xd: {  	v0 =	vlaneseq.u32;
	s14 =	smax.u32 s4, $0x1;
	[dreg:$0x5] =	wrdreg s30;
	s31 =	sadd.s32 s3, s29  }
0xe: {  	v0 =	vmul.u32 $0x3, v0;
	s6 =	sadd.s32 s11, s29;
	s7 =	sadd.s32 s12, s29;
	s1 =	sadd.s32 $0x640, s29  }
0xf: {  	s8 =	sadd.s32 s0, s29;
	[dreg:$0x6] =	wrdreg s31;
	s10 =	sadd.s32 s3, s1  }
0x10: {  	v0 =	vadd.s32 $0x2, v0;
	s11 =	sadd.s32 s11, s1;
	s12 =	sadd.s32 s12, s1;
	s13 =	sadd.s32 s0, s1  }
.LBB2_1:
0x11: {  	v1 =	vmov s2  }
0x12: {  	v1 =	vmul.u32 $0x3, v1;
	_ =	sdelay $0x1  }
0x13: {  	v1 =	vbroadcast v1, $0x0;
	_ =	sdelay $0x1  }
0x14: {  	s0 =	rddreg [dreg:$0x4];
	v1 =	vadd.s32 v0, v1  }
0x15: {  	[tilespmem:s15], [sflag:$0x2] =	stream.linear.gather [hbm4b:s0+s2], $0x180, $0x38;
	[tilespmem:$0x10A00] =	vst v63  }
0x16: {  	_ =	swait.ge [sflag:s16], $0x180  }
0x17: {  	[sflag:s16] =	ssyncset.done $0x0  }
0x18: {  	[sflag:s16] =	ssyncadd.s32 $0xFFFFFE80  }
0x19: {  	s30 =	simm.s32 $0x10;
	v1 =	vld.idx.msk [tilespmem:v1+s15+$0x0], $0xffff  }
0x1a: {  	v2 =	vmov s30  }
0x1b: {  	v2 =	vmul.u32 $0x3, v2;
	_ =	sdelay $0x1  }
0x1c: {  	v2 =	vbroadcast v2, $0x0  }
0x1d: {  	vm0 =	vlt.s32 v1, $0x3  }
0x1e: {  	v3 =	vnsel vm0, $0x3, v1;
	v1 =	vadd.s32 v0, v2;
	_ =	sdelay $0x2  }
0x1f: {  	s31 =	simm.s32 $0x20  }
0x20: {  	s1 =	simm.s32 $0x30;
	s0 =	simm.s32 $0x4180;
	v2 =	vmov s31;
	[tilespmem:s17+$0x0] =	vst v3  }
.LBB2_2:
0x21: {  	p0 =	sne.s32 s1, $0x70;
	v2 =	vmul.u32 $0x3, v2;
	v3 =	vld.idx.msk [tilespmem:v1+s15+$0x0], $0xffff;
	_ =	sdelay $0x1  }
0x22: {  	v1 =	vbroadcast v2, $0x0;
	_ =	sdelay $0x1  }
.Ltmp0:
0x23: {  	v1 =	vadd.s32 v0, v1;
	(pc) =	sbr.rel @p0 .LBB2_2-.Ltmp0, $4  }
0x24: {  	_ = 	snop  }
0x25: {  	vm0 =	vlt.s32 v3, $0x3  }
0x26: {  	s0 =	sadd.s32 $0x10, s0;
	v3 =	vnsel vm0, $0x3, v3  }
0x27: {  	v2 =	vmov s1;
	s1 =	sadd.s32 $0x10, s1;
	[tilespmem:s0+$0x0] =	vst v3  }
0x28: {  	_ =	sdelay $0x2  }
0x29: {  	v2 =	vmul.u32 $0x3, v2  }
0x2a: {  	v1 =	vld.idx.msk [tilespmem:v1+s15+$0x0], $0xffff  }
0x2b: {  	v2 =	vbroadcast v2, $0x0;
	_ =	sdelay $0x1  }
0x2c: {  	v2 =	vadd.s32 v0, v2;
	_ =	sdelay $0x1  }
0x2d: {  	vm0 =	vlt.s32 v1, $0x3  }
0x2e: {  	s0 =	sadd.s32 $0x10, s0;
	v1 =	vnsel vm0, $0x3, v1  }
0x2f: {  	[tilespmem:s0+$0x0] =	vst v1  }
0x30: {  	v1 =	vld.idx.msk [tilespmem:v2+s15+$0x0], $0xffff;
	_ =	sdelay $0x4  }
0x31: {  	vm0 =	vlt.s32 v1, $0x3  }
0x32: {  	s24 =	simm.s32 $0x0;
	s0 =	sadd.s32 $0x10, s0;
	v1 =	vnsel vm0, $0x3, v1  }
0x33: {  	s5 =	rddreg [dreg:$0x5];
	[tilespmem:s0+$0x0] =	vst v1;
	v1 =	vmov s24  }
0x34: {  	[tilespmem:s24], [sflag:$0x2] =	stream.linear.gather [hbm4b:s5+s24], $0x4000, $0x38;
	[tilespmem:$0x10A00] =	vst v63  }
0x35: {  	_ =	swait.ge [sflag:s16], $0x4000  }
0x36: {  	[sflag:s16] =	ssyncset.done $0x0  }
0x37: {  	s18 =	sand.u32 $0x3800, s24;
	s1 =	sand.u32 $0x380, s24;
	[sflag:s16] =	ssyncadd.s32 $0xFFFFC000  }
0x38: {  	s3 =	sor.u32 s1, s18;
	v1 =	vld.idx.msk [tilespmem:v1+s17+$0x0], $0xffff  }
0x39: {  	v2 =	vld [tilespmem:s3+$0x0];
	_ =	sdelay $0x3  }
0x3a: {  	vm2 =	veq.s32 v1, $0x0  }
0x3b: {  	s30 =	simm.s32 $0x4260;
	vm3 =	veq.s32 v1, $0x1;
	v3 =	vnsel vm2, $0xFFFFFFFF, v2  }
0x3c: {  	s0 =	simm.s32 $0x7460;
	vm1 =	veq.s32 v1, $0x2;
	[tilespmem:s30+$0xFFFFFFA0] =	vst v3;
	v3 =	vnsel vm3, $0xFFFFFFFF, v2  }
0x3d: {  	s1 =	simm.s32 $0xA660;
	vm0 =	veq.s32 v1, $0x3;
	v1 =	vnsel vm1, $0xFFFFFFFF, v2;
	[tilespmem:s0+$0xFFFFFFA0] =	vst v3  }
0x3e: {  	s31 =	simm.s32 $0xD860;
	[tilespmem:s1+$0xFFFFFFA0] =	vst v1;
	v1 =	vnsel vm0, $0xFFFFFFFF, v2  }
0x3f: {  	[tilespmem:s31+$0xFFFFFFA0] =	vst v1  }
0x40: {  	v1 =	vld [tilespmem:s3+$0x10];
	_ =	sdelay $0x4  }
0x41: {  	v2 =	vnsel vm2, $0xFFFFFFFF, v1  }
0x42: {  	v3 =	vnsel vm3, $0xFFFFFFFF, v1;
	[tilespmem:s30+$0xFFFFFFB0] =	vst v2  }
0x43: {  	v2 =	vnsel vm1, $0xFFFFFFFF, v1;
	[tilespmem:s0+$0xFFFFFFB0] =	vst v3  }
0x44: {  	v1 =	vnsel vm0, $0xFFFFFFFF, v1;
	[tilespmem:s1+$0xFFFFFFB0] =	vst v2  }
0x45: {  	[tilespmem:s31+$0xFFFFFFB0] =	vst v1  }
0x46: {  	v1 =	vld [tilespmem:s3+$0x20];
	_ =	sdelay $0x4  }
0x47: {  	v2 =	vnsel vm2, $0xFFFFFFFF, v1  }
0x48: {  	v3 =	vnsel vm3, $0xFFFFFFFF, v1;
	[tilespmem:s30+$0xFFFFFFC0] =	vst v2  }
0x49: {  	v2 =	vnsel vm1, $0xFFFFFFFF, v1;
	[tilespmem:s0+$0xFFFFFFC0] =	vst v3  }
0x4a: {  	v1 =	vnsel vm0, $0xFFFFFFFF, v1;
	[tilespmem:s1+$0xFFFFFFC0] =	vst v2  }
0x4b: {  	[tilespmem:s31+$0xFFFFFFC0] =	vst v1  }
0x4c: {  	v1 =	vld [tilespmem:s3+$0x30];
	_ =	sdelay $0x4  }
0x4d: {  	v2 =	vnsel vm2, $0xFFFFFFFF, v1  }
0x4e: {  	v3 =	vnsel vm3, $0xFFFFFFFF, v1;
	[tilespmem:s30+$0xFFFFFFD0] =	vst v2  }
0x4f: {  	v2 =	vnsel vm1, $0xFFFFFFFF, v1;
	[tilespmem:s0+$0xFFFFFFD0] =	vst v3  }
0x50: {  	v1 =	vnsel vm0, $0xFFFFFFFF, v1;
	[tilespmem:s1+$0xFFFFFFD0] =	vst v2  }
0x51: {  	[tilespmem:s31+$0xFFFFFFD0] =	vst v1  }
0x52: {  	v1 =	vld [tilespmem:s3+$0x40];
	_ =	sdelay $0x4  }
0x53: {  	v2 =	vnsel vm2, $0xFFFFFFFF, v1  }
0x54: {  	v3 =	vnsel vm3, $0xFFFFFFFF, v1;
	[tilespmem:s30+$0xFFFFFFE0] =	vst v2  }
0x55: {  	v2 =	vnsel vm1, $0xFFFFFFFF, v1;
	[tilespmem:s0+$0xFFFFFFE0] =	vst v3  }
0x56: {  	v1 =	vnsel vm0, $0xFFFFFFFF, v1;
	[tilespmem:s1+$0xFFFFFFE0] =	vst v2  }
0x57: {  	[tilespmem:s31+$0xFFFFFFE0] =	vst v1  }
0x58: {  	v1 =	vld [tilespmem:s3+$0x50];
	_ =	sdelay $0x4  }
0x59: {  	v2 =	vnsel vm2, $0xFFFFFFFF, v1  }
0x5a: {  	v3 =	vnsel vm3, $0xFFFFFFFF, v1;
	[tilespmem:s30+$0xFFFFFFF0] =	vst v2  }
0x5b: {  	v2 =	vnsel vm1, $0xFFFFFFFF, v1;
	[tilespmem:s0+$0xFFFFFFF0] =	vst v3  }
0x5c: {  	v1 =	vnsel vm0, $0xFFFFFFFF, v1;
	[tilespmem:s1+$0xFFFFFFF0] =	vst v2  }
0x5d: {  	[tilespmem:s31+$0xFFFFFFF0] =	vst v1  }
0x5e: {  	v1 =	vld [tilespmem:s3+$0x60];
	_ =	sdelay $0x4  }
0x5f: {  	v2 =	vnsel vm2, $0xFFFFFFFF, v1  }
0x60: {  	v3 =	vnsel vm3, $0xFFFFFFFF, v1;
	[tilespmem:s30+$0x0] =	vst v2  }
0x61: {  	v2 =	vnsel vm1, $0xFFFFFFFF, v1;
	[tilespmem:s0+$0x0] =	vst v3  }
0x62: {  	v1 =	vnsel vm0, $0xFFFFFFFF, v1;
	[tilespmem:s1+$0x0] =	vst v2  }
0x63: {  	[tilespmem:s31+$0x0] =	vst v1  }
0x64: {  	v1 =	vld [tilespmem:s3+$0x70];
	_ =	sdelay $0x4  }
0x65: {  	v2 =	vnsel vm2, $0xFFFFFFFF, v1  }
0x66: {  	v3 =	vnsel vm3, $0xFFFFFFFF, v1;
	[tilespmem:s30+$0x10] =	vst v2  }
0x67: {  	v2 =	vnsel vm1, $0xFFFFFFFF, v1;
	[tilespmem:s0+$0x10] =	vst v3  }
0x68: {  	v1 =	vnsel vm0, $0xFFFFFFFF, v1;
	[tilespmem:s1+$0x10] =	vst v2  }
0x69: {  	[tilespmem:s31+$0x10] =	vst v1  }
0x6a: {  	v1 =	vld [tilespmem:s3+$0x400];
	_ =	sdelay $0x4  }
0x6b: {  	s4 =	sand.u32 $0x3FF8, s24;
	v2 =	vnsel vm2, $0xFFFFFFFF, v1  }
0x6c: {  	v3 =	vnsel vm1, $0xFFFFFFFF, v1;
	[tilespmem:s4+$0x4280] =	vst v2  }
0x6d: {  	v2 =	vnsel vm0, $0xFFFFFFFF, v1;
	[tilespmem:s4+$0xA680] =	vst v3  }
0x6e: {  	v1 =	vnsel vm3, $0xFFFFFFFF, v1;
	[tilespmem:s4+$0xD880] =	vst v2  }
0x6f: {  	[tilespmem:s4+$0x7480] =	vst v1  }
0x70: {  	v1 =	vld [tilespmem:s3+$0x410];
	_ =	sdelay $0x4  }
0x71: {  	v2 =	vnsel vm2, $0xFFFFFFFF, v1  }
0x72: {  	v3 =	vnsel vm3, $0xFFFFFFFF, v1;
	[tilespmem:s30+$0x30] =	vst v2  }
0x73: {  	v2 =	vnsel vm1, $0xFFFFFFFF, v1;
	[tilespmem:s0+$0x30] =	vst v3  }
0x74: {  	v1 =	vnsel vm0, $0xFFFFFFFF, v1;
	[tilespmem:s1+$0x30] =	vst v2  }
0x75: {  	[tilespmem:s31+$0x30] =	vst v1  }
0x76: {  	v1 =	vld [tilespmem:s3+$0x420];
	_ =	sdelay $0x4  }
0x77: {  	v2 =	vnsel vm2, $0xFFFFFFFF, v1  }
0x78: {  	v3 =	vnsel vm3, $0xFFFFFFFF, v1;
	[tilespmem:s30+$0x40] =	vst v2  }
0x79: {  	v2 =	vnsel vm1, $0xFFFFFFFF, v1;
	[tilespmem:s0+$0x40] =	vst v3  }
0x7a: {  	v1 =	vnsel vm0, $0xFFFFFFFF, v1;
	[tilespmem:s1+$0x40] =	vst v2  }
0x7b: {  	[tilespmem:s31+$0x40] =	vst v1  }
0x7c: {  	v1 =	vld [tilespmem:s3+$0x430];
	_ =	sdelay $0x4  }
0x7d: {  	v2 =	vnsel vm2, $0xFFFFFFFF, v1  }
0x7e: {  	v3 =	vnsel vm3, $0xFFFFFFFF, v1;
	[tilespmem:s30+$0x50] =	vst v2  }
0x7f: {  	v2 =	vnsel vm1, $0xFFFFFFFF, v1;
	[tilespmem:s0+$0x50] =	vst v3  }
0x80: {  	v1 =	vnsel vm0, $0xFFFFFFFF, v1;
	[tilespmem:s1+$0x50] =	vst v2  }
0x81: {  	[tilespmem:s31+$0x50] =	vst v1  }
0x82: {  	v1 =	vld [tilespmem:s3+$0x438];
	_ =	sdelay $0x2  }
0x83: {  	s19 =	simm.s32 $0x1;
	s20 =	simm.s32 $0x2  }
0x84: {  	s26 =	simm.s32 $0x7528;
	s25 =	simm.s32 $0xA728;
	s28 =	simm.s32 $0xD928  }
0x85: {  	s29 =	simm.s32 $0x4328;
	s18 =	simm.s32 $0x0;
	v2 =	vmov s19;
	s3 =	simm.s32 $0x80;
	v4 =	vnsel vm2, $0xFFFFFFFF, v1;
	v3 =	vnsel vm3, $0xFFFFFFFF, v1  }
.LBB2_4:
0x86: {  	s24 =	sadd.s32 $0xC8, s24;
	s18 =	sadd.s32 $0x100, s18  }
0x87: {  	[tilespmem:s30+$0x58] =	vst v4;
	v4 =	vnsel vm1, $0xFFFFFFFF, v1;
	s4 =	smov.u32 s20;
	s19 =	sadd.s32 $0x1, s20;
	s30 =	smov.u32 s29  }
0x88: {  	p0 =	sne.s32 s20, $0x3F;
	v1 =	vnsel vm0, $0xFFFFFFFF, v1;
	[tilespmem:s0+$0x58] =	vst v3;
	s0 =	smov.u32 s26  }
0x89: {  	[tilespmem:s1+$0x58] =	vst v4;
	s1 =	smov.u32 s25  }
0x8a: {  	[tilespmem:s31+$0x58] =	vst v1;
	s31 =	smov.u32 s28  }
0x8b: {  	s5 =	sand.u32 $0x380, s3;
	s20 =	sand.u32 $0x3800, s18;
	v1 =	vld.idx.msk [tilespmem:v2+s17+$0x0], $0xffff  }
0x8c: {  	s20 =	sor.u32 s5, s20  }
0x8d: {  	v2 =	vld [tilespmem:s20+$0x0];
	_ =	sdelay $0x3  }
0x8e: {  	vm2 =	veq.s32 v1, $0x0  }
0x8f: {  	vm3 =	veq.s32 v1, $0x1;
	v3 =	vnsel vm2, $0xFFFFFFFF, v2  }
0x90: {  	vm1 =	veq.s32 v1, $0x2;
	[tilespmem:s29+$0xFFFFFFA0] =	vst v3;
	v3 =	vnsel vm3, $0xFFFFFFFF, v2  }
0x91: {  	vm0 =	veq.s32 v1, $0x3;
	v1 =	vnsel vm1, $0xFFFFFFFF, v2;
	[tilespmem:s26+$0xFFFFFFA0] =	vst v3  }
0x92: {  	[tilespmem:s25+$0xFFFFFFA0] =	vst v1;
	v1 =	vnsel vm0, $0xFFFFFFFF, v2  }
0x93: {  	[tilespmem:s28+$0xFFFFFFA0] =	vst v1  }
0x94: {  	v1 =	vld [tilespmem:s20+$0x10];
	_ =	sdelay $0x4  }
0x95: {  	v2 =	vnsel vm2, $0xFFFFFFFF, v1;
	v3 =	vnsel vm3, $0xFFFFFFFF, v1;
	v4 =	vnsel vm1, $0xFFFFFFFF, v1  }
0x96: {  	v1 =	vnsel vm0, $0xFFFFFFFF, v1;
	[tilespmem:s29+$0xFFFFFFB0] =	vst v2  }
0x97: {  	[tilespmem:s26+$0xFFFFFFB0] =	vst v3  }
0x98: {  	[tilespmem:s25+$0xFFFFFFB0] =	vst v4  }
0x99: {  	[tilespmem:s28+$0xFFFFFFB0] =	vst v1  }
0x9a: {  	v1 =	vld [tilespmem:s20+$0x20];
	_ =	sdelay $0x4  }
0x9b: {  	v2 =	vnsel vm2, $0xFFFFFFFF, v1;
	v3 =	vnsel vm3, $0xFFFFFFFF, v1;
	v4 =	vnsel vm1, $0xFFFFFFFF, v1  }
0x9c: {  	v1 =	vnsel vm0, $0xFFFFFFFF, v1;
	[tilespmem:s29+$0xFFFFFFC0] =	vst v2  }
0x9d: {  	[tilespmem:s26+$0xFFFFFFC0] =	vst v3  }
0x9e: {  	[tilespmem:s25+$0xFFFFFFC0] =	vst v4  }
0x9f: {  	[tilespmem:s28+$0xFFFFFFC0] =	vst v1  }
0xa0: {  	v1 =	vld [tilespmem:s20+$0x30];
	_ =	sdelay $0x4  }
0xa1: {  	v2 =	vnsel vm2, $0xFFFFFFFF, v1;
	v3 =	vnsel vm3, $0xFFFFFFFF, v1;
	v4 =	vnsel vm1, $0xFFFFFFFF, v1  }
0xa2: {  	v1 =	vnsel vm0, $0xFFFFFFFF, v1;
	[tilespmem:s29+$0xFFFFFFD0] =	vst v2  }
0xa3: {  	[tilespmem:s26+$0xFFFFFFD0] =	vst v3  }
0xa4: {  	[tilespmem:s25+$0xFFFFFFD0] =	vst v4  }
0xa5: {  	[tilespmem:s28+$0xFFFFFFD0] =	vst v1  }
0xa6: {  	v1 =	vld [tilespmem:s20+$0x40];
	_ =	sdelay $0x4  }
0xa7: {  	v2 =	vnsel vm2, $0xFFFFFFFF, v1;
	v3 =	vnsel vm3, $0xFFFFFFFF, v1;
	v4 =	vnsel vm1, $0xFFFFFFFF, v1  }
0xa8: {  	v1 =	vnsel vm0, $0xFFFFFFFF, v1;
	[tilespmem:s29+$0xFFFFFFE0] =	vst v2  }
0xa9: {  	[tilespmem:s26+$0xFFFFFFE0] =	vst v3  }
0xaa: {  	[tilespmem:s25+$0xFFFFFFE0] =	vst v4  }
0xab: {  	[tilespmem:s28+$0xFFFFFFE0] =	vst v1  }
0xac: {  	v1 =	vld [tilespmem:s20+$0x50];
	_ =	sdelay $0x4  }
0xad: {  	v2 =	vnsel vm2, $0xFFFFFFFF, v1;
	v3 =	vnsel vm3, $0xFFFFFFFF, v1;
	v4 =	vnsel vm1, $0xFFFFFFFF, v1  }
0xae: {  	v1 =	vnsel vm0, $0xFFFFFFFF, v1;
	[tilespmem:s29+$0xFFFFFFF0] =	vst v2  }
0xaf: {  	[tilespmem:s26+$0xFFFFFFF0] =	vst v3  }
0xb0: {  	[tilespmem:s25+$0xFFFFFFF0] =	vst v4  }
0xb1: {  	[tilespmem:s28+$0xFFFFFFF0] =	vst v1  }
0xb2: {  	v1 =	vld [tilespmem:s20+$0x60];
	_ =	sdelay $0x4  }
0xb3: {  	v2 =	vnsel vm2, $0xFFFFFFFF, v1;
	v3 =	vnsel vm3, $0xFFFFFFFF, v1;
	v4 =	vnsel vm1, $0xFFFFFFFF, v1  }
0xb4: {  	v1 =	vnsel vm0, $0xFFFFFFFF, v1;
	[tilespmem:s29+$0x0] =	vst v2  }
0xb5: {  	[tilespmem:s26+$0x0] =	vst v3  }
0xb6: {  	[tilespmem:s25+$0x0] =	vst v4  }
0xb7: {  	[tilespmem:s28+$0x0] =	vst v1  }
0xb8: {  	v1 =	vld [tilespmem:s20+$0x70];
	_ =	sdelay $0x4  }
0xb9: {  	v2 =	vnsel vm2, $0xFFFFFFFF, v1;
	v3 =	vnsel vm3, $0xFFFFFFFF, v1;
	v4 =	vnsel vm1, $0xFFFFFFFF, v1  }
0xba: {  	v1 =	vnsel vm0, $0xFFFFFFFF, v1;
	[tilespmem:s29+$0x10] =	vst v2  }
0xbb: {  	[tilespmem:s26+$0x10] =	vst v3  }
0xbc: {  	[tilespmem:s25+$0x10] =	vst v4  }
0xbd: {  	[tilespmem:s28+$0x10] =	vst v1  }
0xbe: {  	v1 =	vld [tilespmem:s20+$0x400];
	_ =	sdelay $0x4  }
0xbf: {  	s5 =	sand.u32 $0x3FF8, s24;
	v2 =	vnsel vm2, $0xFFFFFFFF, v1;
	v3 =	vnsel vm3, $0xFFFFFFFF, v1;
	v4 =	vnsel vm1, $0xFFFFFFFF, v1  }
0xc0: {  	v1 =	vnsel vm0, $0xFFFFFFFF, v1;
	[tilespmem:s5+$0x4280] =	vst v2  }
0xc1: {  	[tilespmem:s5+$0xA680] =	vst v4  }
0xc2: {  	[tilespmem:s5+$0xD880] =	vst v1  }
0xc3: {  	[tilespmem:s5+$0x7480] =	vst v3  }
0xc4: {  	v1 =	vld [tilespmem:s20+$0x410];
	_ =	sdelay $0x4  }
0xc5: {  	v2 =	vnsel vm2, $0xFFFFFFFF, v1;
	v3 =	vnsel vm3, $0xFFFFFFFF, v1;
	v4 =	vnsel vm1, $0xFFFFFFFF, v1  }
0xc6: {  	[tilespmem:s29+$0x30] =	vst v2  }
0xc7: {  	v1 =	vnsel vm0, $0xFFFFFFFF, v1;
	[tilespmem:s26+$0x30] =	vst v3  }
0xc8: {  	[tilespmem:s25+$0x30] =	vst v4  }
0xc9: {  	[tilespmem:s28+$0x30] =	vst v1  }
0xca: {  	v1 =	vld [tilespmem:s20+$0x420];
	_ =	sdelay $0x4  }
0xcb: {  	v2 =	vnsel vm2, $0xFFFFFFFF, v1;
	v3 =	vnsel vm3, $0xFFFFFFFF, v1;
	v4 =	vnsel vm1, $0xFFFFFFFF, v1  }
0xcc: {  	[tilespmem:s29+$0x40] =	vst v2  }
0xcd: {  	v1 =	vnsel vm0, $0xFFFFFFFF, v1;
	[tilespmem:s26+$0x40] =	vst v3  }
0xce: {  	[tilespmem:s25+$0x40] =	vst v4  }
0xcf: {  	[tilespmem:s28+$0x40] =	vst v1  }
0xd0: {  	v1 =	vld [tilespmem:s20+$0x430];
	_ =	sdelay $0x4  }
0xd1: {  	v2 =	vnsel vm2, $0xFFFFFFFF, v1;
	v3 =	vnsel vm3, $0xFFFFFFFF, v1;
	v4 =	vnsel vm1, $0xFFFFFFFF, v1  }
0xd2: {  	[tilespmem:s29+$0x50] =	vst v2  }
0xd3: {  	v1 =	vnsel vm0, $0xFFFFFFFF, v1;
	[tilespmem:s26+$0x50] =	vst v3  }
0xd4: {  	[tilespmem:s25+$0x50] =	vst v4  }
0xd5: {  	[tilespmem:s28+$0x50] =	vst v1  }
0xd6: {  	v1 =	vld [tilespmem:s20+$0x438]  }
.Ltmp1:
0xd7: {  	(pc) =	sbr.rel @p0 .LBB2_4-.Ltmp1, $3  }
0xd8: {  	_ =	sdelay $0x1  }
0xd9: {  	s3 =	sadd.s32 $0x80, s3;
	s26 =	sadd.s32 $0xC8, s26;
	s25 =	sadd.s32 $0xC8, s25  }
0xda: {  	v2 =	vmov s4;
	s29 =	sadd.s32 $0xC8, s29;
	s28 =	sadd.s32 $0xC8, s28;
	s20 =	smov.u32 s19;
	v4 =	vnsel vm2, $0xFFFFFFFF, v1;
	v3 =	vnsel vm3, $0xFFFFFFFF, v1  }
0xdb: {  	[tilespmem:s30+$0x58] =	vst v4  }
0xdc: {  	v4 =	vnsel vm1, $0xFFFFFFFF, v1;
	[tilespmem:s0+$0x58] =	vst v3  }
0xdd: {  	s19 =	sadd.s32 $0x100, s18;
	v1 =	vnsel vm0, $0xFFFFFFFF, v1;
	[tilespmem:s1+$0x58] =	vst v4  }
0xde: {  	s20 =	sand.u32 $0x380, s3;
	s0 =	sand.u32 $0x3800, s19;
	[tilespmem:s31+$0x58] =	vst v1  }
0xdf: {  	s0 =	sor.u32 s20, s0;
	v1 =	vld.idx.msk [tilespmem:v2+s17+$0x0], $0xffff  }
0xe0: {  	v2 =	vld [tilespmem:s0+$0x0];
	_ =	sdelay $0x3  }
0xe1: {  	vm0 =	veq.s32 v1, $0x0  }
0xe2: {  	vm1 =	veq.s32 v1, $0x1;
	v3 =	vnsel vm0, $0xFFFFFFFF, v2  }
0xe3: {  	vm2 =	veq.s32 v1, $0x2;
	[tilespmem:s29+$0xFFFFFFA0] =	vst v3;
	v3 =	vnsel vm1, $0xFFFFFFFF, v2  }
0xe4: {  	vm3 =	veq.s32 v1, $0x3;
	v1 =	vnsel vm2, $0xFFFFFFFF, v2;
	[tilespmem:s26+$0xFFFFFFA0] =	vst v3  }
0xe5: {  	[tilespmem:s25+$0xFFFFFFA0] =	vst v1;
	v1 =	vnsel vm3, $0xFFFFFFFF, v2  }
0xe6: {  	[tilespmem:s28+$0xFFFFFFA0] =	vst v1  }
0xe7: {  	v1 =	vld [tilespmem:s0+$0x10];
	_ =	sdelay $0x4  }
0xe8: {  	v2 =	vnsel vm0, $0xFFFFFFFF, v1  }
0xe9: {  	v3 =	vnsel vm1, $0xFFFFFFFF, v1;
	[tilespmem:s29+$0xFFFFFFB0] =	vst v2  }
0xea: {  	v2 =	vnsel vm2, $0xFFFFFFFF, v1;
	[tilespmem:s26+$0xFFFFFFB0] =	vst v3  }
0xeb: {  	v1 =	vnsel vm3, $0xFFFFFFFF, v1;
	[tilespmem:s25+$0xFFFFFFB0] =	vst v2  }
0xec: {  	[tilespmem:s28+$0xFFFFFFB0] =	vst v1  }
0xed: {  	v1 =	vld [tilespmem:s0+$0x20];
	_ =	sdelay $0x4  }
0xee: {  	v2 =	vnsel vm0, $0xFFFFFFFF, v1  }
0xef: {  	v3 =	vnsel vm1, $0xFFFFFFFF, v1;
	[tilespmem:s29+$0xFFFFFFC0] =	vst v2  }
0xf0: {  	v2 =	vnsel vm2, $0xFFFFFFFF, v1;
	[tilespmem:s26+$0xFFFFFFC0] =	vst v3  }
0xf1: {  	v1 =	vnsel vm3, $0xFFFFFFFF, v1;
	[tilespmem:s25+$0xFFFFFFC0] =	vst v2  }
0xf2: {  	[tilespmem:s28+$0xFFFFFFC0] =	vst v1  }
0xf3: {  	v1 =	vld [tilespmem:s0+$0x30];
	_ =	sdelay $0x4  }
0xf4: {  	v2 =	vnsel vm0, $0xFFFFFFFF, v1  }
0xf5: {  	v3 =	vnsel vm1, $0xFFFFFFFF, v1;
	[tilespmem:s29+$0xFFFFFFD0] =	vst v2  }
0xf6: {  	v2 =	vnsel vm2, $0xFFFFFFFF, v1;
	[tilespmem:s26+$0xFFFFFFD0] =	vst v3  }
0xf7: {  	v1 =	vnsel vm3, $0xFFFFFFFF, v1;
	[tilespmem:s25+$0xFFFFFFD0] =	vst v2  }
0xf8: {  	[tilespmem:s28+$0xFFFFFFD0] =	vst v1  }
0xf9: {  	v1 =	vld [tilespmem:s0+$0x40];
	_ =	sdelay $0x4  }
0xfa: {  	v2 =	vnsel vm0, $0xFFFFFFFF, v1  }
0xfb: {  	v3 =	vnsel vm1, $0xFFFFFFFF, v1;
	[tilespmem:s29+$0xFFFFFFE0] =	vst v2  }
0xfc: {  	v2 =	vnsel vm2, $0xFFFFFFFF, v1;
	[tilespmem:s26+$0xFFFFFFE0] =	vst v3  }
0xfd: {  	v1 =	vnsel vm3, $0xFFFFFFFF, v1;
	[tilespmem:s25+$0xFFFFFFE0] =	vst v2  }
0xfe: {  	[tilespmem:s28+$0xFFFFFFE0] =	vst v1  }
0xff: {  	v1 =	vld [tilespmem:s0+$0x50];
	_ =	sdelay $0x4  }
0x100: {  	v2 =	vnsel vm0, $0xFFFFFFFF, v1  }
0x101: {  	v3 =	vnsel vm1, $0xFFFFFFFF, v1;
	[tilespmem:s29+$0xFFFFFFF0] =	vst v2  }
0x102: {  	v2 =	vnsel vm2, $0xFFFFFFFF, v1;
	[tilespmem:s26+$0xFFFFFFF0] =	vst v3  }
0x103: {  	v1 =	vnsel vm3, $0xFFFFFFFF, v1;
	[tilespmem:s25+$0xFFFFFFF0] =	vst v2  }
0x104: {  	[tilespmem:s28+$0xFFFFFFF0] =	vst v1  }
0x105: {  	v1 =	vld [tilespmem:s0+$0x60];
	_ =	sdelay $0x4  }
0x106: {  	v2 =	vnsel vm0, $0xFFFFFFFF, v1  }
0x107: {  	v3 =	vnsel vm1, $0xFFFFFFFF, v1;
	[tilespmem:s29+$0x0] =	vst v2  }
0x108: {  	v2 =	vnsel vm2, $0xFFFFFFFF, v1;
	[tilespmem:s26+$0x0] =	vst v3  }
0x109: {  	v1 =	vnsel vm3, $0xFFFFFFFF, v1;
	[tilespmem:s25+$0x0] =	vst v2  }
0x10a: {  	[tilespmem:s28+$0x0] =	vst v1  }
0x10b: {  	v1 =	vld [tilespmem:s0+$0x70];
	_ =	sdelay $0x4  }
0x10c: {  	v2 =	vnsel vm0, $0xFFFFFFFF, v1  }
0x10d: {  	v3 =	vnsel vm1, $0xFFFFFFFF, v1;
	[tilespmem:s29+$0x10] =	vst v2  }
0x10e: {  	v2 =	vnsel vm2, $0xFFFFFFFF, v1;
	[tilespmem:s26+$0x10] =	vst v3  }
0x10f: {  	v1 =	vnsel vm3, $0xFFFFFFFF, v1;
	[tilespmem:s25+$0x10] =	vst v2  }
0x110: {  	[tilespmem:s28+$0x10] =	vst v1  }
0x111: {  	v1 =	vld [tilespmem:s0+$0x400];
	_ =	sdelay $0x3  }
0x112: {  	s24 =	sadd.s32 $0xC8, s24  }
0x113: {  	s1 =	sand.u32 $0x3FF8, s24;
	v2 =	vnsel vm0, $0xFFFFFFFF, v1  }
0x114: {  	v3 =	vnsel vm2, $0xFFFFFFFF, v1;
	[tilespmem:s1+$0x4280] =	vst v2  }
0x115: {  	v2 =	vnsel vm3, $0xFFFFFFFF, v1;
	[tilespmem:s1+$0xA680] =	vst v3  }
0x116: {  	v1 =	vnsel vm1, $0xFFFFFFFF, v1;
	[tilespmem:s1+$0xD880] =	vst v2  }
0x117: {  	[tilespmem:s1+$0x7480] =	vst v1  }
0x118: {  	v1 =	vld [tilespmem:s0+$0x410];
	_ =	sdelay $0x4  }
0x119: {  	v2 =	vnsel vm0, $0xFFFFFFFF, v1  }
0x11a: {  	v3 =	vnsel vm1, $0xFFFFFFFF, v1;
	[tilespmem:s29+$0x30] =	vst v2  }
0x11b: {  	v2 =	vnsel vm2, $0xFFFFFFFF, v1;
	[tilespmem:s26+$0x30] =	vst v3  }
0x11c: {  	v1 =	vnsel vm3, $0xFFFFFFFF, v1;
	[tilespmem:s25+$0x30] =	vst v2  }
0x11d: {  	[tilespmem:s28+$0x30] =	vst v1  }
0x11e: {  	v1 =	vld [tilespmem:s0+$0x420];
	_ =	sdelay $0x4  }
0x11f: {  	v2 =	vnsel vm0, $0xFFFFFFFF, v1  }
0x120: {  	v3 =	vnsel vm1, $0xFFFFFFFF, v1;
	[tilespmem:s29+$0x40] =	vst v2  }
0x121: {  	v2 =	vnsel vm2, $0xFFFFFFFF, v1;
	[tilespmem:s26+$0x40] =	vst v3  }
0x122: {  	v1 =	vnsel vm3, $0xFFFFFFFF, v1;
	[tilespmem:s25+$0x40] =	vst v2  }
0x123: {  	[tilespmem:s28+$0x40] =	vst v1  }
0x124: {  	v1 =	vld [tilespmem:s0+$0x430];
	_ =	sdelay $0x4  }
0x125: {  	v2 =	vnsel vm0, $0xFFFFFFFF, v1  }
0x126: {  	v3 =	vnsel vm1, $0xFFFFFFFF, v1;
	[tilespmem:s29+$0x50] =	vst v2  }
0x127: {  	v2 =	vnsel vm2, $0xFFFFFFFF, v1;
	[tilespmem:s26+$0x50] =	vst v3  }
0x128: {  	v1 =	vnsel vm3, $0xFFFFFFFF, v1;
	[tilespmem:s25+$0x50] =	vst v2  }
0x129: {  	[tilespmem:s28+$0x50] =	vst v1  }
0x12a: {  	v1 =	vld [tilespmem:s0+$0x438];
	_ =	sdelay $0x4  }
0x12b: {  	v2 =	vnsel vm0, $0xFFFFFFFF, v1  }
0x12c: {  	v3 =	vnsel vm1, $0xFFFFFFFF, v1;
	[tilespmem:s29+$0x58] =	vst v2  }
0x12d: {  	v2 =	vnsel vm2, $0xFFFFFFFF, v1;
	[tilespmem:s26+$0x58] =	vst v3  }
0x12e: {  	v1 =	vnsel vm3, $0xFFFFFFFF, v1;
	[tilespmem:s25+$0x58] =	vst v2  }
0x12f: {  	s3 =	rddreg [dreg:$0x6];
	s4 =	simm.s32 $0x4200;
	s24 =	simm.s32 $0x0;
	[tilespmem:s28+$0x58] =	vst v1  }
0x130: {  	[hbm4b:s3+s24] =	stream.linear.scatter [tilespmem:s4], [sflag:$0x1], $0x3200, $0x38;
	[tilespmem:$0x10A00] =	vst v63  }
0x131: {  	s5 =	simm.s32 $0x7400  }
0x132: {  	[hbm4b:s6+s24] =	stream.linear.scatter [tilespmem:s5], [sflag:$0x1], $0x3200, $0x38;
	[tilespmem:$0x10A00] =	vst v63  }
0x133: {  	s18 =	simm.s32 $0xA600  }
0x134: {  	[hbm4b:s7+s24] =	stream.linear.scatter [tilespmem:s18], [sflag:$0x1], $0x3200, $0x38;
	[tilespmem:$0x10A00] =	vst v63  }
0x135: {  	_ = 	snop  }
0x136: {  	[hbm4b:s8+s24] =	stream.linear.scatter [tilespmem:s21], [sflag:$0x1], $0x3200, $0x38;
	[tilespmem:$0x10A00] =	vst v63  }
0x137: {  	_ =	swait.ge [sflag:s22], $0x3200  }
0x138: {  	[sflag:s22] =	ssyncset.done $0x0  }
0x139: {  	[sflag:s22] =	ssyncadd.s32 $0xFFFFCE00  }
0x13a: {  	_ =	swait.ge [sflag:s22], $0x3200  }
0x13b: {  	[sflag:s22] =	ssyncset.done $0x0  }
0x13c: {  	[sflag:s22] =	ssyncadd.s32 $0xFFFFCE00  }
0x13d: {  	_ =	swait.ge [sflag:s22], $0x3200  }
0x13e: {  	[sflag:s22] =	ssyncset.done $0x0  }
0x13f: {  	v1 =	vmov s24;
	[sflag:s22] =	ssyncadd.s32 $0xFFFFCE00  }
0x140: {  	v1 =	vadd.s32 $0x40, v1;
	_ =	swait.ge [sflag:s22], $0x3200  }
0x141: {  	v1 =	vbroadcast v1, $0x0;
	[sflag:s22] =	ssyncset.done $0x0  }
0x142: {  	[sflag:s22] =	ssyncadd.s32 $0xFFFFCE00  }
0x143: {  	[tilespmem:s24], [sflag:$0x2] =	stream.linear.gather [hbm4b:s9+s24], $0x4000, $0x38;
	[tilespmem:$0x10A00] =	vst v63  }
0x144: {  	_ =	swait.ge [sflag:s16], $0x4000  }
0x145: {  	[sflag:s16] =	ssyncset.done $0x0  }
0x146: {  	s19 =	sand.u32 $0x3800, s24;
	s20 =	sand.u32 $0x380, s24;
	[sflag:s16] =	ssyncadd.s32 $0xFFFFC000  }
0x147: {  	s25 =	sor.u32 s20, s19;
	v1 =	vld.idx.msk [tilespmem:v1+s17+$0x0], $0xffff  }
0x148: {  	v2 =	vld [tilespmem:s25+$0x0];
	_ =	sdelay $0x3  }
0x149: {  	vm1 =	veq.s32 v1, $0x0  }
0x14a: {  	s1 =	simm.s32 $0x4260;
	vm2 =	veq.s32 v1, $0x1;
	v3 =	vnsel vm1, $0xFFFFFFFF, v2  }
0x14b: {  	s30 =	simm.s32 $0x7460;
	vm3 =	veq.s32 v1, $0x2;
	[tilespmem:s1+$0xFFFFFFA0] =	vst v3;
	v3 =	vnsel vm2, $0xFFFFFFFF, v2  }
0x14c: {  	s31 =	simm.s32 $0xA660;
	vm0 =	veq.s32 v1, $0x3;
	v1 =	vnsel vm3, $0xFFFFFFFF, v2;
	[tilespmem:s30+$0xFFFFFFA0] =	vst v3  }
0x14d: {  	s0 =	simm.s32 $0xD860;
	[tilespmem:s31+$0xFFFFFFA0] =	vst v1;
	v1 =	vnsel vm0, $0xFFFFFFFF, v2  }
0x14e: {  	[tilespmem:s0+$0xFFFFFFA0] =	vst v1  }
0x14f: {  	v1 =	vld [tilespmem:s25+$0x10];
	_ =	sdelay $0x4  }
0x150: {  	v2 =	vnsel vm1, $0xFFFFFFFF, v1  }
0x151: {  	v3 =	vnsel vm2, $0xFFFFFFFF, v1;
	[tilespmem:s1+$0xFFFFFFB0] =	vst v2  }
0x152: {  	v2 =	vnsel vm3, $0xFFFFFFFF, v1;
	[tilespmem:s30+$0xFFFFFFB0] =	vst v3  }
0x153: {  	v1 =	vnsel vm0, $0xFFFFFFFF, v1;
	[tilespmem:s31+$0xFFFFFFB0] =	vst v2  }
0x154: {  	[tilespmem:s0+$0xFFFFFFB0] =	vst v1  }
0x155: {  	v1 =	vld [tilespmem:s25+$0x20];
	_ =	sdelay $0x4  }
0x156: {  	v2 =	vnsel vm1, $0xFFFFFFFF, v1  }
0x157: {  	v3 =	vnsel vm2, $0xFFFFFFFF, v1;
	[tilespmem:s1+$0xFFFFFFC0] =	vst v2  }
0x158: {  	v2 =	vnsel vm3, $0xFFFFFFFF, v1;
	[tilespmem:s30+$0xFFFFFFC0] =	vst v3  }
0x159: {  	v1 =	vnsel vm0, $0xFFFFFFFF, v1;
	[tilespmem:s31+$0xFFFFFFC0] =	vst v2  }
0x15a: {  	[tilespmem:s0+$0xFFFFFFC0] =	vst v1  }
0x15b: {  	v1 =	vld [tilespmem:s25+$0x30];
	_ =	sdelay $0x4  }
0x15c: {  	v2 =	vnsel vm1, $0xFFFFFFFF, v1  }
0x15d: {  	v3 =	vnsel vm2, $0xFFFFFFFF, v1;
	[tilespmem:s1+$0xFFFFFFD0] =	vst v2  }
0x15e: {  	v2 =	vnsel vm3, $0xFFFFFFFF, v1;
	[tilespmem:s30+$0xFFFFFFD0] =	vst v3  }
0x15f: {  	v1 =	vnsel vm0, $0xFFFFFFFF, v1;
	[tilespmem:s31+$0xFFFFFFD0] =	vst v2  }
0x160: {  	[tilespmem:s0+$0xFFFFFFD0] =	vst v1  }
0x161: {  	v1 =	vld [tilespmem:s25+$0x40];
	_ =	sdelay $0x4  }
0x162: {  	v2 =	vnsel vm1, $0xFFFFFFFF, v1  }
0x163: {  	v3 =	vnsel vm2, $0xFFFFFFFF, v1;
	[tilespmem:s1+$0xFFFFFFE0] =	vst v2  }
0x164: {  	v2 =	vnsel vm3, $0xFFFFFFFF, v1;
	[tilespmem:s30+$0xFFFFFFE0] =	vst v3  }
0x165: {  	v1 =	vnsel vm0, $0xFFFFFFFF, v1;
	[tilespmem:s31+$0xFFFFFFE0] =	vst v2  }
0x166: {  	[tilespmem:s0+$0xFFFFFFE0] =	vst v1  }
0x167: {  	v1 =	vld [tilespmem:s25+$0x50];
	_ =	sdelay $0x4  }
0x168: {  	v2 =	vnsel vm1, $0xFFFFFFFF, v1  }
0x169: {  	v3 =	vnsel vm2, $0xFFFFFFFF, v1;
	[tilespmem:s1+$0xFFFFFFF0] =	vst v2  }
0x16a: {  	v2 =	vnsel vm3, $0xFFFFFFFF, v1;
	[tilespmem:s30+$0xFFFFFFF0] =	vst v3  }
0x16b: {  	v1 =	vnsel vm0, $0xFFFFFFFF, v1;
	[tilespmem:s31+$0xFFFFFFF0] =	vst v2  }
0x16c: {  	[tilespmem:s0+$0xFFFFFFF0] =	vst v1  }
0x16d: {  	v1 =	vld [tilespmem:s25+$0x60];
	_ =	sdelay $0x4  }
0x16e: {  	v2 =	vnsel vm1, $0xFFFFFFFF, v1  }
0x16f: {  	v3 =	vnsel vm2, $0xFFFFFFFF, v1;
	[tilespmem:s1+$0x0] =	vst v2  }
0x170: {  	v2 =	vnsel vm3, $0xFFFFFFFF, v1;
	[tilespmem:s30+$0x0] =	vst v3  }
0x171: {  	v1 =	vnsel vm0, $0xFFFFFFFF, v1;
	[tilespmem:s31+$0x0] =	vst v2  }
0x172: {  	[tilespmem:s0+$0x0] =	vst v1  }
0x173: {  	v1 =	vld [tilespmem:s25+$0x70];
	_ =	sdelay $0x4  }
0x174: {  	v2 =	vnsel vm1, $0xFFFFFFFF, v1  }
0x175: {  	v3 =	vnsel vm2, $0xFFFFFFFF, v1;
	[tilespmem:s1+$0x10] =	vst v2  }
0x176: {  	v2 =	vnsel vm3, $0xFFFFFFFF, v1;
	[tilespmem:s30+$0x10] =	vst v3  }
0x177: {  	v1 =	vnsel vm0, $0xFFFFFFFF, v1;
	[tilespmem:s31+$0x10] =	vst v2  }
0x178: {  	[tilespmem:s0+$0x10] =	vst v1  }
0x179: {  	v1 =	vld [tilespmem:s25+$0x400];
	_ =	sdelay $0x4  }
0x17a: {  	s4 =	sand.u32 $0x3FF8, s24;
	v2 =	vnsel vm1, $0xFFFFFFFF, v1  }
0x17b: {  	v3 =	vnsel vm3, $0xFFFFFFFF, v1;
	[tilespmem:s4+$0x4280] =	vst v2  }
0x17c: {  	v2 =	vnsel vm0, $0xFFFFFFFF, v1;
	[tilespmem:s4+$0xA680] =	vst v3  }
0x17d: {  	v1 =	vnsel vm2, $0xFFFFFFFF, v1;
	[tilespmem:s4+$0xD880] =	vst v2  }
0x17e: {  	[tilespmem:s4+$0x7480] =	vst v1  }
0x17f: {  	v1 =	vld [tilespmem:s25+$0x410];
	_ =	sdelay $0x4  }
0x180: {  	v2 =	vnsel vm1, $0xFFFFFFFF, v1  }
0x181: {  	v3 =	vnsel vm2, $0xFFFFFFFF, v1;
	[tilespmem:s1+$0x30] =	vst v2  }
0x182: {  	v2 =	vnsel vm3, $0xFFFFFFFF, v1;
	[tilespmem:s30+$0x30] =	vst v3  }
0x183: {  	v1 =	vnsel vm0, $0xFFFFFFFF, v1;
	[tilespmem:s31+$0x30] =	vst v2  }
0x184: {  	[tilespmem:s0+$0x30] =	vst v1  }
0x185: {  	v1 =	vld [tilespmem:s25+$0x420];
	_ =	sdelay $0x4  }
0x186: {  	v2 =	vnsel vm1, $0xFFFFFFFF, v1  }
0x187: {  	v3 =	vnsel vm2, $0xFFFFFFFF, v1;
	[tilespmem:s1+$0x40] =	vst v2  }
0x188: {  	v2 =	vnsel vm3, $0xFFFFFFFF, v1;
	[tilespmem:s30+$0x40] =	vst v3  }
0x189: {  	v1 =	vnsel vm0, $0xFFFFFFFF, v1;
	[tilespmem:s31+$0x40] =	vst v2  }
0x18a: {  	[tilespmem:s0+$0x40] =	vst v1  }
0x18b: {  	v1 =	vld [tilespmem:s25+$0x430];
	_ =	sdelay $0x4  }
0x18c: {  	v2 =	vnsel vm1, $0xFFFFFFFF, v1  }
0x18d: {  	v3 =	vnsel vm2, $0xFFFFFFFF, v1;
	[tilespmem:s1+$0x50] =	vst v2  }
0x18e: {  	v2 =	vnsel vm3, $0xFFFFFFFF, v1;
	[tilespmem:s30+$0x50] =	vst v3  }
0x18f: {  	v1 =	vnsel vm0, $0xFFFFFFFF, v1;
	[tilespmem:s31+$0x50] =	vst v2  }
0x190: {  	[tilespmem:s0+$0x50] =	vst v1  }
0x191: {  	v2 =	vld [tilespmem:s25+$0x438]  }
0x192: {  	s26 =	simm.s32 $0x1  }
0x193: {  	v1 =	vmov s26  }
0x194: {  	s29 =	simm.s32 $0x4328;
	v1 =	vadd.s32 $0x40, v1  }
0x195: {  	s20 =	simm.s32 $0x2;
	s28 =	simm.s32 $0xD928;
	s3 =	simm.s32 $0x80;
	v1 =	vbroadcast v1, $0x0  }
0x196: {  	s18 =	simm.s32 $0x0;
	s26 =	simm.s32 $0x7528;
	s25 =	simm.s32 $0xA728;
	v5 =	vnsel vm1, $0xFFFFFFFF, v2;
	v4 =	vnsel vm2, $0xFFFFFFFF, v2;
	v3 =	vnsel vm3, $0xFFFFFFFF, v2  }
.LBB2_6:
0x197: {  	s24 =	sadd.s32 $0xC8, s24;
	s18 =	sadd.s32 $0x100, s18  }
0x198: {  	[tilespmem:s1+$0x58] =	vst v5;
	s4 =	smov.u32 s20;
	s19 =	sadd.s32 $0x1, s20;
	s1 =	smov.u32 s29  }
0x199: {  	p0 =	sne.s32 s20, $0x3F;
	v2 =	vnsel vm0, $0xFFFFFFFF, v2;
	[tilespmem:s30+$0x58] =	vst v4;
	s30 =	smov.u32 s26  }
0x19a: {  	[tilespmem:s31+$0x58] =	vst v3;
	s31 =	smov.u32 s25  }
0x19b: {  	[tilespmem:s0+$0x58] =	vst v2;
	s0 =	smov.u32 s28  }
0x19c: {  	s20 =	sand.u32 $0x380, s3;
	s5 =	sand.u32 $0x3800, s18;
	v1 =	vld.idx.msk [tilespmem:v1+s17+$0x0], $0xffff  }
0x19d: {  	s20 =	sor.u32 s20, s5  }
0x19e: {  	v2 =	vld [tilespmem:s20+$0x0];
	_ =	sdelay $0x3  }
0x19f: {  	vm1 =	veq.s32 v1, $0x0  }
0x1a0: {  	vm2 =	veq.s32 v1, $0x1;
	v3 =	vnsel vm1, $0xFFFFFFFF, v2  }
0x1a1: {  	vm3 =	veq.s32 v1, $0x2;
	[tilespmem:s29+$0xFFFFFFA0] =	vst v3;
	v3 =	vnsel vm2, $0xFFFFFFFF, v2  }
0x1a2: {  	vm0 =	veq.s32 v1, $0x3;
	v1 =	vnsel vm3, $0xFFFFFFFF, v2;
	[tilespmem:s26+$0xFFFFFFA0] =	vst v3  }
0x1a3: {  	[tilespmem:s25+$0xFFFFFFA0] =	vst v1;
	v1 =	vnsel vm0, $0xFFFFFFFF, v2  }
0x1a4: {  	[tilespmem:s28+$0xFFFFFFA0] =	vst v1  }
0x1a5: {  	v1 =	vld [tilespmem:s20+$0x10];
	_ =	sdelay $0x4  }
0x1a6: {  	v2 =	vnsel vm1, $0xFFFFFFFF, v1;
	v3 =	vnsel vm2, $0xFFFFFFFF, v1;
	v4 =	vnsel vm3, $0xFFFFFFFF, v1  }
0x1a7: {  	v1 =	vnsel vm0, $0xFFFFFFFF, v1;
	[tilespmem:s29+$0xFFFFFFB0] =	vst v2  }
0x1a8: {  	[tilespmem:s26+$0xFFFFFFB0] =	vst v3  }
0x1a9: {  	[tilespmem:s25+$0xFFFFFFB0] =	vst v4  }
0x1aa: {  	[tilespmem:s28+$0xFFFFFFB0] =	vst v1  }
0x1ab: {  	v1 =	vld [tilespmem:s20+$0x20];
	_ =	sdelay $0x4  }
0x1ac: {  	v2 =	vnsel vm1, $0xFFFFFFFF, v1;
	v3 =	vnsel vm2, $0xFFFFFFFF, v1;
	v4 =	vnsel vm3, $0xFFFFFFFF, v1  }
0x1ad: {  	v1 =	vnsel vm0, $0xFFFFFFFF, v1;
	[tilespmem:s29+$0xFFFFFFC0] =	vst v2  }
0x1ae: {  	[tilespmem:s26+$0xFFFFFFC0] =	vst v3  }
0x1af: {  	[tilespmem:s25+$0xFFFFFFC0] =	vst v4  }
0x1b0: {  	[tilespmem:s28+$0xFFFFFFC0] =	vst v1  }
0x1b1: {  	v1 =	vld [tilespmem:s20+$0x30];
	_ =	sdelay $0x4  }
0x1b2: {  	v2 =	vnsel vm1, $0xFFFFFFFF, v1;
	v3 =	vnsel vm2, $0xFFFFFFFF, v1;
	v4 =	vnsel vm3, $0xFFFFFFFF, v1  }
0x1b3: {  	v1 =	vnsel vm0, $0xFFFFFFFF, v1;
	[tilespmem:s29+$0xFFFFFFD0] =	vst v2  }
0x1b4: {  	[tilespmem:s26+$0xFFFFFFD0] =	vst v3  }
0x1b5: {  	[tilespmem:s25+$0xFFFFFFD0] =	vst v4  }
0x1b6: {  	[tilespmem:s28+$0xFFFFFFD0] =	vst v1  }
0x1b7: {  	v1 =	vld [tilespmem:s20+$0x40];
	_ =	sdelay $0x4  }
0x1b8: {  	v2 =	vnsel vm1, $0xFFFFFFFF, v1;
	v3 =	vnsel vm2, $0xFFFFFFFF, v1;
	v4 =	vnsel vm3, $0xFFFFFFFF, v1  }
0x1b9: {  	v1 =	vnsel vm0, $0xFFFFFFFF, v1;
	[tilespmem:s29+$0xFFFFFFE0] =	vst v2  }
0x1ba: {  	[tilespmem:s26+$0xFFFFFFE0] =	vst v3  }
0x1bb: {  	[tilespmem:s25+$0xFFFFFFE0] =	vst v4  }
0x1bc: {  	[tilespmem:s28+$0xFFFFFFE0] =	vst v1  }
0x1bd: {  	v1 =	vld [tilespmem:s20+$0x50];
	_ =	sdelay $0x4  }
0x1be: {  	v2 =	vnsel vm1, $0xFFFFFFFF, v1;
	v3 =	vnsel vm2, $0xFFFFFFFF, v1;
	v4 =	vnsel vm3, $0xFFFFFFFF, v1  }
0x1bf: {  	v1 =	vnsel vm0, $0xFFFFFFFF, v1;
	[tilespmem:s29+$0xFFFFFFF0] =	vst v2  }
0x1c0: {  	[tilespmem:s26+$0xFFFFFFF0] =	vst v3  }
0x1c1: {  	[tilespmem:s25+$0xFFFFFFF0] =	vst v4  }
0x1c2: {  	[tilespmem:s28+$0xFFFFFFF0] =	vst v1  }
0x1c3: {  	v1 =	vld [tilespmem:s20+$0x60];
	_ =	sdelay $0x4  }
0x1c4: {  	v2 =	vnsel vm1, $0xFFFFFFFF, v1;
	v3 =	vnsel vm2, $0xFFFFFFFF, v1;
	v4 =	vnsel vm3, $0xFFFFFFFF, v1  }
0x1c5: {  	v1 =	vnsel vm0, $0xFFFFFFFF, v1;
	[tilespmem:s29+$0x0] =	vst v2  }
0x1c6: {  	[tilespmem:s26+$0x0] =	vst v3  }
0x1c7: {  	[tilespmem:s25+$0x0] =	vst v4  }
0x1c8: {  	[tilespmem:s28+$0x0] =	vst v1  }
0x1c9: {  	v1 =	vld [tilespmem:s20+$0x70];
	_ =	sdelay $0x4  }
0x1ca: {  	v2 =	vnsel vm1, $0xFFFFFFFF, v1;
	v3 =	vnsel vm2, $0xFFFFFFFF, v1;
	v4 =	vnsel vm3, $0xFFFFFFFF, v1  }
0x1cb: {  	v1 =	vnsel vm0, $0xFFFFFFFF, v1;
	[tilespmem:s29+$0x10] =	vst v2  }
0x1cc: {  	[tilespmem:s26+$0x10] =	vst v3  }
0x1cd: {  	[tilespmem:s25+$0x10] =	vst v4  }
0x1ce: {  	[tilespmem:s28+$0x10] =	vst v1  }
0x1cf: {  	v1 =	vld [tilespmem:s20+$0x400];
	_ =	sdelay $0x4  }
0x1d0: {  	s5 =	sand.u32 $0x3FF8, s24;
	v2 =	vnsel vm1, $0xFFFFFFFF, v1;
	v3 =	vnsel vm2, $0xFFFFFFFF, v1;
	v4 =	vnsel vm3, $0xFFFFFFFF, v1  }
0x1d1: {  	v1 =	vnsel vm0, $0xFFFFFFFF, v1;
	[tilespmem:s5+$0x4280] =	vst v2  }
0x1d2: {  	[tilespmem:s5+$0xA680] =	vst v4  }
0x1d3: {  	[tilespmem:s5+$0xD880] =	vst v1  }
0x1d4: {  	[tilespmem:s5+$0x7480] =	vst v3  }
0x1d5: {  	v1 =	vld [tilespmem:s20+$0x410];
	_ =	sdelay $0x4  }
0x1d6: {  	v2 =	vnsel vm1, $0xFFFFFFFF, v1;
	v3 =	vnsel vm2, $0xFFFFFFFF, v1;
	v4 =	vnsel vm3, $0xFFFFFFFF, v1  }
0x1d7: {  	[tilespmem:s29+$0x30] =	vst v2  }
0x1d8: {  	v1 =	vnsel vm0, $0xFFFFFFFF, v1;
	[tilespmem:s26+$0x30] =	vst v3  }
0x1d9: {  	[tilespmem:s25+$0x30] =	vst v4  }
0x1da: {  	[tilespmem:s28+$0x30] =	vst v1  }
0x1db: {  	v1 =	vld [tilespmem:s20+$0x420];
	_ =	sdelay $0x4  }
0x1dc: {  	v2 =	vnsel vm1, $0xFFFFFFFF, v1;
	v3 =	vnsel vm2, $0xFFFFFFFF, v1;
	v4 =	vnsel vm3, $0xFFFFFFFF, v1  }
0x1dd: {  	[tilespmem:s29+$0x40] =	vst v2  }
0x1de: {  	v1 =	vnsel vm0, $0xFFFFFFFF, v1;
	[tilespmem:s26+$0x40] =	vst v3  }
0x1df: {  	[tilespmem:s25+$0x40] =	vst v4  }
0x1e0: {  	[tilespmem:s28+$0x40] =	vst v1  }
0x1e1: {  	v1 =	vld [tilespmem:s20+$0x430];
	_ =	sdelay $0x4  }
0x1e2: {  	v2 =	vnsel vm1, $0xFFFFFFFF, v1;
	v3 =	vnsel vm2, $0xFFFFFFFF, v1;
	v4 =	vnsel vm3, $0xFFFFFFFF, v1  }
0x1e3: {  	[tilespmem:s29+$0x50] =	vst v2  }
0x1e4: {  	v1 =	vnsel vm0, $0xFFFFFFFF, v1;
	[tilespmem:s26+$0x50] =	vst v3  }
0x1e5: {  	[tilespmem:s25+$0x50] =	vst v4  }
0x1e6: {  	[tilespmem:s28+$0x50] =	vst v1  }
0x1e7: {  	v2 =	vld [tilespmem:s20+$0x438]  }
.Ltmp2:
0x1e8: {  	(pc) =	sbr.rel @p0 .LBB2_6-.Ltmp2, $4  }
0x1e9: {  	v1 =	vmov s4  }
0x1ea: {  	v1 =	vadd.s32 $0x40, v1  }
0x1eb: {  	s3 =	sadd.s32 $0x80, s3;
	s26 =	sadd.s32 $0xC8, s26;
	s25 =	sadd.s32 $0xC8, s25;
	v1 =	vbroadcast v1, $0x0  }
0x1ec: {  	s29 =	sadd.s32 $0xC8, s29;
	s28 =	sadd.s32 $0xC8, s28;
	s20 =	smov.u32 s19;
	v5 =	vnsel vm1, $0xFFFFFFFF, v2;
	v4 =	vnsel vm2, $0xFFFFFFFF, v2;
	v3 =	vnsel vm3, $0xFFFFFFFF, v2  }
0x1ed: {  	[tilespmem:s1+$0x58] =	vst v5  }
0x1ee: {  	[tilespmem:s30+$0x58] =	vst v4  }
0x1ef: {  	s18 =	sadd.s32 $0x100, s18;
	v2 =	vnsel vm0, $0xFFFFFFFF, v2;
	[tilespmem:s31+$0x58] =	vst v3  }
0x1f0: {  	s20 =	sand.u32 $0x380, s3;
	s19 =	sand.u32 $0x3800, s18;
	[tilespmem:s0+$0x58] =	vst v2  }
0x1f1: {  	s0 =	sor.u32 s20, s19;
	v1 =	vld.idx.msk [tilespmem:v1+s17+$0x0], $0xffff  }
0x1f2: {  	v2 =	vld [tilespmem:s0+$0x0];
	_ =	sdelay $0x3  }
0x1f3: {  	vm15 =	veq.s32 v1, $0x0  }
0x1f4: {  	vm1 =	veq.s32 v1, $0x1;
	v3 =	vnsel vm15, $0xFFFFFFFF, v2  }
0x1f5: {  	vm2 =	veq.s32 v1, $0x2;
	[tilespmem:s29+$0xFFFFFFA0] =	vst v3;
	v3 =	vnsel vm1, $0xFFFFFFFF, v2  }
0x1f6: {  	vm3 =	veq.s32 v1, $0x3;
	v1 =	vnsel vm2, $0xFFFFFFFF, v2;
	[tilespmem:s26+$0xFFFFFFA0] =	vst v3  }
0x1f7: {  	[tilespmem:s25+$0xFFFFFFA0] =	vst v1;
	v1 =	vnsel vm3, $0xFFFFFFFF, v2  }
0x1f8: {  	[tilespmem:s28+$0xFFFFFFA0] =	vst v1  }
0x1f9: {  	v1 =	vld [tilespmem:s0+$0x10];
	_ =	sdelay $0x4  }
0x1fa: {  	v2 =	vnsel vm15, $0xFFFFFFFF, v1  }
0x1fb: {  	v3 =	vnsel vm1, $0xFFFFFFFF, v1;
	[tilespmem:s29+$0xFFFFFFB0] =	vst v2  }
0x1fc: {  	v2 =	vnsel vm2, $0xFFFFFFFF, v1;
	[tilespmem:s26+$0xFFFFFFB0] =	vst v3  }
0x1fd: {  	v1 =	vnsel vm3, $0xFFFFFFFF, v1;
	[tilespmem:s25+$0xFFFFFFB0] =	vst v2  }
0x1fe: {  	[tilespmem:s28+$0xFFFFFFB0] =	vst v1  }
0x1ff: {  	v1 =	vld [tilespmem:s0+$0x20];
	_ =	sdelay $0x4  }
0x200: {  	v2 =	vnsel vm15, $0xFFFFFFFF, v1  }
0x201: {  	v3 =	vnsel vm1, $0xFFFFFFFF, v1;
	[tilespmem:s29+$0xFFFFFFC0] =	vst v2  }
0x202: {  	v2 =	vnsel vm2, $0xFFFFFFFF, v1;
	[tilespmem:s26+$0xFFFFFFC0] =	vst v3  }
0x203: {  	v1 =	vnsel vm3, $0xFFFFFFFF, v1;
	[tilespmem:s25+$0xFFFFFFC0] =	vst v2  }
0x204: {  	[tilespmem:s28+$0xFFFFFFC0] =	vst v1  }
0x205: {  	v1 =	vld [tilespmem:s0+$0x30];
	_ =	sdelay $0x4  }
0x206: {  	v2 =	vnsel vm15, $0xFFFFFFFF, v1  }
0x207: {  	v3 =	vnsel vm1, $0xFFFFFFFF, v1;
	[tilespmem:s29+$0xFFFFFFD0] =	vst v2  }
0x208: {  	v2 =	vnsel vm2, $0xFFFFFFFF, v1;
	[tilespmem:s26+$0xFFFFFFD0] =	vst v3  }
0x209: {  	v1 =	vnsel vm3, $0xFFFFFFFF, v1;
	[tilespmem:s25+$0xFFFFFFD0] =	vst v2  }
0x20a: {  	[tilespmem:s28+$0xFFFFFFD0] =	vst v1  }
0x20b: {  	v1 =	vld [tilespmem:s0+$0x40];
	_ =	sdelay $0x4  }
0x20c: {  	v2 =	vnsel vm15, $0xFFFFFFFF, v1  }
0x20d: {  	v3 =	vnsel vm1, $0xFFFFFFFF, v1;
	[tilespmem:s29+$0xFFFFFFE0] =	vst v2  }
0x20e: {  	v2 =	vnsel vm2, $0xFFFFFFFF, v1;
	[tilespmem:s26+$0xFFFFFFE0] =	vst v3  }
0x20f: {  	v1 =	vnsel vm3, $0xFFFFFFFF, v1;
	[tilespmem:s25+$0xFFFFFFE0] =	vst v2  }
0x210: {  	[tilespmem:s28+$0xFFFFFFE0] =	vst v1  }
0x211: {  	v1 =	vld [tilespmem:s0+$0x50];
	_ =	sdelay $0x4  }
0x212: {  	v2 =	vnsel vm15, $0xFFFFFFFF, v1  }
0x213: {  	v3 =	vnsel vm1, $0xFFFFFFFF, v1;
	[tilespmem:s29+$0xFFFFFFF0] =	vst v2  }
0x214: {  	v2 =	vnsel vm2, $0xFFFFFFFF, v1;
	[tilespmem:s26+$0xFFFFFFF0] =	vst v3  }
0x215: {  	v1 =	vnsel vm3, $0xFFFFFFFF, v1;
	[tilespmem:s25+$0xFFFFFFF0] =	vst v2  }
0x216: {  	[tilespmem:s28+$0xFFFFFFF0] =	vst v1  }
0x217: {  	v1 =	vld [tilespmem:s0+$0x60];
	_ =	sdelay $0x4  }
0x218: {  	v2 =	vnsel vm15, $0xFFFFFFFF, v1  }
0x219: {  	v3 =	vnsel vm1, $0xFFFFFFFF, v1;
	[tilespmem:s29+$0x0] =	vst v2  }
0x21a: {  	v2 =	vnsel vm2, $0xFFFFFFFF, v1;
	[tilespmem:s26+$0x0] =	vst v3  }
0x21b: {  	v1 =	vnsel vm3, $0xFFFFFFFF, v1;
	[tilespmem:s25+$0x0] =	vst v2  }
0x21c: {  	[tilespmem:s28+$0x0] =	vst v1  }
0x21d: {  	v1 =	vld [tilespmem:s0+$0x70];
	_ =	sdelay $0x4  }
0x21e: {  	v2 =	vnsel vm15, $0xFFFFFFFF, v1  }
0x21f: {  	v3 =	vnsel vm1, $0xFFFFFFFF, v1;
	[tilespmem:s29+$0x10] =	vst v2  }
0x220: {  	v2 =	vnsel vm2, $0xFFFFFFFF, v1;
	[tilespmem:s26+$0x10] =	vst v3  }
0x221: {  	v1 =	vnsel vm3, $0xFFFFFFFF, v1;
	[tilespmem:s25+$0x10] =	vst v2  }
0x222: {  	[tilespmem:s28+$0x10] =	vst v1  }
0x223: {  	v1 =	vld [tilespmem:s0+$0x400];
	_ =	sdelay $0x3  }
0x224: {  	s24 =	sadd.s32 $0xC8, s24  }
0x225: {  	s1 =	sand.u32 $0x3FF8, s24;
	v2 =	vnsel vm15, $0xFFFFFFFF, v1  }
0x226: {  	v3 =	vnsel vm2, $0xFFFFFFFF, v1;
	[tilespmem:s1+$0x4280] =	vst v2  }
0x227: {  	v2 =	vnsel vm3, $0xFFFFFFFF, v1;
	[tilespmem:s1+$0xA680] =	vst v3  }
0x228: {  	v1 =	vnsel vm1, $0xFFFFFFFF, v1;
	[tilespmem:s1+$0xD880] =	vst v2  }
0x229: {  	[tilespmem:s1+$0x7480] =	vst v1  }
0x22a: {  	v1 =	vld [tilespmem:s0+$0x410];
	_ =	sdelay $0x4  }
0x22b: {  	v2 =	vnsel vm15, $0xFFFFFFFF, v1  }
0x22c: {  	v3 =	vnsel vm1, $0xFFFFFFFF, v1;
	[tilespmem:s29+$0x30] =	vst v2  }
0x22d: {  	v2 =	vnsel vm2, $0xFFFFFFFF, v1;
	[tilespmem:s26+$0x30] =	vst v3  }
0x22e: {  	v1 =	vnsel vm3, $0xFFFFFFFF, v1;
	[tilespmem:s25+$0x30] =	vst v2  }
0x22f: {  	[tilespmem:s28+$0x30] =	vst v1  }
0x230: {  	v1 =	vld [tilespmem:s0+$0x420];
	_ =	sdelay $0x4  }
0x231: {  	v2 =	vnsel vm15, $0xFFFFFFFF, v1  }
0x232: {  	v3 =	vnsel vm1, $0xFFFFFFFF, v1;
	[tilespmem:s29+$0x40] =	vst v2  }
0x233: {  	v2 =	vnsel vm2, $0xFFFFFFFF, v1;
	[tilespmem:s26+$0x40] =	vst v3  }
0x234: {  	v1 =	vnsel vm3, $0xFFFFFFFF, v1;
	[tilespmem:s25+$0x40] =	vst v2  }
0x235: {  	[tilespmem:s28+$0x40] =	vst v1  }
0x236: {  	v1 =	vld [tilespmem:s0+$0x430];
	_ =	sdelay $0x4  }
0x237: {  	v2 =	vnsel vm15, $0xFFFFFFFF, v1  }
0x238: {  	v3 =	vnsel vm1, $0xFFFFFFFF, v1;
	[tilespmem:s29+$0x50] =	vst v2  }
0x239: {  	v2 =	vnsel vm2, $0xFFFFFFFF, v1;
	[tilespmem:s26+$0x50] =	vst v3  }
0x23a: {  	v1 =	vnsel vm3, $0xFFFFFFFF, v1;
	[tilespmem:s25+$0x50] =	vst v2  }
0x23b: {  	[tilespmem:s28+$0x50] =	vst v1  }
0x23c: {  	v1 =	vld [tilespmem:s0+$0x438];
	_ =	sdelay $0x4  }
0x23d: {  	v2 =	vnsel vm15, $0xFFFFFFFF, v1  }
0x23e: {  	v3 =	vnsel vm1, $0xFFFFFFFF, v1;
	[tilespmem:s29+$0x58] =	vst v2  }
0x23f: {  	v2 =	vnsel vm2, $0xFFFFFFFF, v1;
	[tilespmem:s26+$0x58] =	vst v3  }
0x240: {  	v1 =	vnsel vm3, $0xFFFFFFFF, v1;
	[tilespmem:s25+$0x58] =	vst v2  }
0x241: {  	s29 =	simm.s32 $0x4200;
	[tilespmem:s28+$0x58] =	vst v1  }
0x242: {  	[hbm4b:s10+s2] =	stream.linear.scatter [tilespmem:s29], [sflag:$0x1], $0x3200, $0x38;
	[tilespmem:$0x10A00] =	vst v63  }
0x243: {  	s30 =	simm.s32 $0x7400  }
0x244: {  	[hbm4b:s11+s2] =	stream.linear.scatter [tilespmem:s30], [sflag:$0x1], $0x3200, $0x38;
	[tilespmem:$0x10A00] =	vst v63  }
0x245: {  	s31 =	simm.s32 $0xA600  }
0x246: {  	[hbm4b:s12+s2] =	stream.linear.scatter [tilespmem:s31], [sflag:$0x1], $0x3200, $0x38;
	[tilespmem:$0x10A00] =	vst v63  }
0x247: {  	_ = 	snop  }
0x248: {  	[hbm4b:s13+s2] =	stream.linear.scatter [tilespmem:s21], [sflag:$0x1], $0x3200, $0x38;
	[tilespmem:$0x10A00] =	vst v63  }
0x249: {  	_ =	swait.ge [sflag:s22], $0x3200  }
0x24a: {  	[sflag:s22] =	ssyncset.done $0x0  }
0x24b: {  	[sflag:s22] =	ssyncadd.s32 $0xFFFFCE00  }
0x24c: {  	_ =	swait.ge [sflag:s22], $0x3200  }
0x24d: {  	[sflag:s22] =	ssyncset.done $0x0  }
0x24e: {  	s23 =	sadd.s32 $0x1, s23;
	[sflag:s22] =	ssyncadd.s32 $0xFFFFCE00  }
0x24f: {  	p0 =	sne.s32 s23, s14;
	_ =	swait.ge [sflag:s22], $0x3200  }
.Ltmp3:
0x250: {  	[sflag:s22] =	ssyncset.done $0x0;
	(pc) =	sbr.rel @p0 .LBB2_1-.Ltmp3, $4  }
0x251: {  	[sflag:s22] =	ssyncadd.s32 $0xFFFFCE00  }
0x252: {  	_ =	swait.ge [sflag:s22], $0x3200  }
0x253: {  	[sflag:s22] =	ssyncset.done $0x0  }
0x254: {  	[sflag:s22] =	ssyncadd.s32 $0xFFFFCE00  }
0x255: {  	_ =	sfence.sel $0x180000  }
0x256: {  	[bflag:$0x0] =	sbarrier.arrive $0xFFFF  }
0x257: {  	_ =	strace $0x90000047  }
0x258: {  	s0 =	stileid.u32;
	[bflag:$0x2] =	sbarrier.arrive $0xFFFF  }
0x259: {  	p0 =	sne.s32 s0, $0x0;
	s0 =	rddreg [dreg:$0x3]  }
0x25a: {  	s0 =	sadd.s32 @!p0 $0x100000, s0  }
0x25b: {  	[sflag:s0] =	ssyncadd.tile.s32 @!p0 $0x1;
	_ =	shalt  }
.Lfunc_end2:
_tile_overlayer_lowered:
.L_overlay_start_2:
0x25c: {  	(tag) =	ssettag $0x2  }
0x25d: {  	s0 =	rddreg [dreg:$0x0];
	s2 =	stileid.u32  }
0x25e: {  	s1 =	rddreg [dreg:$0x1];
	p0 =	sne.s32 s2, $0x0  }
0x25f: {  	s3 =	rddreg [dreg:$0x2];
	[bflag:$0x3] =	sbarrier.arrive $0xFFFF;
	s2 =	simm.s32 @!p0 $0x1C02  }
0x260: {  	[timem:s3], [sflag:s2] =	dma.local @!p0 [hbm:s0], s1  }
0x261: {  	s0 =	simm.s32 @!p0 $0x2  }
0x262: {  	_ =	swait.ge @!p0 [sflag:s0], s1  }
0x263: {  	s1 =	ssub.s32 @!p0 $0x0, s1;
	[sflag:s0] =	ssyncset.done @!p0 $0x0  }
0x264: {  	[sflag:s0] =	ssyncadd.s32 @!p0 s1  }
0x265: {  	[bflag:$0x3] =	sbarrier.arrive $0xFFFF  }
0x266: {  	_ =	shalt  }

</sc_bundles>
